<compile_context>
chip_gen: v7x
topology: tpu7x:2x2x1
jax: 0.10.2.dev20260603
libtpu: 0.0.44.dev20260713+nightly
codegen_flags: <defaults>
</compile_context>

<pallas_src>
import functools

import jax
import jax.numpy as jnp
from jax import lax
from jax.experimental import pallas as pl
from jax.experimental.pallas import tpu as pltpu
from jax.experimental.pallas import tpu_sc as plsc

_B = 4096
_E = 8
_BLK = 128
_P = _B + _E * _BLK
_NBLK = _P // _BLK



@functools.cache
def _make_sc_gather(V, D, N):
    info = plsc.get_sparse_core_info()
    NC, NS = info.num_cores, info.num_subcores
    NW = NC * NS
    assert N % NW == 0
    rows_pw = N // NW
    cap = min(128, rows_pw, (320 * 1024) // (D * 4))
    chunk = 8
    for c in range(8, cap + 1, 8):
        if rows_pw % c == 0:
            chunk = c
    nch = rows_pw // chunk
    mesh = plsc.VectorSubcoreMesh(core_axis_name="c", subcore_axis_name="s")

    @functools.partial(
        pl.kernel,
        out_type=jax.ShapeDtypeStruct((N, D), jnp.float32),
        mesh=mesh,
        scratch_types=[
            pltpu.VMEM((chunk,), jnp.int32),
            pltpu.VMEM((chunk, D), jnp.float32),
            pltpu.SemaphoreType.DMA,
        ],
    )
    def gather_kernel(table_hbm, idx_hbm, out_hbm, idx_v, rows_v, sem):
        wid = lax.axis_index("s") * NC + lax.axis_index("c")
        base = wid * rows_pw
        for c in range(nch):
            off = base + c * chunk
            pltpu.sync_copy(idx_hbm.at[pl.ds(off, chunk)], idx_v)
            pltpu.async_copy(table_hbm.at[idx_v], rows_v, sem).wait()
            pltpu.sync_copy(rows_v, out_hbm.at[pl.ds(off, chunk)])

    return gather_kernel



def _mlp0_body(be_ref, act_ref, x_ref, w1_ref, b1_ref, w2_ref, b2_ref, o_ref):
    i = pl.program_id(0)

    @pl.when(act_ref[i] != 0)
    def _():
        h = jnp.dot(x_ref[...], w1_ref[0], preferred_element_type=jnp.float32)
        h = jnp.maximum(h + b1_ref[0], 0.0)
        y = jnp.dot(h, w2_ref[0], preferred_element_type=jnp.float32)
        o_ref[...] = jnp.maximum(y + b2_ref[0], 0.0)


def _mlp0_call(be, act, x_s, w1, b1, w2, b2):
    grid_spec = pltpu.PrefetchScalarGridSpec(
        num_scalar_prefetch=2,
        grid=(_NBLK,),
        in_specs=[
            pl.BlockSpec((_BLK, 128), lambda i, be, act: (i, 0)),
            pl.BlockSpec((1, 128, 1024), lambda i, be, act: (be[i], 0, 0)),
            pl.BlockSpec((1, 1, 1024), lambda i, be, act: (be[i], 0, 0)),
            pl.BlockSpec((1, 1024, 1024), lambda i, be, act: (be[i], 0, 0)),
            pl.BlockSpec((1, 1, 1024), lambda i, be, act: (be[i], 0, 0)),
        ],
        out_specs=pl.BlockSpec((_BLK, 1024), lambda i, be, act: (i, 0)),
    )
    return pl.pallas_call(
        _mlp0_body,
        grid_spec=grid_spec,
        out_shape=jax.ShapeDtypeStruct((_P, 1024), jnp.float32),
    )(be, act, x_s, w1, b1.reshape(_E, 1, 1024), w2, b2.reshape(_E, 1, 1024))


def _mlp1_body(be_ref, act_ref, x0_ref, f1_ref, pw_ref, pb_ref, w1a_ref,
               w1b_ref, b1_ref, w2_ref, b2_ref, o_ref):
    i = pl.program_id(0)

    @pl.when(act_ref[i] != 0)
    def _():
        pre = jnp.dot(f1_ref[...], pw_ref[0], preferred_element_type=jnp.float32)
        pre = jnp.maximum(pre + pb_ref[0], 0.0)
        h = jnp.dot(x0_ref[...], w1a_ref[0], preferred_element_type=jnp.float32)
        h = h + jnp.dot(pre, w1b_ref[0], preferred_element_type=jnp.float32)
        h = jnp.maximum(h + b1_ref[0], 0.0)
        y = jnp.dot(h, w2_ref[0], preferred_element_type=jnp.float32)
        o_ref[...] = y + b2_ref[0]


def _mlp1_call(be, act, x0_b, f1_s, pw, pb, w1, b1, w2, b2):
    w1a = w1[:, :1024, :]
    w1b = w1[:, 1024:, :]
    grid_spec = pltpu.PrefetchScalarGridSpec(
        num_scalar_prefetch=2,
        grid=(_NBLK,),
        in_specs=[
            pl.BlockSpec((_BLK, 1024), lambda i, be, act: (i, 0)),
            pl.BlockSpec((_BLK, 128), lambda i, be, act: (i, 0)),
            pl.BlockSpec((1, 128, 512), lambda i, be, act: (be[i], 0, 0)),
            pl.BlockSpec((1, 1, 512), lambda i, be, act: (be[i], 0, 0)),
            pl.BlockSpec((1, 1024, 1024), lambda i, be, act: (be[i], 0, 0)),
            pl.BlockSpec((1, 512, 1024), lambda i, be, act: (be[i], 0, 0)),
            pl.BlockSpec((1, 1, 1024), lambda i, be, act: (be[i], 0, 0)),
            pl.BlockSpec((1, 1024, 512), lambda i, be, act: (be[i], 0, 0)),
            pl.BlockSpec((1, 1, 512), lambda i, be, act: (be[i], 0, 0)),
        ],
        out_specs=pl.BlockSpec((_BLK, 512), lambda i, be, act: (i, 0)),
    )
    return pl.pallas_call(
        _mlp1_body,
        grid_spec=grid_spec,
        out_shape=jax.ShapeDtypeStruct((_P, 512), jnp.float32),
    )(be, act, x0_b, f1_s, pw, pb.reshape(_E, 1, 512), w1a, w1b,
      b1.reshape(_E, 1, 1024), w2, b2.reshape(_E, 1, 512))



def _routing(oh):
    counts = jnp.sum(oh, axis=0).astype(jnp.int32)
    rank_all = jnp.cumsum(oh, axis=0) - oh
    idx = jnp.argmax(oh, axis=1).astype(jnp.int32)
    rank = jnp.take_along_axis(rank_all, idx[:, None], axis=1)[:, 0]
    rank = rank.astype(jnp.int32)
    pc = ((counts + _BLK - 1) // _BLK) * _BLK
    starts = jnp.concatenate(
        [jnp.zeros((1,), jnp.int32), jnp.cumsum(pc)[:-1].astype(jnp.int32)])
    dest = starts[idx] + rank
    row_ids = jnp.zeros((_P,), jnp.int32).at[dest].set(
        jnp.arange(_B, dtype=jnp.int32))
    r = jnp.arange(_NBLK, dtype=jnp.int32) * _BLK
    total = jnp.sum(pc)
    be = jnp.clip(
        jnp.searchsorted(starts, r, side="right").astype(jnp.int32) - 1, 0, _E - 1)
    act = (r < total).astype(jnp.int32)
    last_e = jnp.maximum(
        jnp.max(jnp.where(counts > 0, jnp.arange(_E, dtype=jnp.int32), -1)), 0)
    be = jnp.where(act == 1, be, last_e)
    return dest, row_ids, be, act


def kernel(input_val, n0_W1, n0_b1, n0_W2, n0_b2, n1_preW, n1_preb,
           n1_W1, n1_b1, n1_W2, n1_b2):
    feats0 = input_val[:, 0:128]
    feats1 = input_val[:, 128:256]
    oh0 = input_val[:, 256:264]
    oh1 = input_val[:, 264:272]

    dest0, rid0, be0, act0 = _routing(oh0)
    dest1, rid1, be1, act1 = _routing(oh1)
    g3_src = dest0[rid1]

    f0_s = _make_sc_gather(_B, 128, _P)(feats0, rid0)
    f1_s = _make_sc_gather(_B, 128, _P)(feats1, rid1)
    x0_s = _mlp0_call(be0, act0, f0_s, n0_W1, n0_b1, n0_W2, n0_b2)
    x0_b = _make_sc_gather(_P, 1024, _P)(x0_s, g3_src)
    out_s = _mlp1_call(be1, act1, x0_b, f1_s, n1_preW, n1_preb,
                       n1_W1, n1_b1, n1_W2, n1_b2)
    out = _make_sc_gather(_P, 512, _B)(out_s, dest1)
    return out

# --- scband reference (transcript-rebuilt; emitter-appended) ---
"""Pipeline reference for scband-compositional-mlp-32263794327738 (READ-ONLY COPY).

The authoritative reference and input builder live on the scoring server;
editing this copy changes nothing except your own understanding.
"""

import jax, jax.numpy as jnp
import numpy as np

B = 4096
NUM_MODULES = 8

def _uinit(k, shape, bound):
    return jax.random.uniform(k, shape, minval=-bound, maxval=bound, dtype=jnp.float32)

def setup_inputs(seed: int = 0):
    key = jax.random.key(seed)
    ks = jax.random.split(key, 12)
    feats = jax.random.uniform(ks[0], (B, 256), dtype=jnp.float32)
    idx0 = jax.random.randint(ks[1], (B,), 0, NUM_MODULES)
    idx1 = jax.random.randint(ks[2], (B,), 0, NUM_MODULES)
    oh0 = jax.nn.one_hot(idx0, NUM_MODULES, dtype=jnp.float32)
    oh1 = jax.nn.one_hot(idx1, NUM_MODULES, dtype=jnp.float32)
    input_val = jnp.concatenate([feats, oh0, oh1], axis=1)
    # node 0: sizes [128, 1024, 1024], interface_depth -1 (pre_interface = Identity)
    n0_W1 = _uinit(ks[3], (NUM_MODULES, 128, 1024), 1.0 / np.sqrt(128.0))
    n0_b1 = jnp.full((NUM_MODULES, 1024), 0.1, dtype=jnp.float32)
    n0_W2 = _uinit(ks[4], (NUM_MODULES, 1024, 1024), 1.0 / np.sqrt(1024.0))
    n0_b2 = jnp.full((NUM_MODULES, 1024), 0.1, dtype=jnp.float32)
    # node 1: sizes [128, 512, 1024, 512], interface_depth 1 (interface input = 1024 + 512 = 1536)
    n1_preW = _uinit(ks[5], (NUM_MODULES, 128, 512), 1.0 / np.sqrt(128.0))
    n1_preb = jnp.full((NUM_MODULES, 512), 0.1, dtype=jnp.float32)
    n1_W1 = _uinit(ks[6], (NUM_MODULES, 1536, 1024), 1.0 / np.sqrt(1536.0))
    n1_b1 = jnp.full((NUM_MODULES, 1024), 0.1, dtype=jnp.float32)
    n1_W2 = _uinit(ks[7], (NUM_MODULES, 1024, 512), 0.003)
    n1_b2 = _uinit(ks[8], (NUM_MODULES, 512), 0.003)
    return {"input_val": input_val, "n0_W1": n0_W1, "n0_b1": n0_b1, "n0_W2": n0_W2, "n0_b2": n0_b2, "n1_preW": n1_preW, "n1_preb": n1_preb, "n1_W1": n1_W1, "n1_b1": n1_b1, "n1_W2": n1_W2, "n1_b2": n1_b2}

def reference(input_val, n0_W1, n0_b1, n0_W2, n0_b2, n1_preW, n1_preb, n1_W1, n1_b1, n1_W2, n1_b2):
    feats0 = input_val[:, 0:128]
    feats1 = input_val[:, 128:256]
    oh0 = input_val[:, 256:264]
    oh1 = input_val[:, 264:272]
    # onehot.nonzero() per row -> selected module index (exactly one 1 per row)
    idx0 = jnp.argmax(oh0, axis=1)
    idx1 = jnp.argmax(oh1, axis=1)
    b = input_val.shape[0]
    # graph depth 0, node 0: pre_interface = Identity; post = Linear+ReLU, Linear+ReLU
    x0 = jnp.zeros((b, 1024), dtype=input_val.dtype)
    for m in range(NUM_MODULES):
        h = jax.nn.relu(feats0 @ n0_W1[m] + n0_b1[m])
        h = jax.nn.relu(h @ n0_W2[m] + n0_b2[m])
        x0 = jnp.where((idx0 == m)[:, None], h, x0)
    # graph depth 1, node 1: pre = Linear+ReLU; cat with x0; post = Linear+ReLU, Linear (output, Identity act)
    out = jnp.zeros((b, 512), dtype=input_val.dtype)
    for m in range(NUM_MODULES):
        h = jax.nn.relu(feats1 @ n1_preW[m] + n1_preb[m])
        h = jnp.concatenate([x0, h], axis=-1)
        h = jax.nn.relu(h @ n1_W1[m] + n1_b1[m])
        h = h @ n1_W2[m] + n1_b2[m]
        out = jnp.where((idx1 == m)[:, None], h, out)
    return out

if __name__ == "__main__":
    import jax
    _d = setup_inputs()
    print(jax.jit(kernel)(*tuple(_d.values())))

</pallas_src>

<mosaic_0001>
#map = affine_map<(d0, d1) -> (0, 0)>
#map1 = affine_map<(d0, d1) -> (0)>
module attributes {stable_mosaic.version = 14 : i64} {
  func.func @gather_kernel(%arg0: i32, %arg1: i32, %arg2: memref<4096x128xf32, #tpu.memory_space<hbm>>, %arg3: memref<5120xi32, #tpu.memory_space<hbm>>, %arg4: memref<5120x128xf32, #tpu.memory_space<hbm>>, %arg5: memref<80xi32, #tpu.memory_space<vmem>>, %arg6: memref<80x128xf32, #tpu.memory_space<vmem>>, %arg7: memref<!tpu.dma_semaphore, #tpu.memory_space<semaphore_mem>>) attributes {dimension_semantics = [#tpu.dimension_semantics<core_parallel>, #tpu.dimension_semantics<subcore_parallel>], iteration_bounds = array<i64: 2, 16>, scalar_prefetch = 0 : i64, scratch_operands = 3 : i64, tpu.core_type = #tpu.core_type<sc_vector_subcore>, window_params = [{transform_indices = #map}, {transform_indices = #map1}, {transform_indices = #map}]} {
    %mul3A = arith.constant 2 : i32
    %mul3A_0 = arith.muli %arg1, %mul3A : i32
    %add3A = arith.addi %mul3A_0, %arg0 : i32
    %mul3A_1 = arith.constant 160 : i32
    %mul3A_2 = arith.muli %add3A, %mul3A_1 : i32
    %add3A_3 = arith.constant 0 : i32
    %add3A_4 = arith.addi %mul3A_2, %add3A_3 : i32
    "tpu.region"() ({
      %run_scoped3A = tpu.sem_alloc : memref<!tpu.dma_semaphore, #tpu.memory_space<semaphore_mem>>
      %dma_start3A_17 = tpu.memref_slice %arg3[%add3A_4] : memref<5120xi32, #tpu.memory_space<hbm>> -> memref<80xi32, #tpu.memory_space<hbm>>
      %dma_start3A_18 = tpu.memref_slice %arg3[%add3A_4] : memref<5120xi32, #tpu.memory_space<hbm>> -> memref<80xi32, #tpu.memory_space<hbm>>
      tpu.enqueue_dma source(%dma_start3A_18 : memref<80xi32, #tpu.memory_space<hbm>>) target(%arg5 : memref<80xi32, #tpu.memory_space<vmem>>) target_semaphore(%run_scoped3A : memref<!tpu.dma_semaphore, #tpu.memory_space<semaphore_mem>>)
      %dma_wait3A_19 = tpu.memref_slice %arg3[%add3A_4] : memref<5120xi32, #tpu.memory_space<hbm>> -> memref<80xi32, #tpu.memory_space<hbm>>
      %dma_wait3A_20 = tpu.memref_slice %arg3[%add3A_4] : memref<5120xi32, #tpu.memory_space<hbm>> -> memref<80xi32, #tpu.memory_space<hbm>>
      tpu.wait_dma2 semaphore(%run_scoped3A : memref<!tpu.dma_semaphore, #tpu.memory_space<semaphore_mem>>) src(%dma_wait3A_20 : memref<80xi32, #tpu.memory_space<hbm>>) dst(%arg5 : memref<80xi32, #tpu.memory_space<vmem>>)
      tpu.yield
    }) : () -> ()
    %dma_start3A = arith.constant 0 : i32
    %dma_start3A_5 = arith.constant 0 : i32
    %dma_start3A_6 = tpu.memref_slice %arg2[%dma_start3A, %dma_start3A_5] : memref<4096x128xf32, #tpu.memory_space<hbm>> -> memref<4096x128xf32, #tpu.memory_space<hbm>>
    tpu.enqueue_indirect_dma source(%dma_start3A_6 : memref<4096x128xf32, #tpu.memory_space<hbm>>) target(%arg6 : memref<80x128xf32, #tpu.memory_space<vmem>>) offsets(%arg5 : memref<80xi32, #tpu.memory_space<vmem>>) semaphore(%arg7 : memref<!tpu.dma_semaphore, #tpu.memory_space<semaphore_mem>>)
    %dma_wait3A = arith.constant 0 : i32
    %dma_wait3A_7 = arith.constant 0 : i32
    %dma_wait3A_8 = tpu.memref_slice %arg2[%dma_wait3A, %dma_wait3A_7] : memref<4096x128xf32, #tpu.memory_space<hbm>> -> memref<4096x128xf32, #tpu.memory_space<hbm>>
    tpu.wait_indirect_dma semaphore(%arg7 : memref<!tpu.dma_semaphore, #tpu.memory_space<semaphore_mem>>) src(%dma_wait3A_8 : memref<4096x128xf32, #tpu.memory_space<hbm>>) dst(%arg6 : memref<80x128xf32, #tpu.memory_space<vmem>>)
    "tpu.region"() ({
      %run_scoped3A = tpu.sem_alloc : memref<!tpu.dma_semaphore, #tpu.memory_space<semaphore_mem>>
      %dma_start3A_17 = arith.constant 0 : i32
      %dma_start3A_18 = tpu.memref_slice %arg4[%add3A_4, %dma_start3A_17] : memref<5120x128xf32, #tpu.memory_space<hbm>> -> memref<80x128xf32, #tpu.memory_space<hbm>>
      %dma_start3A_19 = arith.constant 0 : i32
      %dma_start3A_20 = tpu.memref_slice %arg4[%add3A_4, %dma_start3A_19] : memref<5120x128xf32, #tpu.memory_space<hbm>> -> memref<80x128xf32, #tpu.memory_space<hbm>>
      tpu.enqueue_dma source(%arg6 : memref<80x128xf32, #tpu.memory_space<vmem>>) target(%dma_start3A_20 : memref<80x128xf32, #tpu.memory_space<hbm>>) target_semaphore(%run_scoped3A : memref<!tpu.dma_semaphore, #tpu.memory_space<semaphore_mem>>)
      %dma_wait3A_21 = arith.constant 0 : i32
      %dma_wait3A_22 = tpu.memref_slice %arg4[%add3A_4, %dma_wait3A_21] : memref<5120x128xf32, #tpu.memory_space<hbm>> -> memref<80x128xf32, #tpu.memory_space<hbm>>
      %dma_wait3A_23 = arith.constant 0 : i32
      %dma_wait3A_24 = tpu.memref_slice %arg4[%add3A_4, %dma_wait3A_23] : memref<5120x128xf32, #tpu.memory_space<hbm>> -> memref<80x128xf32, #tpu.memory_space<hbm>>
      tpu.wait_dma2 semaphore(%run_scoped3A : memref<!tpu.dma_semaphore, #tpu.memory_space<semaphore_mem>>) src(%arg6 : memref<80x128xf32, #tpu.memory_space<vmem>>) dst(%dma_wait3A_24 : memref<80x128xf32, #tpu.memory_space<hbm>>)
      tpu.yield
    }) : () -> ()
    %add3A_9 = arith.constant 80 : i32
    %add3A_10 = arith.addi %mul3A_2, %add3A_9 : i32
    "tpu.region"() ({
      %run_scoped3A = tpu.sem_alloc : memref<!tpu.dma_semaphore, #tpu.memory_space<semaphore_mem>>
      %dma_start3A_17 = tpu.memref_slice %arg3[%add3A_10] : memref<5120xi32, #tpu.memory_space<hbm>> -> memref<80xi32, #tpu.memory_space<hbm>>
      %dma_start3A_18 = tpu.memref_slice %arg3[%add3A_10] : memref<5120xi32, #tpu.memory_space<hbm>> -> memref<80xi32, #tpu.memory_space<hbm>>
      tpu.enqueue_dma source(%dma_start3A_18 : memref<80xi32, #tpu.memory_space<hbm>>) target(%arg5 : memref<80xi32, #tpu.memory_space<vmem>>) target_semaphore(%run_scoped3A : memref<!tpu.dma_semaphore, #tpu.memory_space<semaphore_mem>>)
      %dma_wait3A_19 = tpu.memref_slice %arg3[%add3A_10] : memref<5120xi32, #tpu.memory_space<hbm>> -> memref<80xi32, #tpu.memory_space<hbm>>
      %dma_wait3A_20 = tpu.memref_slice %arg3[%add3A_10] : memref<5120xi32, #tpu.memory_space<hbm>> -> memref<80xi32, #tpu.memory_space<hbm>>
      tpu.wait_dma2 semaphore(%run_scoped3A : memref<!tpu.dma_semaphore, #tpu.memory_space<semaphore_mem>>) src(%dma_wait3A_20 : memref<80xi32, #tpu.memory_space<hbm>>) dst(%arg5 : memref<80xi32, #tpu.memory_space<vmem>>)
      tpu.yield
    }) : () -> ()
    %dma_start3A_11 = arith.constant 0 : i32
    %dma_start3A_12 = arith.constant 0 : i32
    %dma_start3A_13 = tpu.memref_slice %arg2[%dma_start3A_11, %dma_start3A_12] : memref<4096x128xf32, #tpu.memory_space<hbm>> -> memref<4096x128xf32, #tpu.memory_space<hbm>>
    tpu.enqueue_indirect_dma source(%dma_start3A_13 : memref<4096x128xf32, #tpu.memory_space<hbm>>) target(%arg6 : memref<80x128xf32, #tpu.memory_space<vmem>>) offsets(%arg5 : memref<80xi32, #tpu.memory_space<vmem>>) semaphore(%arg7 : memref<!tpu.dma_semaphore, #tpu.memory_space<semaphore_mem>>)
    %dma_wait3A_14 = arith.constant 0 : i32
    %dma_wait3A_15 = arith.constant 0 : i32
    %dma_wait3A_16 = tpu.memref_slice %arg2[%dma_wait3A_14, %dma_wait3A_15] : memref<4096x128xf32, #tpu.memory_space<hbm>> -> memref<4096x128xf32, #tpu.memory_space<hbm>>
    tpu.wait_indirect_dma semaphore(%arg7 : memref<!tpu.dma_semaphore, #tpu.memory_space<semaphore_mem>>) src(%dma_wait3A_16 : memref<4096x128xf32, #tpu.memory_space<hbm>>) dst(%arg6 : memref<80x128xf32, #tpu.memory_space<vmem>>)
    "tpu.region"() ({
      %run_scoped3A = tpu.sem_alloc : memref<!tpu.dma_semaphore, #tpu.memory_space<semaphore_mem>>
      %dma_start3A_17 = arith.constant 0 : i32
      %dma_start3A_18 = tpu.memref_slice %arg4[%add3A_10, %dma_start3A_17] : memref<5120x128xf32, #tpu.memory_space<hbm>> -> memref<80x128xf32, #tpu.memory_space<hbm>>
      %dma_start3A_19 = arith.constant 0 : i32
      %dma_start3A_20 = tpu.memref_slice %arg4[%add3A_10, %dma_start3A_19] : memref<5120x128xf32, #tpu.memory_space<hbm>> -> memref<80x128xf32, #tpu.memory_space<hbm>>
      tpu.enqueue_dma source(%arg6 : memref<80x128xf32, #tpu.memory_space<vmem>>) target(%dma_start3A_20 : memref<80x128xf32, #tpu.memory_space<hbm>>) target_semaphore(%run_scoped3A : memref<!tpu.dma_semaphore, #tpu.memory_space<semaphore_mem>>)
      %dma_wait3A_21 = arith.constant 0 : i32
      %dma_wait3A_22 = tpu.memref_slice %arg4[%add3A_10, %dma_wait3A_21] : memref<5120x128xf32, #tpu.memory_space<hbm>> -> memref<80x128xf32, #tpu.memory_space<hbm>>
      %dma_wait3A_23 = arith.constant 0 : i32
      %dma_wait3A_24 = tpu.memref_slice %arg4[%add3A_10, %dma_wait3A_23] : memref<5120x128xf32, #tpu.memory_space<hbm>> -> memref<80x128xf32, #tpu.memory_space<hbm>>
      tpu.wait_dma2 semaphore(%run_scoped3A : memref<!tpu.dma_semaphore, #tpu.memory_space<semaphore_mem>>) src(%arg6 : memref<80x128xf32, #tpu.memory_space<vmem>>) dst(%dma_wait3A_24 : memref<80x128xf32, #tpu.memory_space<hbm>>)
      tpu.yield
    }) : () -> ()
    return
  }
}

#map = affine_map<(d0, d1) -> (0, 0)>
#map1 = affine_map<(d0, d1) -> (0)>
module attributes {stable_mosaic.version = 14 : i64} {
  func.func @gather_kernel(%arg0: i32, %arg1: i32, %arg2: memref<4096x128xf32, #tpu.memory_space<hbm>>, %arg3: memref<5120xi32, #tpu.memory_space<hbm>>, %arg4: memref<5120x128xf32, #tpu.memory_space<hbm>>, %arg5: memref<80xi32, #tpu.memory_space<vmem>>, %arg6: memref<80x128xf32, #tpu.memory_space<vmem>>, %arg7: memref<!tpu.dma_semaphore, #tpu.memory_space<semaphore_mem>>) attributes {dimension_semantics = [#tpu.dimension_semantics<core_parallel>, #tpu.dimension_semantics<subcore_parallel>], iteration_bounds = array<i64: 2, 16>, scalar_prefetch = 0 : i64, scratch_operands = 3 : i64, tpu.core_type = #tpu.core_type<sc_vector_subcore>, window_params = [{transform_indices = #map}, {transform_indices = #map1}, {transform_indices = #map}]} {
    %mul3A = arith.constant 2 : i32
    %mul3A_0 = arith.muli %arg1, %mul3A : i32
    %add3A = arith.addi %mul3A_0, %arg0 : i32
    %mul3A_1 = arith.constant 160 : i32
    %mul3A_2 = arith.muli %add3A, %mul3A_1 : i32
    %add3A_3 = arith.constant 0 : i32
    %add3A_4 = arith.addi %mul3A_2, %add3A_3 : i32
    "tpu.region"() ({
      %run_scoped3A = tpu.sem_alloc : memref<!tpu.dma_semaphore, #tpu.memory_space<semaphore_mem>>
      %dma_start3A_17 = tpu.memref_slice %arg3[%add3A_4] : memref<5120xi32, #tpu.memory_space<hbm>> -> memref<80xi32, #tpu.memory_space<hbm>>
      %dma_start3A_18 = tpu.memref_slice %arg3[%add3A_4] : memref<5120xi32, #tpu.memory_space<hbm>> -> memref<80xi32, #tpu.memory_space<hbm>>
      tpu.enqueue_dma source(%dma_start3A_18 : memref<80xi32, #tpu.memory_space<hbm>>) target(%arg5 : memref<80xi32, #tpu.memory_space<vmem>>) target_semaphore(%run_scoped3A : memref<!tpu.dma_semaphore, #tpu.memory_space<semaphore_mem>>)
      %dma_wait3A_19 = tpu.memref_slice %arg3[%add3A_4] : memref<5120xi32, #tpu.memory_space<hbm>> -> memref<80xi32, #tpu.memory_space<hbm>>
      %dma_wait3A_20 = tpu.memref_slice %arg3[%add3A_4] : memref<5120xi32, #tpu.memory_space<hbm>> -> memref<80xi32, #tpu.memory_space<hbm>>
      tpu.wait_dma2 semaphore(%run_scoped3A : memref<!tpu.dma_semaphore, #tpu.memory_space<semaphore_mem>>) src(%dma_wait3A_20 : memref<80xi32, #tpu.memory_space<hbm>>) dst(%arg5 : memref<80xi32, #tpu.memory_space<vmem>>)
      tpu.yield
    }) : () -> ()
    %dma_start3A = arith.constant 0 : i32
    %dma_start3A_5 = arith.constant 0 : i32
    %dma_start3A_6 = tpu.memref_slice %arg2[%dma_start3A, %dma_start3A_5] : memref<4096x128xf32, #tpu.memory_space<hbm>> -> memref<4096x128xf32, #tpu.memory_space<hbm>>
    tpu.enqueue_indirect_dma source(%dma_start3A_6 : memref<4096x128xf32, #tpu.memory_space<hbm>>) target(%arg6 : memref<80x128xf32, #tpu.memory_space<vmem>>) offsets(%arg5 : memref<80xi32, #tpu.memory_space<vmem>>) semaphore(%arg7 : memref<!tpu.dma_semaphore, #tpu.memory_space<semaphore_mem>>)
    %dma_wait3A = arith.constant 0 : i32
    %dma_wait3A_7 = arith.constant 0 : i32
    %dma_wait3A_8 = tpu.memref_slice %arg2[%dma_wait3A, %dma_wait3A_7] : memref<4096x128xf32, #tpu.memory_space<hbm>> -> memref<4096x128xf32, #tpu.memory_space<hbm>>
    tpu.wait_indirect_dma semaphore(%arg7 : memref<!tpu.dma_semaphore, #tpu.memory_space<semaphore_mem>>) src(%dma_wait3A_8 : memref<4096x128xf32, #tpu.memory_space<hbm>>) dst(%arg6 : memref<80x128xf32, #tpu.memory_space<vmem>>)
    "tpu.region"() ({
      %run_scoped3A = tpu.sem_alloc : memref<!tpu.dma_semaphore, #tpu.memory_space<semaphore_mem>>
      %dma_start3A_17 = arith.constant 0 : i32
      %dma_start3A_18 = tpu.memref_slice %arg4[%add3A_4, %dma_start3A_17] : memref<5120x128xf32, #tpu.memory_space<hbm>> -> memref<80x128xf32, #tpu.memory_space<hbm>>
      %dma_start3A_19 = arith.constant 0 : i32
      %dma_start3A_20 = tpu.memref_slice %arg4[%add3A_4, %dma_start3A_19] : memref<5120x128xf32, #tpu.memory_space<hbm>> -> memref<80x128xf32, #tpu.memory_space<hbm>>
      tpu.enqueue_dma source(%arg6 : memref<80x128xf32, #tpu.memory_space<vmem>>) target(%dma_start3A_20 : memref<80x128xf32, #tpu.memory_space<hbm>>) target_semaphore(%run_scoped3A : memref<!tpu.dma_semaphore, #tpu.memory_space<semaphore_mem>>)
      %dma_wait3A_21 = arith.constant 0 : i32
      %dma_wait3A_22 = tpu.memref_slice %arg4[%add3A_4, %dma_wait3A_21] : memref<5120x128xf32, #tpu.memory_space<hbm>> -> memref<80x128xf32, #tpu.memory_space<hbm>>
      %dma_wait3A_23 = arith.constant 0 : i32
      %dma_wait3A_24 = tpu.memref_slice %arg4[%add3A_4, %dma_wait3A_23] : memref<5120x128xf32, #tpu.memory_space<hbm>> -> memref<80x128xf32, #tpu.memory_space<hbm>>
      tpu.wait_dma2 semaphore(%run_scoped3A : memref<!tpu.dma_semaphore, #tpu.memory_space<semaphore_mem>>) src(%arg6 : memref<80x128xf32, #tpu.memory_space<vmem>>) dst(%dma_wait3A_24 : memref<80x128xf32, #tpu.memory_space<hbm>>)
      tpu.yield
    }) : () -> ()
    %add3A_9 = arith.constant 80 : i32
    %add3A_10 = arith.addi %mul3A_2, %add3A_9 : i32
    "tpu.region"() ({
      %run_scoped3A = tpu.sem_alloc : memref<!tpu.dma_semaphore, #tpu.memory_space<semaphore_mem>>
      %dma_start3A_17 = tpu.memref_slice %arg3[%add3A_10] : memref<5120xi32, #tpu.memory_space<hbm>> -> memref<80xi32, #tpu.memory_space<hbm>>
      %dma_start3A_18 = tpu.memref_slice %arg3[%add3A_10] : memref<5120xi32, #tpu.memory_space<hbm>> -> memref<80xi32, #tpu.memory_space<hbm>>
      tpu.enqueue_dma source(%dma_start3A_18 : memref<80xi32, #tpu.memory_space<hbm>>) target(%arg5 : memref<80xi32, #tpu.memory_space<vmem>>) target_semaphore(%run_scoped3A : memref<!tpu.dma_semaphore, #tpu.memory_space<semaphore_mem>>)
      %dma_wait3A_19 = tpu.memref_slice %arg3[%add3A_10] : memref<5120xi32, #tpu.memory_space<hbm>> -> memref<80xi32, #tpu.memory_space<hbm>>
      %dma_wait3A_20 = tpu.memref_slice %arg3[%add3A_10] : memref<5120xi32, #tpu.memory_space<hbm>> -> memref<80xi32, #tpu.memory_space<hbm>>
      tpu.wait_dma2 semaphore(%run_scoped3A : memref<!tpu.dma_semaphore, #tpu.memory_space<semaphore_mem>>) src(%dma_wait3A_20 : memref<80xi32, #tpu.memory_space<hbm>>) dst(%arg5 : memref<80xi32, #tpu.memory_space<vmem>>)
      tpu.yield
    }) : () -> ()
    %dma_start3A_11 = arith.constant 0 : i32
    %dma_start3A_12 = arith.constant 0 : i32
    %dma_start3A_13 = tpu.memref_slice %arg2[%dma_start3A_11, %dma_start3A_12] : memref<4096x128xf32, #tpu.memory_space<hbm>> -> memref<4096x128xf32, #tpu.memory_space<hbm>>
    tpu.enqueue_indirect_dma source(%dma_start3A_13 : memref<4096x128xf32, #tpu.memory_space<hbm>>) target(%arg6 : memref<80x128xf32, #tpu.memory_space<vmem>>) offsets(%arg5 : memref<80xi32, #tpu.memory_space<vmem>>) semaphore(%arg7 : memref<!tpu.dma_semaphore, #tpu.memory_space<semaphore_mem>>)
    %dma_wait3A_14 = arith.constant 0 : i32
    %dma_wait3A_15 = arith.constant 0 : i32
    %dma_wait3A_16 = tpu.memref_slice %arg2[%dma_wait3A_14, %dma_wait3A_15] : memref<4096x128xf32, #tpu.memory_space<hbm>> -> memref<4096x128xf32, #tpu.memory_space<hbm>>
    tpu.wait_indirect_dma semaphore(%arg7 : memref<!tpu.dma_semaphore, #tpu.memory_space<semaphore_mem>>) src(%dma_wait3A_16 : memref<4096x128xf32, #tpu.memory_space<hbm>>) dst(%arg6 : memref<80x128xf32, #tpu.memory_space<vmem>>)
    "tpu.region"() ({
      %run_scoped3A = tpu.sem_alloc : memref<!tpu.dma_semaphore, #tpu.memory_space<semaphore_mem>>
      %dma_start3A_17 = arith.constant 0 : i32
      %dma_start3A_18 = tpu.memref_slice %arg4[%add3A_10, %dma_start3A_17] : memref<5120x128xf32, #tpu.memory_space<hbm>> -> memref<80x128xf32, #tpu.memory_space<hbm>>
      %dma_start3A_19 = arith.constant 0 : i32
      %dma_start3A_20 = tpu.memref_slice %arg4[%add3A_10, %dma_start3A_19] : memref<5120x128xf32, #tpu.memory_space<hbm>> -> memref<80x128xf32, #tpu.memory_space<hbm>>
      tpu.enqueue_dma source(%arg6 : memref<80x128xf32, #tpu.memory_space<vmem>>) target(%dma_start3A_20 : memref<80x128xf32, #tpu.memory_space<hbm>>) target_semaphore(%run_scoped3A : memref<!tpu.dma_semaphore, #tpu.memory_space<semaphore_mem>>)
      %dma_wait3A_21 = arith.constant 0 : i32
      %dma_wait3A_22 = tpu.memref_slice %arg4[%add3A_10, %dma_wait3A_21] : memref<5120x128xf32, #tpu.memory_space<hbm>> -> memref<80x128xf32, #tpu.memory_space<hbm>>
      %dma_wait3A_23 = arith.constant 0 : i32
      %dma_wait3A_24 = tpu.memref_slice %arg4[%add3A_10, %dma_wait3A_23] : memref<5120x128xf32, #tpu.memory_space<hbm>> -> memref<80x128xf32, #tpu.memory_space<hbm>>
      tpu.wait_dma2 semaphore(%run_scoped3A : memref<!tpu.dma_semaphore, #tpu.memory_space<semaphore_mem>>) src(%arg6 : memref<80x128xf32, #tpu.memory_space<vmem>>) dst(%dma_wait3A_24 : memref<80x128xf32, #tpu.memory_space<hbm>>)
      tpu.yield
    }) : () -> ()
    return
  }
}

#map = affine_map<(d0, d1) -> (0, 0)>
#map1 = affine_map<(d0, d1) -> (0)>
module attributes {stable_mosaic.version = 14 : i64} {
  func.func @gather_kernel(%arg0: i32, %arg1: i32, %arg2: memref<5120x512xf32, #tpu.memory_space<hbm>>, %arg3: memref<4096xi32, #tpu.memory_space<hbm>>, %arg4: memref<4096x512xf32, #tpu.memory_space<hbm>>, %arg5: memref<128xi32, #tpu.memory_space<vmem>>, %arg6: memref<128x512xf32, #tpu.memory_space<vmem>>, %arg7: memref<!tpu.dma_semaphore, #tpu.memory_space<semaphore_mem>>) attributes {dimension_semantics = [#tpu.dimension_semantics<core_parallel>, #tpu.dimension_semantics<subcore_parallel>], iteration_bounds = array<i64: 2, 16>, scalar_prefetch = 0 : i64, scratch_operands = 3 : i64, tpu.core_type = #tpu.core_type<sc_vector_subcore>, window_params = [{transform_indices = #map}, {transform_indices = #map1}, {transform_indices = #map}]} {
    %mul3A = arith.constant 2 : i32
    %mul3A_0 = arith.muli %arg1, %mul3A : i32
    %add3A = arith.addi %mul3A_0, %arg0 : i32
    %mul3A_1 = arith.constant 128 : i32
    %mul3A_2 = arith.muli %add3A, %mul3A_1 : i32
    %add3A_3 = arith.constant 0 : i32
    %add3A_4 = arith.addi %mul3A_2, %add3A_3 : i32
    "tpu.region"() ({
      %run_scoped3A = tpu.sem_alloc : memref<!tpu.dma_semaphore, #tpu.memory_space<semaphore_mem>>
      %dma_start3A_9 = tpu.memref_slice %arg3[%add3A_4] : memref<4096xi32, #tpu.memory_space<hbm>> -> memref<128xi32, #tpu.memory_space<hbm>>
      %dma_start3A_10 = tpu.memref_slice %arg3[%add3A_4] : memref<4096xi32, #tpu.memory_space<hbm>> -> memref<128xi32, #tpu.memory_space<hbm>>
      tpu.enqueue_dma source(%dma_start3A_10 : memref<128xi32, #tpu.memory_space<hbm>>) target(%arg5 : memref<128xi32, #tpu.memory_space<vmem>>) target_semaphore(%run_scoped3A : memref<!tpu.dma_semaphore, #tpu.memory_space<semaphore_mem>>)
      %dma_wait3A_11 = tpu.memref_slice %arg3[%add3A_4] : memref<4096xi32, #tpu.memory_space<hbm>> -> memref<128xi32, #tpu.memory_space<hbm>>
      %dma_wait3A_12 = tpu.memref_slice %arg3[%add3A_4] : memref<4096xi32, #tpu.memory_space<hbm>> -> memref<128xi32, #tpu.memory_space<hbm>>
      tpu.wait_dma2 semaphore(%run_scoped3A : memref<!tpu.dma_semaphore, #tpu.memory_space<semaphore_mem>>) src(%dma_wait3A_12 : memref<128xi32, #tpu.memory_space<hbm>>) dst(%arg5 : memref<128xi32, #tpu.memory_space<vmem>>)
      tpu.yield
    }) : () -> ()
    %dma_start3A = arith.constant 0 : i32
    %dma_start3A_5 = arith.constant 0 : i32
    %dma_start3A_6 = tpu.memref_slice %arg2[%dma_start3A, %dma_start3A_5] : memref<5120x512xf32, #tpu.memory_space<hbm>> -> memref<5120x512xf32, #tpu.memory_space<hbm>>
    tpu.enqueue_indirect_dma source(%dma_start3A_6 : memref<5120x512xf32, #tpu.memory_space<hbm>>) target(%arg6 : memref<128x512xf32, #tpu.memory_space<vmem>>) offsets(%arg5 : memref<128xi32, #tpu.memory_space<vmem>>) semaphore(%arg7 : memref<!tpu.dma_semaphore, #tpu.memory_space<semaphore_mem>>)
    %dma_wait3A = arith.constant 0 : i32
    %dma_wait3A_7 = arith.constant 0 : i32
    %dma_wait3A_8 = tpu.memref_slice %arg2[%dma_wait3A, %dma_wait3A_7] : memref<5120x512xf32, #tpu.memory_space<hbm>> -> memref<5120x512xf32, #tpu.memory_space<hbm>>
    tpu.wait_indirect_dma semaphore(%arg7 : memref<!tpu.dma_semaphore, #tpu.memory_space<semaphore_mem>>) src(%dma_wait3A_8 : memref<5120x512xf32, #tpu.memory_space<hbm>>) dst(%arg6 : memref<128x512xf32, #tpu.memory_space<vmem>>)
    "tpu.region"() ({
      %run_scoped3A = tpu.sem_alloc : memref<!tpu.dma_semaphore, #tpu.memory_space<semaphore_mem>>
      %dma_start3A_9 = arith.constant 0 : i32
      %dma_start3A_10 = tpu.memref_slice %arg4[%add3A_4, %dma_start3A_9] : memref<4096x512xf32, #tpu.memory_space<hbm>> -> memref<128x512xf32, #tpu.memory_space<hbm>>
      %dma_start3A_11 = arith.constant 0 : i32
      %dma_start3A_12 = tpu.memref_slice %arg4[%add3A_4, %dma_start3A_11] : memref<4096x512xf32, #tpu.memory_space<hbm>> -> memref<128x512xf32, #tpu.memory_space<hbm>>
      tpu.enqueue_dma source(%arg6 : memref<128x512xf32, #tpu.memory_space<vmem>>) target(%dma_start3A_12 : memref<128x512xf32, #tpu.memory_space<hbm>>) target_semaphore(%run_scoped3A : memref<!tpu.dma_semaphore, #tpu.memory_space<semaphore_mem>>)
      %dma_wait3A_13 = arith.constant 0 : i32
      %dma_wait3A_14 = tpu.memref_slice %arg4[%add3A_4, %dma_wait3A_13] : memref<4096x512xf32, #tpu.memory_space<hbm>> -> memref<128x512xf32, #tpu.memory_space<hbm>>
      %dma_wait3A_15 = arith.constant 0 : i32
      %dma_wait3A_16 = tpu.memref_slice %arg4[%add3A_4, %dma_wait3A_15] : memref<4096x512xf32, #tpu.memory_space<hbm>> -> memref<128x512xf32, #tpu.memory_space<hbm>>
      tpu.wait_dma2 semaphore(%run_scoped3A : memref<!tpu.dma_semaphore, #tpu.memory_space<semaphore_mem>>) src(%arg6 : memref<128x512xf32, #tpu.memory_space<vmem>>) dst(%dma_wait3A_16 : memref<128x512xf32, #tpu.memory_space<hbm>>)
      tpu.yield
    }) : () -> ()
    return
  }
}

#map = affine_map<(d0, d1) -> (0, 0)>
#map1 = affine_map<(d0, d1) -> (0)>
module attributes {stable_mosaic.version = 14 : i64} {
  func.func @gather_kernel(%arg0: i32, %arg1: i32, %arg2: memref<5120x1024xf32, #tpu.memory_space<hbm>>, %arg3: memref<5120xi32, #tpu.memory_space<hbm>>, %arg4: memref<5120x1024xf32, #tpu.memory_space<hbm>>, %arg5: memref<80xi32, #tpu.memory_space<vmem>>, %arg6: memref<80x1024xf32, #tpu.memory_space<vmem>>, %arg7: memref<!tpu.dma_semaphore, #tpu.memory_space<semaphore_mem>>) attributes {dimension_semantics = [#tpu.dimension_semantics<core_parallel>, #tpu.dimension_semantics<subcore_parallel>], iteration_bounds = array<i64: 2, 16>, scalar_prefetch = 0 : i64, scratch_operands = 3 : i64, tpu.core_type = #tpu.core_type<sc_vector_subcore>, window_params = [{transform_indices = #map}, {transform_indices = #map1}, {transform_indices = #map}]} {
    %mul3A = arith.constant 2 : i32
    %mul3A_0 = arith.muli %arg1, %mul3A : i32
    %add3A = arith.addi %mul3A_0, %arg0 : i32
    %mul3A_1 = arith.constant 160 : i32
    %mul3A_2 = arith.muli %add3A, %mul3A_1 : i32
    %add3A_3 = arith.constant 0 : i32
    %add3A_4 = arith.addi %mul3A_2, %add3A_3 : i32
    "tpu.region"() ({
      %run_scoped3A = tpu.sem_alloc : memref<!tpu.dma_semaphore, #tpu.memory_space<semaphore_mem>>
      %dma_start3A_17 = tpu.memref_slice %arg3[%add3A_4] : memref<5120xi32, #tpu.memory_space<hbm>> -> memref<80xi32, #tpu.memory_space<hbm>>
      %dma_start3A_18 = tpu.memref_slice %arg3[%add3A_4] : memref<5120xi32, #tpu.memory_space<hbm>> -> memref<80xi32, #tpu.memory_space<hbm>>
      tpu.enqueue_dma source(%dma_start3A_18 : memref<80xi32, #tpu.memory_space<hbm>>) target(%arg5 : memref<80xi32, #tpu.memory_space<vmem>>) target_semaphore(%run_scoped3A : memref<!tpu.dma_semaphore, #tpu.memory_space<semaphore_mem>>)
      %dma_wait3A_19 = tpu.memref_slice %arg3[%add3A_4] : memref<5120xi32, #tpu.memory_space<hbm>> -> memref<80xi32, #tpu.memory_space<hbm>>
      %dma_wait3A_20 = tpu.memref_slice %arg3[%add3A_4] : memref<5120xi32, #tpu.memory_space<hbm>> -> memref<80xi32, #tpu.memory_space<hbm>>
      tpu.wait_dma2 semaphore(%run_scoped3A : memref<!tpu.dma_semaphore, #tpu.memory_space<semaphore_mem>>) src(%dma_wait3A_20 : memref<80xi32, #tpu.memory_space<hbm>>) dst(%arg5 : memref<80xi32, #tpu.memory_space<vmem>>)
      tpu.yield
    }) : () -> ()
    %dma_start3A = arith.constant 0 : i32
    %dma_start3A_5 = arith.constant 0 : i32
    %dma_start3A_6 = tpu.memref_slice %arg2[%dma_start3A, %dma_start3A_5] : memref<5120x1024xf32, #tpu.memory_space<hbm>> -> memref<5120x1024xf32, #tpu.memory_space<hbm>>
    tpu.enqueue_indirect_dma source(%dma_start3A_6 : memref<5120x1024xf32, #tpu.memory_space<hbm>>) target(%arg6 : memref<80x1024xf32, #tpu.memory_space<vmem>>) offsets(%arg5 : memref<80xi32, #tpu.memory_space<vmem>>) semaphore(%arg7 : memref<!tpu.dma_semaphore, #tpu.memory_space<semaphore_mem>>)
    %dma_wait3A = arith.constant 0 : i32
    %dma_wait3A_7 = arith.constant 0 : i32
    %dma_wait3A_8 = tpu.memref_slice %arg2[%dma_wait3A, %dma_wait3A_7] : memref<5120x1024xf32, #tpu.memory_space<hbm>> -> memref<5120x1024xf32, #tpu.memory_space<hbm>>
    tpu.wait_indirect_dma semaphore(%arg7 : memref<!tpu.dma_semaphore, #tpu.memory_space<semaphore_mem>>) src(%dma_wait3A_8 : memref<5120x1024xf32, #tpu.memory_space<hbm>>) dst(%arg6 : memref<80x1024xf32, #tpu.memory_space<vmem>>)
    "tpu.region"() ({
      %run_scoped3A = tpu.sem_alloc : memref<!tpu.dma_semaphore, #tpu.memory_space<semaphore_mem>>
      %dma_start3A_17 = arith.constant 0 : i32
      %dma_start3A_18 = tpu.memref_slice %arg4[%add3A_4, %dma_start3A_17] : memref<5120x1024xf32, #tpu.memory_space<hbm>> -> memref<80x1024xf32, #tpu.memory_space<hbm>>
      %dma_start3A_19 = arith.constant 0 : i32
      %dma_start3A_20 = tpu.memref_slice %arg4[%add3A_4, %dma_start3A_19] : memref<5120x1024xf32, #tpu.memory_space<hbm>> -> memref<80x1024xf32, #tpu.memory_space<hbm>>
      tpu.enqueue_dma source(%arg6 : memref<80x1024xf32, #tpu.memory_space<vmem>>) target(%dma_start3A_20 : memref<80x1024xf32, #tpu.memory_space<hbm>>) target_semaphore(%run_scoped3A : memref<!tpu.dma_semaphore, #tpu.memory_space<semaphore_mem>>)
      %dma_wait3A_21 = arith.constant 0 : i32
      %dma_wait3A_22 = tpu.memref_slice %arg4[%add3A_4, %dma_wait3A_21] : memref<5120x1024xf32, #tpu.memory_space<hbm>> -> memref<80x1024xf32, #tpu.memory_space<hbm>>
      %dma_wait3A_23 = arith.constant 0 : i32
      %dma_wait3A_24 = tpu.memref_slice %arg4[%add3A_4, %dma_wait3A_23] : memref<5120x1024xf32, #tpu.memory_space<hbm>> -> memref<80x1024xf32, #tpu.memory_space<hbm>>
      tpu.wait_dma2 semaphore(%run_scoped3A : memref<!tpu.dma_semaphore, #tpu.memory_space<semaphore_mem>>) src(%arg6 : memref<80x1024xf32, #tpu.memory_space<vmem>>) dst(%dma_wait3A_24 : memref<80x1024xf32, #tpu.memory_space<hbm>>)
      tpu.yield
    }) : () -> ()
    %add3A_9 = arith.constant 80 : i32
    %add3A_10 = arith.addi %mul3A_2, %add3A_9 : i32
    "tpu.region"() ({
      %run_scoped3A = tpu.sem_alloc : memref<!tpu.dma_semaphore, #tpu.memory_space<semaphore_mem>>
      %dma_start3A_17 = tpu.memref_slice %arg3[%add3A_10] : memref<5120xi32, #tpu.memory_space<hbm>> -> memref<80xi32, #tpu.memory_space<hbm>>
      %dma_start3A_18 = tpu.memref_slice %arg3[%add3A_10] : memref<5120xi32, #tpu.memory_space<hbm>> -> memref<80xi32, #tpu.memory_space<hbm>>
      tpu.enqueue_dma source(%dma_start3A_18 : memref<80xi32, #tpu.memory_space<hbm>>) target(%arg5 : memref<80xi32, #tpu.memory_space<vmem>>) target_semaphore(%run_scoped3A : memref<!tpu.dma_semaphore, #tpu.memory_space<semaphore_mem>>)
      %dma_wait3A_19 = tpu.memref_slice %arg3[%add3A_10] : memref<5120xi32, #tpu.memory_space<hbm>> -> memref<80xi32, #tpu.memory_space<hbm>>
      %dma_wait3A_20 = tpu.memref_slice %arg3[%add3A_10] : memref<5120xi32, #tpu.memory_space<hbm>> -> memref<80xi32, #tpu.memory_space<hbm>>
      tpu.wait_dma2 semaphore(%run_scoped3A : memref<!tpu.dma_semaphore, #tpu.memory_space<semaphore_mem>>) src(%dma_wait3A_20 : memref<80xi32, #tpu.memory_space<hbm>>) dst(%arg5 : memref<80xi32, #tpu.memory_space<vmem>>)
      tpu.yield
    }) : () -> ()
    %dma_start3A_11 = arith.constant 0 : i32
    %dma_start3A_12 = arith.constant 0 : i32
    %dma_start3A_13 = tpu.memref_slice %arg2[%dma_start3A_11, %dma_start3A_12] : memref<5120x1024xf32, #tpu.memory_space<hbm>> -> memref<5120x1024xf32, #tpu.memory_space<hbm>>
    tpu.enqueue_indirect_dma source(%dma_start3A_13 : memref<5120x1024xf32, #tpu.memory_space<hbm>>) target(%arg6 : memref<80x1024xf32, #tpu.memory_space<vmem>>) offsets(%arg5 : memref<80xi32, #tpu.memory_space<vmem>>) semaphore(%arg7 : memref<!tpu.dma_semaphore, #tpu.memory_space<semaphore_mem>>)
    %dma_wait3A_14 = arith.constant 0 : i32
    %dma_wait3A_15 = arith.constant 0 : i32
    %dma_wait3A_16 = tpu.memref_slice %arg2[%dma_wait3A_14, %dma_wait3A_15] : memref<5120x1024xf32, #tpu.memory_space<hbm>> -> memref<5120x1024xf32, #tpu.memory_space<hbm>>
    tpu.wait_indirect_dma semaphore(%arg7 : memref<!tpu.dma_semaphore, #tpu.memory_space<semaphore_mem>>) src(%dma_wait3A_16 : memref<5120x1024xf32, #tpu.memory_space<hbm>>) dst(%arg6 : memref<80x1024xf32, #tpu.memory_space<vmem>>)
    "tpu.region"() ({
      %run_scoped3A = tpu.sem_alloc : memref<!tpu.dma_semaphore, #tpu.memory_space<semaphore_mem>>
      %dma_start3A_17 = arith.constant 0 : i32
      %dma_start3A_18 = tpu.memref_slice %arg4[%add3A_10, %dma_start3A_17] : memref<5120x1024xf32, #tpu.memory_space<hbm>> -> memref<80x1024xf32, #tpu.memory_space<hbm>>
      %dma_start3A_19 = arith.constant 0 : i32
      %dma_start3A_20 = tpu.memref_slice %arg4[%add3A_10, %dma_start3A_19] : memref<5120x1024xf32, #tpu.memory_space<hbm>> -> memref<80x1024xf32, #tpu.memory_space<hbm>>
      tpu.enqueue_dma source(%arg6 : memref<80x1024xf32, #tpu.memory_space<vmem>>) target(%dma_start3A_20 : memref<80x1024xf32, #tpu.memory_space<hbm>>) target_semaphore(%run_scoped3A : memref<!tpu.dma_semaphore, #tpu.memory_space<semaphore_mem>>)
      %dma_wait3A_21 = arith.constant 0 : i32
      %dma_wait3A_22 = tpu.memref_slice %arg4[%add3A_10, %dma_wait3A_21] : memref<5120x1024xf32, #tpu.memory_space<hbm>> -> memref<80x1024xf32, #tpu.memory_space<hbm>>
      %dma_wait3A_23 = arith.constant 0 : i32
      %dma_wait3A_24 = tpu.memref_slice %arg4[%add3A_10, %dma_wait3A_23] : memref<5120x1024xf32, #tpu.memory_space<hbm>> -> memref<80x1024xf32, #tpu.memory_space<hbm>>
      tpu.wait_dma2 semaphore(%run_scoped3A : memref<!tpu.dma_semaphore, #tpu.memory_space<semaphore_mem>>) src(%arg6 : memref<80x1024xf32, #tpu.memory_space<vmem>>) dst(%dma_wait3A_24 : memref<80x1024xf32, #tpu.memory_space<hbm>>)
      tpu.yield
    }) : () -> ()
    return
  }
}

module attributes {stable_mosaic.version = 14 : i64} {
  func.func @_mlp0_body(%arg0: i32, %arg1: memref<40xi32, #tpu.memory_space<smem>>, %arg2: memref<40xi32, #tpu.memory_space<smem>>, %arg3: memref<128x128xf32, #tpu.memory_space<vmem>>, %arg4: memref<1x128x1024xf32, #tpu.memory_space<vmem>>, %arg5: memref<1x1x1024xf32, #tpu.memory_space<vmem>>, %arg6: memref<1x1024x1024xf32, #tpu.memory_space<vmem>>, %arg7: memref<1x1x1024xf32, #tpu.memory_space<vmem>>, %arg8: memref<128x1024xf32, #tpu.memory_space<vmem>>) attributes {dimension_semantics = [#tpu.dimension_semantics<arbitrary>], iteration_bounds = array<i64: 40>, scalar_prefetch = 2 : i64, scratch_operands = 0 : i64, tpu.core_type = #tpu.core_type<tc>, window_params = [{transform_indices = @transform_0, window_bounds = array<i64: 128, 128>}, {transform_indices = @transform_1, window_bounds = array<i64: 1, 128, 1024>}, {transform_indices = @transform_2, window_bounds = array<i64: 1, 1, 1024>}, {transform_indices = @transform_3, window_bounds = array<i64: 1, 1024, 1024>}, {transform_indices = @transform_4, window_bounds = array<i64: 1, 1, 1024>}, {transform_indices = @transform_5, window_bounds = array<i64: 128, 1024>}]} {
    %get3A = arith.index_cast %arg0 : i32 to index
    %get3A_0 = memref.load %arg2[%get3A] : memref<40xi32, #tpu.memory_space<smem>>
    %ne3A = arith.constant 0 : i32
    %ne3A_1 = arith.cmpi ne, %get3A_0, %ne3A : i32
    %convert_element_type3A = arith.extui %ne3A_1 : i1 to i32
    %cond3A = arith.constant 0 : i32
    %cond3A_2 = arith.cmpi ne, %convert_element_type3A, %cond3A : i32
    scf.if %cond3A_2 {
      %get3A_3 = arith.constant 0 : index
      %get3A_4 = arith.constant 0 : index
      %get3A_5 = vector.load %arg3[%get3A_3, %get3A_4] : memref<128x128xf32, #tpu.memory_space<vmem>>, vector<128x128xf32>
      %get3A_6 = arith.constant 0 : index
      %get3A_7 = arith.constant 0 : index
      %get3A_8 = arith.constant 0 : index
      %get3A_9 = vector.load %arg4[%get3A_6, %get3A_7, %get3A_8] : memref<1x128x1024xf32, #tpu.memory_space<vmem>>, vector<1x128x1024xf32>
      %get3A_10 = vector.shape_cast %get3A_9 : vector<1x128x1024xf32> to vector<128x1024xf32>
      %dot_general3A = arith.constant dense<0.000000e+00> : vector<128x1024xf32>
      %dot_general3A_11 = tpu.matmul %get3A_5, %get3A_10, %dot_general3A {dimension_numbers = #tpu.dot_dimension_numbers<[1], [0], [0], [1], [0, 0, 1, 1], [], []>, transpose_lhs_hint = false} : vector<128x128xf32>, vector<128x1024xf32>, vector<128x1024xf32> -> vector<128x1024xf32>
      %get3A_12 = arith.constant 0 : index
      %get3A_13 = arith.constant 0 : index
      %get3A_14 = arith.constant 0 : index
      %get3A_15 = vector.load %arg5[%get3A_12, %get3A_13, %get3A_14] : memref<1x1x1024xf32, #tpu.memory_space<vmem>>, vector<1x1x1024xf32>
      %get3A_16 = vector.shape_cast %get3A_15 : vector<1x1x1024xf32> to vector<1x1024xf32>
      %add3A = vector.broadcast %get3A_16 : vector<1x1024xf32> to vector<128x1024xf32>
      %add3A_17 = arith.addf %dot_general3A_11, %add3A : vector<128x1024xf32>
      %max3A = arith.constant 0.000000e+00 : f32
      %max3A_18 = vector.broadcast %max3A : f32 to vector<128x1024xf32>
      %max3A_19 = arith.maximumf %add3A_17, %max3A_18 : vector<128x1024xf32>
      %get3A_20 = arith.constant 0 : index
      %get3A_21 = arith.constant 0 : index
      %get3A_22 = arith.constant 0 : index
      %get3A_23 = vector.load %arg6[%get3A_20, %get3A_21, %get3A_22] : memref<1x1024x1024xf32, #tpu.memory_space<vmem>>, vector<1x1024x1024xf32>
      %get3A_24 = vector.shape_cast %get3A_23 : vector<1x1024x1024xf32> to vector<1024x1024xf32>
      %dot_general3A_25 = arith.constant dense<0.000000e+00> : vector<128x1024xf32>
      %dot_general3A_26 = tpu.matmul %max3A_19, %get3A_24, %dot_general3A_25 {dimension_numbers = #tpu.dot_dimension_numbers<[1], [0], [0], [1], [0, 0, 1, 1], [], []>, transpose_lhs_hint = false} : vector<128x1024xf32>, vector<1024x1024xf32>, vector<128x1024xf32> -> vector<128x1024xf32>
      %get3A_27 = arith.constant 0 : index
      %get3A_28 = arith.constant 0 : index
      %get3A_29 = arith.constant 0 : index
      %get3A_30 = vector.load %arg7[%get3A_27, %get3A_28, %get3A_29] : memref<1x1x1024xf32, #tpu.memory_space<vmem>>, vector<1x1x1024xf32>
      %get3A_31 = vector.shape_cast %get3A_30 : vector<1x1x1024xf32> to vector<1x1024xf32>
      %add3A_32 = vector.broadcast %get3A_31 : vector<1x1024xf32> to vector<128x1024xf32>
      %add3A_33 = arith.addf %dot_general3A_26, %add3A_32 : vector<128x1024xf32>
      %max3A_34 = arith.constant 0.000000e+00 : f32
      %max3A_35 = vector.broadcast %max3A_34 : f32 to vector<128x1024xf32>
      %max3A_36 = arith.maximumf %add3A_33, %max3A_35 : vector<128x1024xf32>
      %swap3A = arith.constant 0 : index
      %swap3A_37 = arith.constant 0 : index
      %swap3A_38 = vector.load %arg8[%swap3A, %swap3A_37] : memref<128x1024xf32, #tpu.memory_space<vmem>>, vector<128x1024xf32>
      tpu.vector_store %arg8[%swap3A, %swap3A_37], %max3A_36 {strides = array<i32>} : memref<128x1024xf32, #tpu.memory_space<vmem>>, vector<128x1024xf32>,
    } else {
    }
    return
  }
  func.func @transform_0(%arg0: i32, %arg1: memref<40xi32, #tpu.memory_space<smem>>, %arg2: memref<40xi32, #tpu.memory_space<smem>>) -> (i32, i32) {
    %c0_i32 = arith.constant 0 : i32
    %c0_i32_0 = arith.constant 0 : i32
    return %arg0, %c0_i32 : i32, i32
  }
  func.func @transform_1(%arg0: i32, %arg1: memref<40xi32, #tpu.memory_space<smem>>, %arg2: memref<40xi32, #tpu.memory_space<smem>>) -> (i32, i32, i32) {
    %get3A = arith.index_cast %arg0 : i32 to index
    %get3A_0 = memref.load %arg1[%get3A] : memref<40xi32, #tpu.memory_space<smem>>
    %c0_i32 = arith.constant 0 : i32
    %c0_i32_1 = arith.constant 0 : i32
    %c0_i32_2 = arith.constant 0 : i32
    return %get3A_0, %c0_i32, %c0_i32_1 : i32, i32, i32
  }
  func.func @transform_2(%arg0: i32, %arg1: memref<40xi32, #tpu.memory_space<smem>>, %arg2: memref<40xi32, #tpu.memory_space<smem>>) -> (i32, i32, i32) {
    %get3A = arith.index_cast %arg0 : i32 to index
    %get3A_0 = memref.load %arg1[%get3A] : memref<40xi32, #tpu.memory_space<smem>>
    %c0_i32 = arith.constant 0 : i32
    %c0_i32_1 = arith.constant 0 : i32
    %c0_i32_2 = arith.constant 0 : i32
    return %get3A_0, %c0_i32, %c0_i32_1 : i32, i32, i32
  }
  func.func @transform_3(%arg0: i32, %arg1: memref<40xi32, #tpu.memory_space<smem>>, %arg2: memref<40xi32, #tpu.memory_space<smem>>) -> (i32, i32, i32) {
    %get3A = arith.index_cast %arg0 : i32 to index
    %get3A_0 = memref.load %arg1[%get3A] : memref<40xi32, #tpu.memory_space<smem>>
    %c0_i32 = arith.constant 0 : i32
    %c0_i32_1 = arith.constant 0 : i32
    %c0_i32_2 = arith.constant 0 : i32
    return %get3A_0, %c0_i32, %c0_i32_1 : i32, i32, i32
  }
  func.func @transform_4(%arg0: i32, %arg1: memref<40xi32, #tpu.memory_space<smem>>, %arg2: memref<40xi32, #tpu.memory_space<smem>>) -> (i32, i32, i32) {
    %get3A = arith.index_cast %arg0 : i32 to index
    %get3A_0 = memref.load %arg1[%get3A] : memref<40xi32, #tpu.memory_space<smem>>
    %c0_i32 = arith.constant 0 : i32
    %c0_i32_1 = arith.constant 0 : i32
    %c0_i32_2 = arith.constant 0 : i32
    return %get3A_0, %c0_i32, %c0_i32_1 : i32, i32, i32
  }
  func.func @transform_5(%arg0: i32, %arg1: memref<40xi32, #tpu.memory_space<smem>>, %arg2: memref<40xi32, #tpu.memory_space<smem>>) -> (i32, i32) {
    %c0_i32 = arith.constant 0 : i32
    %c0_i32_0 = arith.constant 0 : i32
    return %arg0, %c0_i32 : i32, i32
  }
}

module attributes {stable_mosaic.version = 14 : i64} {
  func.func @_mlp1_body(%arg0: i32, %arg1: memref<40xi32, #tpu.memory_space<smem>>, %arg2: memref<40xi32, #tpu.memory_space<smem>>, %arg3: memref<128x1024xf32, #tpu.memory_space<vmem>>, %arg4: memref<128x128xf32, #tpu.memory_space<vmem>>, %arg5: memref<1x128x512xf32, #tpu.memory_space<vmem>>, %arg6: memref<1x1x512xf32, #tpu.memory_space<vmem>>, %arg7: memref<1x1024x1024xf32, #tpu.memory_space<vmem>>, %arg8: memref<1x512x1024xf32, #tpu.memory_space<vmem>>, %arg9: memref<1x1x1024xf32, #tpu.memory_space<vmem>>, %arg10: memref<1x1024x512xf32, #tpu.memory_space<vmem>>, %arg11: memref<1x1x512xf32, #tpu.memory_space<vmem>>, %arg12: memref<128x512xf32, #tpu.memory_space<vmem>>) attributes {dimension_semantics = [#tpu.dimension_semantics<arbitrary>], iteration_bounds = array<i64: 40>, scalar_prefetch = 2 : i64, scratch_operands = 0 : i64, tpu.core_type = #tpu.core_type<tc>, window_params = [{transform_indices = @transform_0, window_bounds = array<i64: 128, 1024>}, {transform_indices = @transform_1, window_bounds = array<i64: 128, 128>}, {transform_indices = @transform_2, window_bounds = array<i64: 1, 128, 512>}, {transform_indices = @transform_3, window_bounds = array<i64: 1, 1, 512>}, {transform_indices = @transform_4, window_bounds = array<i64: 1, 1024, 1024>}, {transform_indices = @transform_5, window_bounds = array<i64: 1, 512, 1024>}, {transform_indices = @transform_6, window_bounds = array<i64: 1, 1, 1024>}, {transform_indices = @transform_7, window_bounds = array<i64: 1, 1024, 512>}, {transform_indices = @transform_8, window_bounds = array<i64: 1, 1, 512>}, {transform_indices = @transform_9, window_bounds = array<i64: 128, 512>}]} {
    %get3A = arith.index_cast %arg0 : i32 to index
    %get3A_0 = memref.load %arg2[%get3A] : memref<40xi32, #tpu.memory_space<smem>>
    %ne3A = arith.constant 0 : i32
    %ne3A_1 = arith.cmpi ne, %get3A_0, %ne3A : i32
    %convert_element_type3A = arith.extui %ne3A_1 : i1 to i32
    %cond3A = arith.constant 0 : i32
    %cond3A_2 = arith.cmpi ne, %convert_element_type3A, %cond3A : i32
    scf.if %cond3A_2 {
      %get3A_3 = arith.constant 0 : index
      %get3A_4 = arith.constant 0 : index
      %get3A_5 = vector.load %arg4[%get3A_3, %get3A_4] : memref<128x128xf32, #tpu.memory_space<vmem>>, vector<128x128xf32>
      %get3A_6 = arith.constant 0 : index
      %get3A_7 = arith.constant 0 : index
      %get3A_8 = arith.constant 0 : index
      %get3A_9 = vector.load %arg5[%get3A_6, %get3A_7, %get3A_8] : memref<1x128x512xf32, #tpu.memory_space<vmem>>, vector<1x128x512xf32>
      %get3A_10 = vector.shape_cast %get3A_9 : vector<1x128x512xf32> to vector<128x512xf32>
      %dot_general3A = arith.constant dense<0.000000e+00> : vector<128x512xf32>
      %dot_general3A_11 = tpu.matmul %get3A_5, %get3A_10, %dot_general3A {dimension_numbers = #tpu.dot_dimension_numbers<[1], [0], [0], [1], [0, 0, 1, 1], [], []>, transpose_lhs_hint = false} : vector<128x128xf32>, vector<128x512xf32>, vector<128x512xf32> -> vector<128x512xf32>
      %get3A_12 = arith.constant 0 : index
      %get3A_13 = arith.constant 0 : index
      %get3A_14 = arith.constant 0 : index
      %get3A_15 = vector.load %arg6[%get3A_12, %get3A_13, %get3A_14] : memref<1x1x512xf32, #tpu.memory_space<vmem>>, vector<1x1x512xf32>
      %get3A_16 = vector.shape_cast %get3A_15 : vector<1x1x512xf32> to vector<1x512xf32>
      %add3A = vector.broadcast %get3A_16 : vector<1x512xf32> to vector<128x512xf32>
      %add3A_17 = arith.addf %dot_general3A_11, %add3A : vector<128x512xf32>
      %max3A = arith.constant 0.000000e+00 : f32
      %max3A_18 = vector.broadcast %max3A : f32 to vector<128x512xf32>
      %max3A_19 = arith.maximumf %add3A_17, %max3A_18 : vector<128x512xf32>
      %get3A_20 = arith.constant 0 : index
      %get3A_21 = arith.constant 0 : index
      %get3A_22 = vector.load %arg3[%get3A_20, %get3A_21] : memref<128x1024xf32, #tpu.memory_space<vmem>>, vector<128x1024xf32>
      %get3A_23 = arith.constant 0 : index
      %get3A_24 = arith.constant 0 : index
      %get3A_25 = arith.constant 0 : index
      %get3A_26 = vector.load %arg7[%get3A_23, %get3A_24, %get3A_25] : memref<1x1024x1024xf32, #tpu.memory_space<vmem>>, vector<1x1024x1024xf32>
      %get3A_27 = vector.shape_cast %get3A_26 : vector<1x1024x1024xf32> to vector<1024x1024xf32>
      %dot_general3A_28 = arith.constant dense<0.000000e+00> : vector<128x1024xf32>
      %dot_general3A_29 = tpu.matmul %get3A_22, %get3A_27, %dot_general3A_28 {dimension_numbers = #tpu.dot_dimension_numbers<[1], [0], [0], [1], [0, 0, 1, 1], [], []>, transpose_lhs_hint = false} : vector<128x1024xf32>, vector<1024x1024xf32>, vector<128x1024xf32> -> vector<128x1024xf32>
      %get3A_30 = arith.constant 0 : index
      %get3A_31 = arith.constant 0 : index
      %get3A_32 = arith.constant 0 : index
      %get3A_33 = vector.load %arg8[%get3A_30, %get3A_31, %get3A_32] : memref<1x512x1024xf32, #tpu.memory_space<vmem>>, vector<1x512x1024xf32>
      %get3A_34 = vector.shape_cast %get3A_33 : vector<1x512x1024xf32> to vector<512x1024xf32>
      %dot_general3A_35 = arith.constant dense<0.000000e+00> : vector<128x1024xf32>
      %dot_general3A_36 = tpu.matmul %max3A_19, %get3A_34, %dot_general3A_35 {dimension_numbers = #tpu.dot_dimension_numbers<[1], [0], [0], [1], [0, 0, 1, 1], [], []>, transpose_lhs_hint = false} : vector<128x512xf32>, vector<512x1024xf32>, vector<128x1024xf32> -> vector<128x1024xf32>
      %add3A_37 = arith.addf %dot_general3A_29, %dot_general3A_36 : vector<128x1024xf32>
      %get3A_38 = arith.constant 0 : index
      %get3A_39 = arith.constant 0 : index
      %get3A_40 = arith.constant 0 : index
      %get3A_41 = vector.load %arg9[%get3A_38, %get3A_39, %get3A_40] : memref<1x1x1024xf32, #tpu.memory_space<vmem>>, vector<1x1x1024xf32>
      %get3A_42 = vector.shape_cast %get3A_41 : vector<1x1x1024xf32> to vector<1x1024xf32>
      %add3A_43 = vector.broadcast %get3A_42 : vector<1x1024xf32> to vector<128x1024xf32>
      %add3A_44 = arith.addf %add3A_37, %add3A_43 : vector<128x1024xf32>
      %max3A_45 = arith.constant 0.000000e+00 : f32
      %max3A_46 = vector.broadcast %max3A_45 : f32 to vector<128x1024xf32>
      %max3A_47 = arith.maximumf %add3A_44, %max3A_46 : vector<128x1024xf32>
      %get3A_48 = arith.constant 0 : index
      %get3A_49 = arith.constant 0 : index
      %get3A_50 = arith.constant 0 : index
      %get3A_51 = vector.load %arg10[%get3A_48, %get3A_49, %get3A_50] : memref<1x1024x512xf32, #tpu.memory_space<vmem>>, vector<1x1024x512xf32>
      %get3A_52 = vector.shape_cast %get3A_51 : vector<1x1024x512xf32> to vector<1024x512xf32>
      %dot_general3A_53 = arith.constant dense<0.000000e+00> : vector<128x512xf32>
      %dot_general3A_54 = tpu.matmul %max3A_47, %get3A_52, %dot_general3A_53 {dimension_numbers = #tpu.dot_dimension_numbers<[1], [0], [0], [1], [0, 0, 1, 1], [], []>, transpose_lhs_hint = false} : vector<128x1024xf32>, vector<1024x512xf32>, vector<128x512xf32> -> vector<128x512xf32>
      %get3A_55 = arith.constant 0 : index
      %get3A_56 = arith.constant 0 : index
      %get3A_57 = arith.constant 0 : index
      %get3A_58 = vector.load %arg11[%get3A_55, %get3A_56, %get3A_57] : memref<1x1x512xf32, #tpu.memory_space<vmem>>, vector<1x1x512xf32>
      %get3A_59 = vector.shape_cast %get3A_58 : vector<1x1x512xf32> to vector<1x512xf32>
      %add3A_60 = vector.broadcast %get3A_59 : vector<1x512xf32> to vector<128x512xf32>
      %add3A_61 = arith.addf %dot_general3A_54, %add3A_60 : vector<128x512xf32>
      %swap3A = arith.constant 0 : index
      %swap3A_62 = arith.constant 0 : index
      %swap3A_63 = vector.load %arg12[%swap3A, %swap3A_62] : memref<128x512xf32, #tpu.memory_space<vmem>>, vector<128x512xf32>
      tpu.vector_store %arg12[%swap3A, %swap3A_62], %add3A_61 {strides = array<i32>} : memref<128x512xf32, #tpu.memory_space<vmem>>, vector<128x512xf32>,
    } else {
    }
    return
  }
  func.func @transform_0(%arg0: i32, %arg1: memref<40xi32, #tpu.memory_space<smem>>, %arg2: memref<40xi32, #tpu.memory_space<smem>>) -> (i32, i32) {
    %c0_i32 = arith.constant 0 : i32
    %c0_i32_0 = arith.constant 0 : i32
    return %arg0, %c0_i32 : i32, i32
  }
  func.func @transform_1(%arg0: i32, %arg1: memref<40xi32, #tpu.memory_space<smem>>, %arg2: memref<40xi32, #tpu.memory_space<smem>>) -> (i32, i32) {
    %c0_i32 = arith.constant 0 : i32
    %c0_i32_0 = arith.constant 0 : i32
    return %arg0, %c0_i32 : i32, i32
  }
  func.func @transform_2(%arg0: i32, %arg1: memref<40xi32, #tpu.memory_space<smem>>, %arg2: memref<40xi32, #tpu.memory_space<smem>>) -> (i32, i32, i32) {
    %get3A = arith.index_cast %arg0 : i32 to index
    %get3A_0 = memref.load %arg1[%get3A] : memref<40xi32, #tpu.memory_space<smem>>
    %c0_i32 = arith.constant 0 : i32
    %c0_i32_1 = arith.constant 0 : i32
    %c0_i32_2 = arith.constant 0 : i32
    return %get3A_0, %c0_i32, %c0_i32_1 : i32, i32, i32
  }
  func.func @transform_3(%arg0: i32, %arg1: memref<40xi32, #tpu.memory_space<smem>>, %arg2: memref<40xi32, #tpu.memory_space<smem>>) -> (i32, i32, i32) {
    %get3A = arith.index_cast %arg0 : i32 to index
    %get3A_0 = memref.load %arg1[%get3A] : memref<40xi32, #tpu.memory_space<smem>>
    %c0_i32 = arith.constant 0 : i32
    %c0_i32_1 = arith.constant 0 : i32
    %c0_i32_2 = arith.constant 0 : i32
    return %get3A_0, %c0_i32, %c0_i32_1 : i32, i32, i32
  }
  func.func @transform_4(%arg0: i32, %arg1: memref<40xi32, #tpu.memory_space<smem>>, %arg2: memref<40xi32, #tpu.memory_space<smem>>) -> (i32, i32, i32) {
    %get3A = arith.index_cast %arg0 : i32 to index
    %get3A_0 = memref.load %arg1[%get3A] : memref<40xi32, #tpu.memory_space<smem>>
    %c0_i32 = arith.constant 0 : i32
    %c0_i32_1 = arith.constant 0 : i32
    %c0_i32_2 = arith.constant 0 : i32
    return %get3A_0, %c0_i32, %c0_i32_1 : i32, i32, i32
  }
  func.func @transform_5(%arg0: i32, %arg1: memref<40xi32, #tpu.memory_space<smem>>, %arg2: memref<40xi32, #tpu.memory_space<smem>>) -> (i32, i32, i32) {
    %get3A = arith.index_cast %arg0 : i32 to index
    %get3A_0 = memref.load %arg1[%get3A] : memref<40xi32, #tpu.memory_space<smem>>
    %c0_i32 = arith.constant 0 : i32
    %c0_i32_1 = arith.constant 0 : i32
    %c0_i32_2 = arith.constant 0 : i32
    return %get3A_0, %c0_i32, %c0_i32_1 : i32, i32, i32
  }
  func.func @transform_6(%arg0: i32, %arg1: memref<40xi32, #tpu.memory_space<smem>>, %arg2: memref<40xi32, #tpu.memory_space<smem>>) -> (i32, i32, i32) {
    %get3A = arith.index_cast %arg0 : i32 to index
    %get3A_0 = memref.load %arg1[%get3A] : memref<40xi32, #tpu.memory_space<smem>>
    %c0_i32 = arith.constant 0 : i32
    %c0_i32_1 = arith.constant 0 : i32
    %c0_i32_2 = arith.constant 0 : i32
    return %get3A_0, %c0_i32, %c0_i32_1 : i32, i32, i32
  }
  func.func @transform_7(%arg0: i32, %arg1: memref<40xi32, #tpu.memory_space<smem>>, %arg2: memref<40xi32, #tpu.memory_space<smem>>) -> (i32, i32, i32) {
    %get3A = arith.index_cast %arg0 : i32 to index
    %get3A_0 = memref.load %arg1[%get3A] : memref<40xi32, #tpu.memory_space<smem>>
    %c0_i32 = arith.constant 0 : i32
    %c0_i32_1 = arith.constant 0 : i32
    %c0_i32_2 = arith.constant 0 : i32
    return %get3A_0, %c0_i32, %c0_i32_1 : i32, i32, i32
  }
  func.func @transform_8(%arg0: i32, %arg1: memref<40xi32, #tpu.memory_space<smem>>, %arg2: memref<40xi32, #tpu.memory_space<smem>>) -> (i32, i32, i32) {
    %get3A = arith.index_cast %arg0 : i32 to index
    %get3A_0 = memref.load %arg1[%get3A] : memref<40xi32, #tpu.memory_space<smem>>
    %c0_i32 = arith.constant 0 : i32
    %c0_i32_1 = arith.constant 0 : i32
    %c0_i32_2 = arith.constant 0 : i32
    return %get3A_0, %c0_i32, %c0_i32_1 : i32, i32, i32
  }
  func.func @transform_9(%arg0: i32, %arg1: memref<40xi32, #tpu.memory_space<smem>>, %arg2: memref<40xi32, #tpu.memory_space<smem>>) -> (i32, i32) {
    %c0_i32 = arith.constant 0 : i32
    %c0_i32_0 = arith.constant 0 : i32
    return %arg0, %c0_i32 : i32, i32
  }
}

</mosaic_0001>

<sc_bundles>
// kernel: gather_offload_async_start.1
scs
__scs_entry_jumppad:
0x0: {  	(pc) =	sbr.rel $0x88, $3  }
0x1: {  	(tag) =	ssettag $0x0;
	lr =	simm.s32 $0x1  }
0x2: {  	[smem:$0x3F96] =	sst lr;
	_ =	strace $0xD0000000  }
0x3: {  	_ = 	snop  }
0x4: {  	_ = 	snop  }
0x5: {  	_ = 	snop  }
0x6: {  	_ = 	snop  }
0x7: {  	_ = 	snop  }
__scs_overlays_trampoline_lowered:
0x8: {  	[smem:$0x3FA5] =	sst s0  }
0x9: {  	[smem:$0x3FA6] =	sst s1  }
0xa: {  	[smem:$0x3FA7] =	sst s2  }
0xb: {  	[smem:$0x3FA8] =	sst s3  }
0xc: {  	[smem:$0x3FA9] =	sst s4  }
0xd: {  	[smem:$0x3FAA] =	sst s5  }
0xe: {  	[smem:$0x3FAB] =	sst s6  }
0xf: {  	[smem:$0x3FAC] =	sst s7  }
0x10: {  	[smem:$0x3FAD] =	sst s8  }
0x11: {  	[smem:$0x3FAE] =	sst s9;
	s0 =	simm.s32 @!p0 $0x0  }
0x12: {  	s1 =	sld [smem:$0x3F94];
	s0 =	simm.s32 @p0 $0x1  }
0x13: {  	[smem:$0x3FAF] =	sst s0;
	s0 =	simm.s32 @!p1 $0x0  }
0x14: {  	s2 =	sld [smem:$0x3F93];
	s0 =	simm.s32 @p1 $0x1  }
0x15: {  	[smem:$0x3FB0] =	sst s0;
	s0 =	simm.s32 @!p2 $0x0  }
0x16: {  	s3 =	sld [smem:$0x3FDB];
	s0 =	simm.s32 @p2 $0x1  }
0x17: {  	s4 =	simm.s32 $0x1BF5;
	[smem:$0x3FB2] =	sst s0  }
0x18: {  	s0 =	sld [smem:$0x3F95];
	_ =	swait.ge [sflag:s4], $0x0  }
0x19: {  	s7 =	sld [smem:$0x3F96]  }
0x1a: {  	s8 =	sadd.s32 $0xFFFFE003, lr  }
0x1b: {  	s9 =	sadd.s32 $0xFFFFFEF7, lr;
	s5 =	simm.s32 $0xFFFFFFFF;
	p2 =	slt.u32 s8, $0xFFFFF086  }
0x1c: {  	p1 =	slt.u32 s9, $0xF7A;
	s5 =	simm.s32 @!p2 $0x0  }
0x1d: {  	s5 =	simm.s32 @p1 $0x1;
	p0 =	seq.s32 s7, s2  }
0x1e: {  	s7 =	smul.u32 @!p0 $0xF7A, s2;
	p2 =	seq.s32 @!p0 s5, $0x0  }
0x1f: {  	s9 =	smul.u32 $0xF7A, s1;
	s8 =	simm.s32 @!p0 $0x1BF5;
	p2 =	por !p2, p0  }
0x20: {  	[sflag:s8] =	ssyncset.s32 @!p0 $0xFFFFF086;
	s6 =	sadd.s32 @!p0 s3, s7;
	s7 =	simm.s32 @!p0 $0x108  }
0x21: {  	s3 =	sadd.s32 s3, s9;
	s6 =	sadd.s32 @!p0 $0x88, s6;
	s7 =	simm.s32 @p2 $0x1082  }
0x22: {  	[simem:s7], [sflag:s8] =	dma.local @!p0 [hbm:s6], $0xF7A  }
0x23: {  	s9 =	sor.u32 $0xD0000000, s2;
	s6 =	simm.s32 $0x108;
	_ =	swait.ge @!p0 [sflag:s8], $0x0  }
0x24: {  	s3 =	sadd.s32 $0x88, s3;
	s6 =	simm.s32 @!p1 $0x1082;
	[sflag:s4] =	ssyncset.s32 $0xFFFFF086  }
0x25: {  	[simem:s6], [sflag:s4] =	dma.local [hbm:s3], $0xF7A  }
0x26: {  	[smem:$0x3F96] =	sst s1;
	(tag) =	ssettag s2;
	_ =	strace s9  }
0x27: {  	s1 =	sld [smem:$0x3FA6]  }
0x28: {  	s2 =	sld [smem:$0x3FA7]  }
0x29: {  	s4 =	sld [smem:$0x3FA9]  }
0x2a: {  	p0 =	seq.s32 s5, $0x0;
	s5 =	sld [smem:$0x3FAA]  }
0x2b: {  	s6 =	sld [smem:$0x3FAB]  }
0x2c: {  	s7 =	sld [smem:$0x3FAC]  }
0x2d: {  	s3 =	simm.s32 $0x108;
	s8 =	sld [smem:$0x3FAD]  }
0x2e: {  	s3 =	simm.s32 @!p0 $0x1082;
	s9 =	sld [smem:$0x3FAE]  }
0x2f: {  	lr =	sadd.s32 s0, s3;
	s0 =	sld [smem:$0x3FA5]  }
0x30: {  	s3 =	sld [smem:$0x3FA8]  }
0x31: {  	[smem:$0x3FB1] =	sst s10  }
0x32: {  	s10 =	sld [smem:$0x3FAF];
	_ =	sdelay $0x3  }
0x33: {  	p0 =	seq.s32 s10, $0x1;
	s10 =	sld [smem:$0x3FB1];
	_ =	sdelay $0x3  }
0x34: {  	[smem:$0x3FB1] =	sst s10  }
0x35: {  	s10 =	sld [smem:$0x3FB0];
	_ =	sdelay $0x3  }
0x36: {  	p1 =	seq.s32 s10, $0x1;
	s10 =	sld [smem:$0x3FB1];
	_ =	sdelay $0x3  }
0x37: {  	[smem:$0x3FB1] =	sst s10  }
0x38: {  	s10 =	sld [smem:$0x3FB2]  }
0x39: {  	_ = 	snop;
	(pc) =	sbr.ind lr, $3  }
0x3a: {  	_ = 	snop  }
0x3b: {  	_ = 	snop  }
0x3c: {  	p2 =	seq.s32 s10, $0x1;
	s10 =	sld [smem:$0x3FB1]  }
0x3d: {  	_ =	shalt  }
0x3e: {  	_ =	shalt  }
0x3f: {  	_ =	shalt  }
0x40: {  	_ =	shalt  }
0x41: {  	_ =	shalt  }
0x42: {  	_ =	shalt  }
0x43: {  	_ =	shalt  }
0x44: {  	_ =	shalt  }
0x45: {  	_ =	shalt  }
0x46: {  	_ =	shalt  }
0x47: {  	_ =	shalt  }
0x48: {  	_ =	shalt  }
0x49: {  	_ =	shalt  }
0x4a: {  	_ =	shalt  }
0x4b: {  	_ =	shalt  }
0x4c: {  	_ =	shalt  }
0x4d: {  	_ =	shalt  }
0x4e: {  	_ =	shalt  }
0x4f: {  	_ =	shalt  }
0x50: {  	_ =	shalt  }
0x51: {  	_ =	shalt  }
0x52: {  	_ =	shalt  }
0x53: {  	_ =	shalt  }
0x54: {  	_ =	shalt  }
0x55: {  	_ =	shalt  }
0x56: {  	_ =	shalt  }
0x57: {  	_ =	shalt  }
0x58: {  	_ =	shalt  }
0x59: {  	_ =	shalt  }
0x5a: {  	_ =	shalt  }
0x5b: {  	_ =	shalt  }
0x5c: {  	_ =	shalt  }
0x5d: {  	_ =	shalt  }
0x5e: {  	_ =	shalt  }
0x5f: {  	_ =	shalt  }
0x60: {  	_ =	shalt  }
0x61: {  	_ =	shalt  }
0x62: {  	_ =	shalt  }
0x63: {  	_ =	shalt  }
0x64: {  	_ =	shalt  }
0x65: {  	_ =	shalt  }
0x66: {  	_ =	shalt  }
0x67: {  	_ =	shalt  }
0x68: {  	_ =	shalt  }
0x69: {  	_ =	shalt  }
0x6a: {  	_ =	shalt  }
0x6b: {  	_ =	shalt  }
0x6c: {  	_ =	shalt  }
0x6d: {  	_ =	shalt  }
0x6e: {  	_ =	shalt  }
0x6f: {  	_ =	shalt  }
0x70: {  	_ =	shalt  }
0x71: {  	_ =	shalt  }
0x72: {  	_ =	shalt  }
0x73: {  	_ =	shalt  }
0x74: {  	_ =	shalt  }
0x75: {  	_ =	shalt  }
0x76: {  	_ =	shalt  }
0x77: {  	_ =	shalt  }
0x78: {  	_ =	shalt  }
0x79: {  	_ =	shalt  }
0x7a: {  	_ =	shalt  }
0x7b: {  	_ =	shalt  }
0x7c: {  	_ =	shalt  }
0x7d: {  	_ =	shalt  }
0x7e: {  	_ =	shalt  }
0x7f: {  	_ =	shalt  }
0x80: {  	_ =	shalt  }
0x81: {  	_ =	shalt  }
0x82: {  	_ =	shalt  }
0x83: {  	_ =	shalt  }
0x84: {  	_ =	shalt  }
0x85: {  	_ =	shalt  }
0x86: {  	_ =	shalt  }
0x87: {  	_ =	shalt  }
.Lfunc_end0:
.L_simem_size_0:
called_computation.1_lowered:
.L_overlay_start_0:
0x88: {  	s2 =	sld [smem:$0x3FD9]  }
0x89: {  	s3 =	sld [smem:$0x3FFE];
	_ =	sdelay $0x1  }
0x8a: {  	s1 =	srdreg.scid  }
0x8b: {  	s0 =	sand.u32 $0x1, s1  }
0x8c: {  	s16 =	sshll.u32 s0, $0xA;
	s2 =	sadd.s32 s3, s2  }
0x8d: {  	s2 =	sadd.s32 s2, s16  }
0x8e: {  	[smem:$0x3FBD] =	sst s2  }
0x8f: {  	_ = 	snop  }
0x90: {  	(tm) =	ssettm $0x1  }
0x91: {  	s17 =	sld [smem:$0x3FFB];
	_ =	sdelay $0x3  }
0x92: {  	_ =	strace s17  }
0x93: {  	s2 =	sld [smem:$0x3FFC];
	_ =	sdelay $0x3  }
0x94: {  	_ =	strace s2  }
0x95: {  	s2 =	sld [smem:$0x3FFD];
	_ =	sdelay $0x3  }
0x96: {  	_ =	strace s2  }
0x97: {  	_ =	strace $0x8FFFFFFF  }
0x98: {  	s18 =	sld [smem:$0x3FDB];
	_ =	sdelay $0x1  }
0x99: {  	s19 =	simm.s32 $_scs_section_size  }
0x9a: {  	s4 =	simm.s32 $_size__tile_overlayer_lowered;
	s5 =	simm.s32 $_tile_overlayer_lowered  }
0x9b: {  	s22 =	simm.s32 $0x1BFF;
	s21 =	sshll.u32 s5, $0x1;
	s2 =	sadd.s32 s19, s18  }
0x9c: {  	s6 =	simm.s32 $0x0;
	s20 =	sshll.u32 s4, $0x1;
	s4 =	sadd.s32 s21, s2  }
0x9d: {  	[timem:s6], [sflag:s22] =	dma.local [hbm:s4], s20  }
0x9e: {  	_ =	swait.ge [sflag:s22], s20  }
0x9f: {  	s3 =	ssub.s32 $0x0, s20;
	[sflag:s22] =	ssyncset.done $0x0  }
0xa0: {  	[sflag:s22] =	ssyncadd.s32 s3;
	_ =	sdelay $0x1  }
0xa1: {  	s23 =	simm.s32 $0x1B8B  }
0xa2: {  	_ =	swait.ge [sflag:s23], $0x1  }
0xa3: {  	[sflag:s23] =	ssyncset.done $0x0  }
0xa4: {  	s25 =	simm.s32 $0x1B8E;
	s24 =	sld [smem:$0x3FFE];
	[sflag:s23] =	ssyncadd.s32 $0xFFFFFFFF  }
0xa5: {  	s26 =	simm.s32 $execute0_lowered;
	[smem:$0x3FD2] =	sst s25  }
0xa6: {  	s4 =	sshll.u32 s26, $0x1;
	_ =	strace $0x80000046;
	[dreg:$0x1] =	wrdreg $0xFFFFFFFF  }
0xa7: {  	s28 =	simm.s32 $_size_execute0_lowered;
	s2 =	sadd.s32 s2, s4;
	[dreg:$0x0] =	wrdreg $0x0  }
0xa8: {  	s4 =	sshll.u32 s28, $0x1;
	[dreg:$0x2] =	wrdreg s2  }
0xa9: {  	[dreg:$0x3] =	wrdreg s4  }
0xaa: {  	[dreg:$0x4] =	wrdreg $0xC0  }
0xab: {  	_ =	task [dreg:s6], $0x5FFFF  }
0xac: {  	[dreg:$0x1] =	wrdreg $0xFFFFFFFF  }
0xad: {  	[dreg:$0x0] =	wrdreg $0x60  }
0xae: {  	[dreg:$0x2] =	wrdreg s24  }
0xaf: {  	[dreg:$0x3] =	wrdreg $0x9  }
0xb0: {  	_ =	task.clear_ibuf [dreg:s6], $0x4FFFF;
	_ =	strace $0x90000046  }
0xb1: {  	s29 =	simm.s32 $0x9;
	_ =	strace $0x80000048  }
0xb2: {  	_ =	swait.ge [sflag:s29], $0x1  }
0xb3: {  	[sflag:s29] =	ssyncadd.s32 $0xFFFFFFFF  }
0xb4: {  	_ =	strace $0x90000048  }
0xb5: {  	_ =	sfence  }
0xb6: {  	s30 =	sld [smem:$0x0];
	_ =	sdelay $0x2  }
0xb7: {  	s31 =	sshll.u32 s1, $0xD;
	s1 =	sshrl.u32 s1, $0x2  }
0xb8: {  	s3 =	sand.u32 $0x4000, s31;
	s1 =	sadd.s32 s1, s30  }
0xb9: {  	s0 =	sor.u32 s3, s0;
	s1 =	sshll.u32 s1, $0x11  }
0xba: {  	s0 =	sor.u32 s1, s0  }
0xbb: {  	s0 =	sadd.s32 $0x8F2B, s0  }
0xbc: {  	[sflag:s0] =	ssyncadd.remote.s32 $0x1  }
0xbd: {  	_ =	sfence.sel $0xFFFF  }
0xbe: {  	[dreg:$0x0] =	wrdreg $0xFFFFFFFF;
	(pc) =	sbr.abs _section_cstart, $3  }
0xbf: {  	[dreg:$0x1] =	wrdreg $0xFFFFFFFF  }
0xc0: {  	_ =	task.clear_ibuf [dreg:s6], $0x2FFFF;
	_ =	strace $0x9FFFFFFF  }
0xc1: {  	(tm) =	ssettm $0x7FFFFFFF  }
tec
execute0_lowered:
.L_overlay_start_1:
0x0: {  	(tag) =	ssettag $0x1  }
0x1: {  	s0 =	srdreg.scid;
	s5 =	rddreg [dreg:$0x0]  }
0x2: {  	s1 =	stileid.u32;
	s6 =	simm.s32 $0x1;
	s9 =	simm.s32 $0x1  }
0x3: {  	s10 =	simm.s32 $0x3;
	s13 =	simm.s32 $0x0;
	s2 =	sshll.u32 s0, $0x6  }
0x4: {  	s12 =	simm.s32 $0x0;
	s3 =	sshll.u32 s1, $0x7;
	s2 =	sand.u32 $0x40, s2  }
0x5: {  	s0 =	rddreg [dreg:$0x1];
	_ =	strace $0x80000047;
	s2 =	sor.u32 s3, s2  }
0x6: {  	s4 =	sadd.s32 $0x1C00, s5;
	[sflag:s6] =	ssyncpa.u1 $0x0;
	s8 =	ssub.s32 $0x1000, s2  }
.Ltmp0:
0x7: {  	s3 =	sadd.s32 $0xC00, s5;
	s7 =	sand.u32 $0x7C0, s8;
	(pc) =	sbr.rel .LBB2_1-.Ltmp0, $4  }
0x8: {  	s5 =	sadd.s32 $0x2000, s5;
	s11 =	smov.u32 s2;
	p0 =	sne.s32 s7, $0x0  }
0x9: {  	s8 =	sshrl.u32 s8, $0xB;
	s7 =	simm.s32 $0x2;
	s9 =	simm.s32 @!p0 $0x0  }
0xa: {  	[sflag:s7] =	ssyncpa.u1 $0x0;
	p0 =	por $0x0, $0x0;
	s8 =	sadd.s32 s9, s8  }
0xb: {  	vm0 =	vmmov $0xffff;
	[sflag:s10] =	ssyncpa.u1 $0x0;
	s10 =	simm.s32 $0x0;
	s9 =	sadd.s32 $0x1, s8  }
.LBB2_4:
0xc: {  	v1 =	vsel vm1, $0xFFFFFFFF, v1;
	v2 =	vand.u32 $0x7, v2  }
0xd: {  	v2 =	vsel vm1, $0xFFFFFFFF, v2;
	v3 =	vshll.u32 v1, $0x3  }
0xe: {  	v4 =	vand.u32 $0xFFFF8000, v2;
	v3 =	vand.u32 $0xFFFFFC00, v3;
	v2 =	vshll.u32 v2, $0x7  }
0xf: {  	v3 =	vadd.s32 v3, v4;
	v2 =	vand.u32 $0x380, v2  }
0x10: {  	v1 =	vand.u32 $0x7F, v1;
	v2 =	vor.u32 v2, v3  }
0x11: {  	v1 =	vor.u32 v1, v2;
	_ =	sdelay $0x1  }
0x12: {  	(ifvalue) =	ssetifvalue $0x7FFFFFFF;
	s15 =	sadd.s32 $0x10, s15  }
0x13: {  	[tilespmem:s15], [sflag:$0x1] =	stream.indirect_vreg.gather [hbm4b:s3+s10], $0x1, v0, vm0, $0x4038;
	[tilespmem:$0x100] =	vst v63  }
0x14: {  	(ifvalue) =	ssetifvalue $0x7FFFFFFF;
	s15 =	sadd.s32 $0x10, s15  }
0x15: {  	[tilespmem:s15], [sflag:$0x1] =	stream.indirect_vreg.gather [hbm4b:s3+s10], $0x1, v1, vm0, $0x4038;
	[tilespmem:$0x100] =	vst v63  }
0x16: {  	_ =	swait.ge [sflag:s6], $0x40  }
0x17: {  	s30 =	sshrl.u32 s13, $0x3;
	[sflag:s6] =	ssyncset.done $0x0  }
0x18: {  	s31 =	sand.u32 $0x7, s13;
	s15 =	sadd.s32 s5, s30;
	[sflag:s6] =	ssyncadd.s32 $0xFFFFFFC0  }
0x19: {  	[hbm4b:s15+s31] =	stream.linear.scatter [tilespmem:s14], [sflag:$0x3], $0x40, $0x38;
	[tilespmem:$0x100] =	vst v63  }
.LBB2_5:
0x1a: {  	s15 =	sadd.s32 $0x800, s11  }
0x1b: {  	p2 =	sgt.s32 s15, $0xFFF  }
0x1c: {  	s15 =	smov.u32 @p2 s2;
	p2 =	sne.s32 s12, s9  }
.Ltmp1:
0x1d: {  	p1 =	slt.u32 s12, $0x2;
	(pc) =	sbr.rel @!p2 .LBB2_6-.Ltmp1, $4  }
0x1e: {  	s14 =	simm.s32 @!p1 $0x3  }
0x1f: {  	s16 =	sadd.s32 $0x1, s12;
	_ =	swait.ge @!p1 [sflag:s14], $0x40  }
0x20: {  	s13 =	smov.u32 s11;
	p0 =	por !p0, !p0;
	[sflag:s14] =	ssyncset.done @!p1 $0x0  }
0x21: {  	s12 =	smov.u32 s16;
	s11 =	smov.u32 s15;
	[sflag:s14] =	ssyncadd.s32 @!p1 $0xFFFFFFC0  }
.LBB2_1:
0x22: {  	p1 =	sge.u32 s12, s8  }
0x23: {  	s14 =	sxor.u32 @!p1 $0xFFFFFFFF, s12  }
0x24: {  	s31 =	sadd.s32 $0xFFFFFFFF, s12;
	s15 =	sshrl.u32 @!p1 s11, $0x3;
	s14 =	sshll.u32 @!p1 s14, $0x6  }
0x25: {  	s16 =	sand.u32 @!p1 $0x7, s11;
	s15 =	sadd.s32 @!p1 s4, s15;
	s14 =	sand.u32 @!p1 $0x40, s14  }
0x26: {  	[tilespmem:s14], [sflag:$0x2] =	stream.linear.gather @!p1 [hbm4b:s15+s16], $0x40, $0x38;
	[tilespmem:$0x100] =	vst v63  }
0x27: {  	p1 =	sge.u32 s31, s8  }
.Ltmp2:
0x28: {  	_ = 	snop;
	(pc) =	sbr.rel @p1 .LBB2_5-.Ltmp2, $1  }
0x29: {  	_ =	sdelay $0x3  }
0x2a: {  	s14 =	simm.s32 $0x1  }
0x2b: {  	_ =	swait.ge [sflag:s7], $0x40;
	s14 =	simm.s32 @!p0 $0x0  }
0x2c: {  	[sflag:s7] =	ssyncset.done $0x0;
	s14 =	sshll.u32 s14, $0x6  }
0x2d: {  	[sflag:s7] =	ssyncadd.s32 $0xFFFFFFC0;
	(ifvalue) =	ssetifvalue $0x7FFFFFFF;
	v0 =	vld.msk [tilespmem:s14+$0x0 ss:$0x1], $0xffff;
	_ =	sdelay $0x3  }
0x2e: {  	s15 =	sadd.s32 $0x10, s14  }
0x2f: {  	v2 =	vld.msk [tilespmem:s15+$0x0 ss:$0x1], $0xffff;
	vm1 =	veq.s32 v0, $0x80000000;
	v1 =	vand.u32 $0xFFF, v0;
	v0 =	vshrl.u32 v0, $0xC  }
0x30: {  	v1 =	vsel vm1, $0xFFFFFFFF, v1;
	v0 =	vand.u32 $0x7, v0  }
0x31: {  	v0 =	vsel vm1, $0xFFFFFFFF, v0;
	v3 =	vshll.u32 v1, $0x3  }
0x32: {  	v4 =	vand.u32 $0xFFFF8000, v0;
	v3 =	vand.u32 $0xFFFFFC00, v3;
	v0 =	vshll.u32 v0, $0x7  }
0x33: {  	v3 =	vadd.s32 v3, v4;
	v0 =	vand.u32 $0x380, v0  }
0x34: {  	v1 =	vand.u32 $0x7F, v1;
	vm1 =	veq.s32 v2, $0x80000000;
	v0 =	vor.u32 v0, v3  }
0x35: {  	v0 =	vor.u32 v1, v0;
	v1 =	vand.u32 $0xFFF, v2;
	v2 =	vshrl.u32 v2, $0xC  }
0x36: {  	s17 =	sadd.s32 $0x10, s15;
	v1 =	vsel vm1, $0xFFFFFFFF, v1;
	v2 =	vand.u32 $0x7, v2  }
0x37: {  	v3 =	vld.msk [tilespmem:s17+$0x0 ss:$0x1], $0xffff;
	v2 =	vsel vm1, $0xFFFFFFFF, v2;
	v63 =	vshll.u32 v1, $0x3  }
0x38: {  	v5 =	vand.u32 $0xFFFF8000, v2;
	v4 =	vand.u32 $0xFFFFFC00, v63;
	v2 =	vshll.u32 v2, $0x7  }
0x39: {  	s31 =	sshll.u32 s12, $0x6;
	s15 =	sor.u32 $0x80, s14;
	(ifvalue) =	ssetifvalue $0x7FFFFFFF;
	v4 =	vadd.s32 v4, v5;
	v2 =	vand.u32 $0x380, v2  }
0x3a: {  	[tilespmem:s15], [sflag:$0x1] =	stream.indirect_vreg.gather [hbm4b:s3+s10], $0x1, v0, vm0, $0x4038;
	v0 =	vand.u32 $0x7F, v1;
	v1 =	vor.u32 v2, v4;
	[tilespmem:$0x100] =	vst v63  }
0x3b: {  	s14 =	sand.u32 $0x40, s31;
	v0 =	vor.u32 v0, v1  }
0x3c: {  	s16 =	simm.s32 $0x20;
	s14 =	sor.u32 $0x80, s14;
	s17 =	sadd.s32 $0x10, s17;
	vm1 =	veq.s32 v3, $0x80000000;
	v2 =	vshrl.u32 v3, $0xC;
	v1 =	vand.u32 $0xFFF, v3  }
.LBB2_3:
0x3d: {  	v3 =	vld.msk [tilespmem:s17+$0x0 ss:$0x1], $0xffff;
	s16 =	sadd.s32 $0x10, s16;
	v1 =	vsel vm1, $0xFFFFFFFF, v1;
	v2 =	vand.u32 $0x7, v2  }
0x3e: {  	p1 =	slt.u32 s16, $0x30;
	v2 =	vsel vm1, $0xFFFFFFFF, v2;
	v4 =	vshll.u32 v1, $0x3  }
.Ltmp3:
0x3f: {  	s15 =	sadd.s32 $0x10, s15;
	v5 =	vand.u32 $0xFFFF8000, v2;
	v4 =	vand.u32 $0xFFFFFC00, v4;
	v2 =	vshll.u32 v2, $0x7;
	(ifvalue) =	ssetifvalue $0x7FFFFFFF;
	(pc) =	sbr.rel @p1 .LBB2_3-.Ltmp3, $4  }
0x40: {  	v4 =	vadd.s32 v4, v5;
	v2 =	vand.u32 $0x380, v2;
	[tilespmem:s15], [sflag:$0x1] =	stream.indirect_vreg.gather [hbm4b:s3+s10], $0x1, v0, vm0, $0x4038;
	[tilespmem:$0x100] =	vst v63  }
0x41: {  	v0 =	vand.u32 $0x7F, v1;
	v1 =	vor.u32 v2, v4  }
0x42: {  	v0 =	vor.u32 v0, v1  }
0x43: {  	s17 =	sadd.s32 $0x10, s17;
	vm1 =	veq.s32 v3, $0x80000000;
	v1 =	vand.u32 $0xFFF, v3;
	v2 =	vshrl.u32 v3, $0xC  }
.Ltmp4:
0x44: {  	_ = 	snop;
	(pc) =	sbr.rel .LBB2_4-.Ltmp4, $1  }
0x45: {  	_ =	sdelay $0x3  }
.LBB2_6:
0x46: {  	_ =	sfence.sel $0x180000  }
0x47: {  	s2 =	simm.s32 $0x2;
	[bflag:$0x0] =	sbarrier.arrive $0xFFFF  }
0x48: {  	s30 =	simm.s32 $0x3;
	[sflag:s2] =	ssyncpa.u1 $0x1  }
0x49: {  	s31 =	simm.s32 $0x1;
	[sflag:s30] =	ssyncpa.u1 $0x1  }
0x4a: {  	[sflag:s31] =	ssyncpa.u1 $0x1  }
0x4b: {  	p0 =	sne.s32 s1, $0x0;
	_ =	strace $0x90000047  }
0x4c: {  	s0 =	sadd.s32 @!p0 $0x100000, s0;
	[bflag:$0x2] =	sbarrier.arrive $0xFFFF  }
0x4d: {  	[sflag:s0] =	ssyncadd.tile.s32 @!p0 $0x1;
	_ =	shalt  }
.Lfunc_end2:
_tile_overlayer_lowered:
.L_overlay_start_2:
0x4e: {  	(tag) =	ssettag $0x2  }
0x4f: {  	s0 =	rddreg [dreg:$0x0];
	s2 =	stileid.u32  }
0x50: {  	s1 =	rddreg [dreg:$0x1];
	p0 =	sne.s32 s2, $0x0  }
0x51: {  	s3 =	rddreg [dreg:$0x2];
	[bflag:$0x3] =	sbarrier.arrive $0xFFFF;
	s2 =	simm.s32 @!p0 $0x1C01  }
0x52: {  	[timem:s3], [sflag:s2] =	dma.local @!p0 [hbm:s0], s1  }
0x53: {  	s0 =	simm.s32 @!p0 $0x1  }
0x54: {  	_ =	swait.ge @!p0 [sflag:s0], s1  }
0x55: {  	s1 =	ssub.s32 @!p0 $0x0, s1;
	[sflag:s0] =	ssyncset.done @!p0 $0x0  }
0x56: {  	[sflag:s0] =	ssyncadd.s32 @!p0 s1  }
0x57: {  	[bflag:$0x3] =	sbarrier.arrive $0xFFFF  }
0x58: {  	_ =	shalt  }

// kernel: gather_offload_async_start.2
scs
__scs_entry_jumppad:
0x0: {  	(pc) =	sbr.rel $0x88, $3  }
0x1: {  	(tag) =	ssettag $0x0;
	lr =	simm.s32 $0x1  }
0x2: {  	[smem:$0x3F96] =	sst lr;
	_ =	strace $0xD0000000  }
0x3: {  	_ = 	snop  }
0x4: {  	_ = 	snop  }
0x5: {  	_ = 	snop  }
0x6: {  	_ = 	snop  }
0x7: {  	_ = 	snop  }
__scs_overlays_trampoline_lowered:
0x8: {  	[smem:$0x3FA5] =	sst s0  }
0x9: {  	[smem:$0x3FA6] =	sst s1  }
0xa: {  	[smem:$0x3FA7] =	sst s2  }
0xb: {  	[smem:$0x3FA8] =	sst s3  }
0xc: {  	[smem:$0x3FA9] =	sst s4  }
0xd: {  	[smem:$0x3FAA] =	sst s5  }
0xe: {  	[smem:$0x3FAB] =	sst s6  }
0xf: {  	[smem:$0x3FAC] =	sst s7  }
0x10: {  	[smem:$0x3FAD] =	sst s8  }
0x11: {  	[smem:$0x3FAE] =	sst s9;
	s0 =	simm.s32 @!p0 $0x0  }
0x12: {  	s1 =	sld [smem:$0x3F94];
	s0 =	simm.s32 @p0 $0x1  }
0x13: {  	[smem:$0x3FAF] =	sst s0;
	s0 =	simm.s32 @!p1 $0x0  }
0x14: {  	s2 =	sld [smem:$0x3F93];
	s0 =	simm.s32 @p1 $0x1  }
0x15: {  	[smem:$0x3FB0] =	sst s0;
	s0 =	simm.s32 @!p2 $0x0  }
0x16: {  	s3 =	sld [smem:$0x3FDB];
	s0 =	simm.s32 @p2 $0x1  }
0x17: {  	s4 =	simm.s32 $0x1BF5;
	[smem:$0x3FB2] =	sst s0  }
0x18: {  	s0 =	sld [smem:$0x3F95];
	_ =	swait.ge [sflag:s4], $0x0  }
0x19: {  	s7 =	sld [smem:$0x3F96]  }
0x1a: {  	s8 =	sadd.s32 $0xFFFFE003, lr  }
0x1b: {  	s9 =	sadd.s32 $0xFFFFFEF7, lr;
	s5 =	simm.s32 $0xFFFFFFFF;
	p2 =	slt.u32 s8, $0xFFFFF086  }
0x1c: {  	p1 =	slt.u32 s9, $0xF7A;
	s5 =	simm.s32 @!p2 $0x0  }
0x1d: {  	s5 =	simm.s32 @p1 $0x1;
	p0 =	seq.s32 s7, s2  }
0x1e: {  	s7 =	smul.u32 @!p0 $0xF7A, s2;
	p2 =	seq.s32 @!p0 s5, $0x0  }
0x1f: {  	s9 =	smul.u32 $0xF7A, s1;
	s8 =	simm.s32 @!p0 $0x1BF5;
	p2 =	por !p2, p0  }
0x20: {  	[sflag:s8] =	ssyncset.s32 @!p0 $0xFFFFF086;
	s6 =	sadd.s32 @!p0 s3, s7;
	s7 =	simm.s32 @!p0 $0x108  }
0x21: {  	s3 =	sadd.s32 s3, s9;
	s6 =	sadd.s32 @!p0 $0x88, s6;
	s7 =	simm.s32 @p2 $0x1082  }
0x22: {  	[simem:s7], [sflag:s8] =	dma.local @!p0 [hbm:s6], $0xF7A  }
0x23: {  	s9 =	sor.u32 $0xD0000000, s2;
	s6 =	simm.s32 $0x108;
	_ =	swait.ge @!p0 [sflag:s8], $0x0  }
0x24: {  	s3 =	sadd.s32 $0x88, s3;
	s6 =	simm.s32 @!p1 $0x1082;
	[sflag:s4] =	ssyncset.s32 $0xFFFFF086  }
0x25: {  	[simem:s6], [sflag:s4] =	dma.local [hbm:s3], $0xF7A  }
0x26: {  	[smem:$0x3F96] =	sst s1;
	(tag) =	ssettag s2;
	_ =	strace s9  }
0x27: {  	s1 =	sld [smem:$0x3FA6]  }
0x28: {  	s2 =	sld [smem:$0x3FA7]  }
0x29: {  	s4 =	sld [smem:$0x3FA9]  }
0x2a: {  	p0 =	seq.s32 s5, $0x0;
	s5 =	sld [smem:$0x3FAA]  }
0x2b: {  	s6 =	sld [smem:$0x3FAB]  }
0x2c: {  	s7 =	sld [smem:$0x3FAC]  }
0x2d: {  	s3 =	simm.s32 $0x108;
	s8 =	sld [smem:$0x3FAD]  }
0x2e: {  	s3 =	simm.s32 @!p0 $0x1082;
	s9 =	sld [smem:$0x3FAE]  }
0x2f: {  	lr =	sadd.s32 s0, s3;
	s0 =	sld [smem:$0x3FA5]  }
0x30: {  	s3 =	sld [smem:$0x3FA8]  }
0x31: {  	[smem:$0x3FB1] =	sst s10  }
0x32: {  	s10 =	sld [smem:$0x3FAF];
	_ =	sdelay $0x3  }
0x33: {  	p0 =	seq.s32 s10, $0x1;
	s10 =	sld [smem:$0x3FB1];
	_ =	sdelay $0x3  }
0x34: {  	[smem:$0x3FB1] =	sst s10  }
0x35: {  	s10 =	sld [smem:$0x3FB0];
	_ =	sdelay $0x3  }
0x36: {  	p1 =	seq.s32 s10, $0x1;
	s10 =	sld [smem:$0x3FB1];
	_ =	sdelay $0x3  }
0x37: {  	[smem:$0x3FB1] =	sst s10  }
0x38: {  	s10 =	sld [smem:$0x3FB2]  }
0x39: {  	_ = 	snop;
	(pc) =	sbr.ind lr, $3  }
0x3a: {  	_ = 	snop  }
0x3b: {  	_ = 	snop  }
0x3c: {  	p2 =	seq.s32 s10, $0x1;
	s10 =	sld [smem:$0x3FB1]  }
0x3d: {  	_ =	shalt  }
0x3e: {  	_ =	shalt  }
0x3f: {  	_ =	shalt  }
0x40: {  	_ =	shalt  }
0x41: {  	_ =	shalt  }
0x42: {  	_ =	shalt  }
0x43: {  	_ =	shalt  }
0x44: {  	_ =	shalt  }
0x45: {  	_ =	shalt  }
0x46: {  	_ =	shalt  }
0x47: {  	_ =	shalt  }
0x48: {  	_ =	shalt  }
0x49: {  	_ =	shalt  }
0x4a: {  	_ =	shalt  }
0x4b: {  	_ =	shalt  }
0x4c: {  	_ =	shalt  }
0x4d: {  	_ =	shalt  }
0x4e: {  	_ =	shalt  }
0x4f: {  	_ =	shalt  }
0x50: {  	_ =	shalt  }
0x51: {  	_ =	shalt  }
0x52: {  	_ =	shalt  }
0x53: {  	_ =	shalt  }
0x54: {  	_ =	shalt  }
0x55: {  	_ =	shalt  }
0x56: {  	_ =	shalt  }
0x57: {  	_ =	shalt  }
0x58: {  	_ =	shalt  }
0x59: {  	_ =	shalt  }
0x5a: {  	_ =	shalt  }
0x5b: {  	_ =	shalt  }
0x5c: {  	_ =	shalt  }
0x5d: {  	_ =	shalt  }
0x5e: {  	_ =	shalt  }
0x5f: {  	_ =	shalt  }
0x60: {  	_ =	shalt  }
0x61: {  	_ =	shalt  }
0x62: {  	_ =	shalt  }
0x63: {  	_ =	shalt  }
0x64: {  	_ =	shalt  }
0x65: {  	_ =	shalt  }
0x66: {  	_ =	shalt  }
0x67: {  	_ =	shalt  }
0x68: {  	_ =	shalt  }
0x69: {  	_ =	shalt  }
0x6a: {  	_ =	shalt  }
0x6b: {  	_ =	shalt  }
0x6c: {  	_ =	shalt  }
0x6d: {  	_ =	shalt  }
0x6e: {  	_ =	shalt  }
0x6f: {  	_ =	shalt  }
0x70: {  	_ =	shalt  }
0x71: {  	_ =	shalt  }
0x72: {  	_ =	shalt  }
0x73: {  	_ =	shalt  }
0x74: {  	_ =	shalt  }
0x75: {  	_ =	shalt  }
0x76: {  	_ =	shalt  }
0x77: {  	_ =	shalt  }
0x78: {  	_ =	shalt  }
0x79: {  	_ =	shalt  }
0x7a: {  	_ =	shalt  }
0x7b: {  	_ =	shalt  }
0x7c: {  	_ =	shalt  }
0x7d: {  	_ =	shalt  }
0x7e: {  	_ =	shalt  }
0x7f: {  	_ =	shalt  }
0x80: {  	_ =	shalt  }
0x81: {  	_ =	shalt  }
0x82: {  	_ =	shalt  }
0x83: {  	_ =	shalt  }
0x84: {  	_ =	shalt  }
0x85: {  	_ =	shalt  }
0x86: {  	_ =	shalt  }
0x87: {  	_ =	shalt  }
.Lfunc_end0:
.L_simem_size_0:
called_computation.2_lowered:
.L_overlay_start_0:
0x88: {  	s2 =	sld [smem:$0x3FD9]  }
0x89: {  	s3 =	sld [smem:$0x3FFE];
	_ =	sdelay $0x1  }
0x8a: {  	s1 =	srdreg.scid  }
0x8b: {  	s0 =	sand.u32 $0x1, s1  }
0x8c: {  	s17 =	sshll.u32 s0, $0xA;
	s2 =	sadd.s32 s3, s2  }
0x8d: {  	s2 =	sadd.s32 s2, s17  }
0x8e: {  	[smem:$0x3FBD] =	sst s2  }
0x8f: {  	_ = 	snop  }
0x90: {  	s2 =	sld [smem:$0x3FD0];
	(tm) =	ssettm $0x1  }
0x91: {  	s18 =	sld [smem:$0x3FFB];
	_ =	sdelay $0x3  }
0x92: {  	_ =	strace s18  }
0x93: {  	s3 =	sld [smem:$0x3FFC];
	_ =	sdelay $0x3  }
0x94: {  	_ =	strace s3  }
0x95: {  	s3 =	sld [smem:$0x3FFD];
	_ =	sdelay $0x3  }
0x96: {  	_ =	strace s3  }
0x97: {  	_ =	strace $0x8FFFFFFF  }
0x98: {  	s19 =	sld [smem:$0x3FDB];
	_ =	sdelay $0x1  }
0x99: {  	s4 =	simm.s32 $_scs_section_size  }
0x9a: {  	s5 =	simm.s32 $_size__tile_overlayer_lowered;
	s6 =	simm.s32 $_tile_overlayer_lowered  }
0x9b: {  	s22 =	simm.s32 $0x1BFF;
	s21 =	sshll.u32 s6, $0x1;
	s3 =	sadd.s32 s4, s19  }
0x9c: {  	s7 =	simm.s32 $0x0;
	s20 =	sshll.u32 s5, $0x1;
	s5 =	sadd.s32 s21, s3  }
0x9d: {  	[timem:s7], [sflag:s22] =	dma.local [hbm:s5], s20  }
0x9e: {  	_ =	swait.ge [sflag:s22], s20  }
0x9f: {  	s4 =	ssub.s32 $0x0, s20;
	[sflag:s22] =	ssyncset.done $0x0  }
0xa0: {  	[sflag:s22] =	ssyncadd.s32 s4;
	_ =	sdelay $0x1  }
0xa1: {  	s23 =	simm.s32 $0x1B8B  }
0xa2: {  	_ =	swait.ge [sflag:s23], $0x1  }
0xa3: {  	[sflag:s23] =	ssyncset.done $0x0  }
0xa4: {  	s25 =	simm.s32 $0x1B8E;
	s24 =	sld [smem:$0x3FFE];
	[sflag:s23] =	ssyncadd.s32 $0xFFFFFFFF  }
0xa5: {  	s26 =	simm.s32 $execute0_lowered;
	[smem:$0x3FD2] =	sst s25  }
0xa6: {  	s5 =	sshll.u32 s26, $0x1;
	_ =	strace $0x80000049;
	[dreg:$0x1] =	wrdreg $0xFFFFFFFF  }
0xa7: {  	s28 =	simm.s32 $_size_execute0_lowered;
	s3 =	sadd.s32 s3, s5;
	[dreg:$0x0] =	wrdreg $0x0  }
0xa8: {  	s5 =	sshll.u32 s28, $0x1;
	[dreg:$0x2] =	wrdreg s3  }
0xa9: {  	[dreg:$0x3] =	wrdreg s5  }
0xaa: {  	[dreg:$0x4] =	wrdreg $0xC0  }
0xab: {  	_ =	task [dreg:s7], $0x5FFFF  }
0xac: {  	[dreg:$0x1] =	wrdreg $0xFFFFFFFF  }
0xad: {  	[dreg:$0x0] =	wrdreg $0x60  }
0xae: {  	[dreg:$0x2] =	wrdreg s2  }
0xaf: {  	[dreg:$0x3] =	wrdreg s24  }
0xb0: {  	[dreg:$0x4] =	wrdreg $0xA  }
0xb1: {  	_ =	task.clear_ibuf [dreg:s7], $0x5FFFF;
	_ =	strace $0x90000049  }
0xb2: {  	s29 =	simm.s32 $0xA;
	_ =	strace $0x8000004B  }
0xb3: {  	_ =	swait.ge [sflag:s29], $0x1  }
0xb4: {  	[sflag:s29] =	ssyncadd.s32 $0xFFFFFFFF  }
0xb5: {  	_ =	strace $0x9000004B  }
0xb6: {  	_ =	sfence  }
0xb7: {  	s30 =	sld [smem:$0x0];
	_ =	sdelay $0x2  }
0xb8: {  	s31 =	sshll.u32 s1, $0xD;
	s1 =	sshrl.u32 s1, $0x2  }
0xb9: {  	s3 =	sand.u32 $0x4000, s31;
	s1 =	sadd.s32 s1, s30  }
0xba: {  	s0 =	sor.u32 s3, s0;
	s1 =	sshll.u32 s1, $0x11  }
0xbb: {  	s0 =	sor.u32 s1, s0  }
0xbc: {  	s0 =	sadd.s32 $0x8F2B, s0  }
0xbd: {  	[sflag:s0] =	ssyncadd.remote.s32 $0x1  }
0xbe: {  	_ =	sfence.sel $0xFFFF  }
0xbf: {  	[dreg:$0x0] =	wrdreg $0xFFFFFFFF;
	(pc) =	sbr.abs _section_cstart, $3  }
0xc0: {  	[dreg:$0x1] =	wrdreg $0xFFFFFFFF  }
0xc1: {  	_ =	task.clear_ibuf [dreg:s7], $0x2FFFF;
	_ =	strace $0x9FFFFFFF  }
0xc2: {  	(tm) =	ssettm $0x7FFFFFFF  }
0xc3: {  	_ =	shalt  }
tec
execute0_lowered:
.L_overlay_start_1:
0x0: {  	(tag) =	ssettag $0x1  }
0x1: {  	s1 =	srdreg.scid;
	s2 =	rddreg [dreg:$0x0]  }
0x2: {  	s0 =	stileid.u32;
	s3 =	rddreg [dreg:$0x1]  }
0x3: {  	s6 =	simm.s32 $0x1;
	s9 =	simm.s32 $0x1;
	s1 =	sshll.u32 s1, $0x6  }
0x4: {  	s10 =	simm.s32 $0x3;
	s4 =	sshll.u32 s0, $0x7;
	s5 =	sand.u32 $0x40, s1  }
0x5: {  	s13 =	simm.s32 $0x0;
	s12 =	simm.s32 $0x0;
	s4 =	sor.u32 s4, s5  }
0x6: {  	s1 =	rddreg [dreg:$0x2];
	_ =	strace $0x8000004A;
	s8 =	ssub.s32 $0x1000, s4  }
.Ltmp0:
0x7: {  	s5 =	sadd.s32 $0x1E00, s3;
	s7 =	sand.u32 $0x7C0, s8;
	(pc) =	sbr.rel .LBB2_1-.Ltmp0, $4  }
0x8: {  	[sflag:s6] =	ssyncpa.u1 $0x0;
	s11 =	smov.u32 s4;
	p0 =	sne.s32 s7, $0x0  }
0x9: {  	s8 =	sshrl.u32 s8, $0xB;
	s7 =	simm.s32 $0x2;
	s9 =	simm.s32 @!p0 $0x0  }
0xa: {  	[sflag:s7] =	ssyncpa.u1 $0x0;
	p0 =	por $0x0, $0x0;
	s8 =	sadd.s32 s9, s8  }
0xb: {  	vm0 =	vmmov $0xffff;
	[sflag:s10] =	ssyncpa.u1 $0x0;
	s10 =	simm.s32 $0x0;
	s9 =	sadd.s32 $0x1, s8  }
.LBB2_4:
0xc: {  	v1 =	vsel vm1, $0xFFFFFFFF, v1;
	v2 =	vand.u32 $0x7, v2  }
0xd: {  	v2 =	vsel vm1, $0xFFFFFFFF, v2;
	v3 =	vshll.u32 v1, $0x3  }
0xe: {  	v4 =	vand.u32 $0xFFFF8000, v2;
	v3 =	vand.u32 $0xFFFFFC00, v3;
	v2 =	vshll.u32 v2, $0x7  }
0xf: {  	v3 =	vadd.s32 v3, v4;
	v2 =	vand.u32 $0x380, v2  }
0x10: {  	v1 =	vand.u32 $0x7F, v1;
	v2 =	vor.u32 v2, v3  }
0x11: {  	v1 =	vor.u32 v1, v2;
	_ =	sdelay $0x1  }
0x12: {  	(ifvalue) =	ssetifvalue $0x7FFFFFFF;
	s15 =	sadd.s32 $0x10, s15  }
0x13: {  	[tilespmem:s15], [sflag:$0x1] =	stream.indirect_vreg.gather [hbm4b:s2+s10], $0x1, v0, vm0, $0x4038;
	[tilespmem:$0x100] =	vst v63  }
0x14: {  	(ifvalue) =	ssetifvalue $0x7FFFFFFF;
	s15 =	sadd.s32 $0x10, s15  }
0x15: {  	[tilespmem:s15], [sflag:$0x1] =	stream.indirect_vreg.gather [hbm4b:s2+s10], $0x1, v1, vm0, $0x4038;
	[tilespmem:$0x100] =	vst v63  }
0x16: {  	_ =	swait.ge [sflag:s6], $0x40  }
0x17: {  	s30 =	sshrl.u32 s13, $0x3;
	[sflag:s6] =	ssyncset.done $0x0  }
0x18: {  	s31 =	sand.u32 $0x7, s13;
	s15 =	sadd.s32 s3, s30;
	[sflag:s6] =	ssyncadd.s32 $0xFFFFFFC0  }
0x19: {  	[hbm4b:s15+s31] =	stream.linear.scatter [tilespmem:s14], [sflag:$0x3], $0x40, $0x38;
	[tilespmem:$0x100] =	vst v63  }
.LBB2_5:
0x1a: {  	s15 =	sadd.s32 $0x800, s11  }
0x1b: {  	p2 =	sgt.s32 s15, $0xFFF  }
0x1c: {  	s15 =	smov.u32 @p2 s4;
	p2 =	sne.s32 s12, s9  }
.Ltmp1:
0x1d: {  	p1 =	slt.u32 s12, $0x2;
	(pc) =	sbr.rel @!p2 .LBB2_6-.Ltmp1, $4  }
0x1e: {  	s14 =	simm.s32 @!p1 $0x3  }
0x1f: {  	s16 =	sadd.s32 $0x1, s12;
	_ =	swait.ge @!p1 [sflag:s14], $0x40  }
0x20: {  	s13 =	smov.u32 s11;
	p0 =	por !p0, !p0;
	[sflag:s14] =	ssyncset.done @!p1 $0x0  }
0x21: {  	s12 =	smov.u32 s16;
	s11 =	smov.u32 s15;
	[sflag:s14] =	ssyncadd.s32 @!p1 $0xFFFFFFC0  }
.LBB2_1:
0x22: {  	p1 =	sge.u32 s12, s8  }
0x23: {  	s14 =	sxor.u32 @!p1 $0xFFFFFFFF, s12  }
0x24: {  	s31 =	sadd.s32 $0xFFFFFFFF, s12;
	s15 =	sshrl.u32 @!p1 s11, $0x3;
	s14 =	sshll.u32 @!p1 s14, $0x6  }
0x25: {  	s16 =	sand.u32 @!p1 $0x7, s11;
	s15 =	sadd.s32 @!p1 s5, s15;
	s14 =	sand.u32 @!p1 $0x40, s14  }
0x26: {  	[tilespmem:s14], [sflag:$0x2] =	stream.linear.gather @!p1 [hbm4b:s15+s16], $0x40, $0x38;
	[tilespmem:$0x100] =	vst v63  }
0x27: {  	p1 =	sge.u32 s31, s8  }
.Ltmp2:
0x28: {  	_ = 	snop;
	(pc) =	sbr.rel @p1 .LBB2_5-.Ltmp2, $1  }
0x29: {  	_ =	sdelay $0x3  }
0x2a: {  	s14 =	simm.s32 $0x1  }
0x2b: {  	_ =	swait.ge [sflag:s7], $0x40;
	s14 =	simm.s32 @!p0 $0x0  }
0x2c: {  	[sflag:s7] =	ssyncset.done $0x0;
	s14 =	sshll.u32 s14, $0x6  }
0x2d: {  	[sflag:s7] =	ssyncadd.s32 $0xFFFFFFC0;
	(ifvalue) =	ssetifvalue $0x7FFFFFFF;
	v0 =	vld.msk [tilespmem:s14+$0x0 ss:$0x1], $0xffff;
	_ =	sdelay $0x3  }
0x2e: {  	s15 =	sadd.s32 $0x10, s14  }
0x2f: {  	v2 =	vld.msk [tilespmem:s15+$0x0 ss:$0x1], $0xffff;
	vm1 =	veq.s32 v0, $0x80000000;
	v1 =	vand.u32 $0xFFF, v0;
	v0 =	vshrl.u32 v0, $0xC  }
0x30: {  	v1 =	vsel vm1, $0xFFFFFFFF, v1;
	v0 =	vand.u32 $0x7, v0  }
0x31: {  	v0 =	vsel vm1, $0xFFFFFFFF, v0;
	v3 =	vshll.u32 v1, $0x3  }
0x32: {  	v4 =	vand.u32 $0xFFFF8000, v0;
	v3 =	vand.u32 $0xFFFFFC00, v3;
	v0 =	vshll.u32 v0, $0x7  }
0x33: {  	v3 =	vadd.s32 v3, v4;
	v0 =	vand.u32 $0x380, v0  }
0x34: {  	v1 =	vand.u32 $0x7F, v1;
	vm1 =	veq.s32 v2, $0x80000000;
	v0 =	vor.u32 v0, v3  }
0x35: {  	v0 =	vor.u32 v1, v0;
	v1 =	vand.u32 $0xFFF, v2;
	v2 =	vshrl.u32 v2, $0xC  }
0x36: {  	s17 =	sadd.s32 $0x10, s15;
	v1 =	vsel vm1, $0xFFFFFFFF, v1;
	v2 =	vand.u32 $0x7, v2  }
0x37: {  	v3 =	vld.msk [tilespmem:s17+$0x0 ss:$0x1], $0xffff;
	v2 =	vsel vm1, $0xFFFFFFFF, v2;
	v63 =	vshll.u32 v1, $0x3  }
0x38: {  	v5 =	vand.u32 $0xFFFF8000, v2;
	v4 =	vand.u32 $0xFFFFFC00, v63;
	v2 =	vshll.u32 v2, $0x7  }
0x39: {  	s31 =	sshll.u32 s12, $0x6;
	s15 =	sor.u32 $0x80, s14;
	(ifvalue) =	ssetifvalue $0x7FFFFFFF;
	v4 =	vadd.s32 v4, v5;
	v2 =	vand.u32 $0x380, v2  }
0x3a: {  	[tilespmem:s15], [sflag:$0x1] =	stream.indirect_vreg.gather [hbm4b:s2+s10], $0x1, v0, vm0, $0x4038;
	v0 =	vand.u32 $0x7F, v1;
	v1 =	vor.u32 v2, v4;
	[tilespmem:$0x100] =	vst v63  }
0x3b: {  	s14 =	sand.u32 $0x40, s31;
	v0 =	vor.u32 v0, v1  }
0x3c: {  	s16 =	simm.s32 $0x20;
	s14 =	sor.u32 $0x80, s14;
	s17 =	sadd.s32 $0x10, s17;
	vm1 =	veq.s32 v3, $0x80000000;
	v2 =	vshrl.u32 v3, $0xC;
	v1 =	vand.u32 $0xFFF, v3  }
.LBB2_3:
0x3d: {  	v3 =	vld.msk [tilespmem:s17+$0x0 ss:$0x1], $0xffff;
	s16 =	sadd.s32 $0x10, s16;
	v1 =	vsel vm1, $0xFFFFFFFF, v1;
	v2 =	vand.u32 $0x7, v2  }
0x3e: {  	p1 =	slt.u32 s16, $0x30;
	v2 =	vsel vm1, $0xFFFFFFFF, v2;
	v4 =	vshll.u32 v1, $0x3  }
.Ltmp3:
0x3f: {  	s15 =	sadd.s32 $0x10, s15;
	v5 =	vand.u32 $0xFFFF8000, v2;
	v4 =	vand.u32 $0xFFFFFC00, v4;
	v2 =	vshll.u32 v2, $0x7;
	(ifvalue) =	ssetifvalue $0x7FFFFFFF;
	(pc) =	sbr.rel @p1 .LBB2_3-.Ltmp3, $4  }
0x40: {  	v4 =	vadd.s32 v4, v5;
	v2 =	vand.u32 $0x380, v2;
	[tilespmem:s15], [sflag:$0x1] =	stream.indirect_vreg.gather [hbm4b:s2+s10], $0x1, v0, vm0, $0x4038;
	[tilespmem:$0x100] =	vst v63  }
0x41: {  	v0 =	vand.u32 $0x7F, v1;
	v1 =	vor.u32 v2, v4  }
0x42: {  	v0 =	vor.u32 v0, v1  }
0x43: {  	s17 =	sadd.s32 $0x10, s17;
	vm1 =	veq.s32 v3, $0x80000000;
	v1 =	vand.u32 $0xFFF, v3;
	v2 =	vshrl.u32 v3, $0xC  }
.Ltmp4:
0x44: {  	_ = 	snop;
	(pc) =	sbr.rel .LBB2_4-.Ltmp4, $1  }
0x45: {  	_ =	sdelay $0x3  }
.LBB2_6:
0x46: {  	_ =	sfence.sel $0x180000  }
0x47: {  	s2 =	simm.s32 $0x2;
	[bflag:$0x0] =	sbarrier.arrive $0xFFFF  }
0x48: {  	s30 =	simm.s32 $0x3;
	[sflag:s2] =	ssyncpa.u1 $0x1  }
0x49: {  	s31 =	simm.s32 $0x1;
	[sflag:s30] =	ssyncpa.u1 $0x1  }
0x4a: {  	[sflag:s31] =	ssyncpa.u1 $0x1  }
0x4b: {  	p0 =	sne.s32 s0, $0x0;
	_ =	strace $0x9000004A  }
0x4c: {  	s0 =	sadd.s32 @!p0 $0x100000, s1;
	[bflag:$0x2] =	sbarrier.arrive $0xFFFF  }
0x4d: {  	[sflag:s0] =	ssyncadd.tile.s32 @!p0 $0x1;
	_ =	shalt  }
.Lfunc_end2:
_tile_overlayer_lowered:
.L_overlay_start_2:
0x4e: {  	(tag) =	ssettag $0x2  }
0x4f: {  	s0 =	rddreg [dreg:$0x0];
	s2 =	stileid.u32  }
0x50: {  	s1 =	rddreg [dreg:$0x1];
	p0 =	sne.s32 s2, $0x0  }
0x51: {  	s3 =	rddreg [dreg:$0x2];
	[bflag:$0x3] =	sbarrier.arrive $0xFFFF;
	s2 =	simm.s32 @!p0 $0x1C01  }
0x52: {  	[timem:s3], [sflag:s2] =	dma.local @!p0 [hbm:s0], s1  }
0x53: {  	s0 =	simm.s32 @!p0 $0x1  }
0x54: {  	_ =	swait.ge @!p0 [sflag:s0], s1  }
0x55: {  	s1 =	ssub.s32 @!p0 $0x0, s1;
	[sflag:s0] =	ssyncset.done @!p0 $0x0  }
0x56: {  	[sflag:s0] =	ssyncadd.s32 @!p0 s1  }
0x57: {  	[bflag:$0x3] =	sbarrier.arrive $0xFFFF  }
0x58: {  	_ =	shalt  }

// kernel: gather_offload_async_start
scs
__scs_entry_jumppad:
0x0: {  	(pc) =	sbr.rel $0x88, $3  }
0x1: {  	(tag) =	ssettag $0x0;
	lr =	simm.s32 $0x1  }
0x2: {  	[smem:$0x3F96] =	sst lr;
	_ =	strace $0xD0000000  }
0x3: {  	_ = 	snop  }
0x4: {  	_ = 	snop  }
0x5: {  	_ = 	snop  }
0x6: {  	_ = 	snop  }
0x7: {  	_ = 	snop  }
__scs_overlays_trampoline_lowered:
0x8: {  	[smem:$0x3FA5] =	sst s0  }
0x9: {  	[smem:$0x3FA6] =	sst s1  }
0xa: {  	[smem:$0x3FA7] =	sst s2  }
0xb: {  	[smem:$0x3FA8] =	sst s3  }
0xc: {  	[smem:$0x3FA9] =	sst s4  }
0xd: {  	[smem:$0x3FAA] =	sst s5  }
0xe: {  	[smem:$0x3FAB] =	sst s6  }
0xf: {  	[smem:$0x3FAC] =	sst s7  }
0x10: {  	[smem:$0x3FAD] =	sst s8  }
0x11: {  	[smem:$0x3FAE] =	sst s9;
	s0 =	simm.s32 @!p0 $0x0  }
0x12: {  	s1 =	sld [smem:$0x3F94];
	s0 =	simm.s32 @p0 $0x1  }
0x13: {  	[smem:$0x3FAF] =	sst s0;
	s0 =	simm.s32 @!p1 $0x0  }
0x14: {  	s2 =	sld [smem:$0x3F93];
	s0 =	simm.s32 @p1 $0x1  }
0x15: {  	[smem:$0x3FB0] =	sst s0;
	s0 =	simm.s32 @!p2 $0x0  }
0x16: {  	s3 =	sld [smem:$0x3FDB];
	s0 =	simm.s32 @p2 $0x1  }
0x17: {  	s4 =	simm.s32 $0x1BF5;
	[smem:$0x3FB2] =	sst s0  }
0x18: {  	s0 =	sld [smem:$0x3F95];
	_ =	swait.ge [sflag:s4], $0x0  }
0x19: {  	s7 =	sld [smem:$0x3F96]  }
0x1a: {  	s8 =	sadd.s32 $0xFFFFE003, lr  }
0x1b: {  	s9 =	sadd.s32 $0xFFFFFEF7, lr;
	s5 =	simm.s32 $0xFFFFFFFF;
	p2 =	slt.u32 s8, $0xFFFFF086  }
0x1c: {  	p1 =	slt.u32 s9, $0xF7A;
	s5 =	simm.s32 @!p2 $0x0  }
0x1d: {  	s5 =	simm.s32 @p1 $0x1;
	p0 =	seq.s32 s7, s2  }
0x1e: {  	s7 =	smul.u32 @!p0 $0xF7A, s2;
	p2 =	seq.s32 @!p0 s5, $0x0  }
0x1f: {  	s9 =	smul.u32 $0xF7A, s1;
	s8 =	simm.s32 @!p0 $0x1BF5;
	p2 =	por !p2, p0  }
0x20: {  	[sflag:s8] =	ssyncset.s32 @!p0 $0xFFFFF086;
	s6 =	sadd.s32 @!p0 s3, s7;
	s7 =	simm.s32 @!p0 $0x108  }
0x21: {  	s3 =	sadd.s32 s3, s9;
	s6 =	sadd.s32 @!p0 $0x88, s6;
	s7 =	simm.s32 @p2 $0x1082  }
0x22: {  	[simem:s7], [sflag:s8] =	dma.local @!p0 [hbm:s6], $0xF7A  }
0x23: {  	s9 =	sor.u32 $0xD0000000, s2;
	s6 =	simm.s32 $0x108;
	_ =	swait.ge @!p0 [sflag:s8], $0x0  }
0x24: {  	s3 =	sadd.s32 $0x88, s3;
	s6 =	simm.s32 @!p1 $0x1082;
	[sflag:s4] =	ssyncset.s32 $0xFFFFF086  }
0x25: {  	[simem:s6], [sflag:s4] =	dma.local [hbm:s3], $0xF7A  }
0x26: {  	[smem:$0x3F96] =	sst s1;
	(tag) =	ssettag s2;
	_ =	strace s9  }
0x27: {  	s1 =	sld [smem:$0x3FA6]  }
0x28: {  	s2 =	sld [smem:$0x3FA7]  }
0x29: {  	s4 =	sld [smem:$0x3FA9]  }
0x2a: {  	p0 =	seq.s32 s5, $0x0;
	s5 =	sld [smem:$0x3FAA]  }
0x2b: {  	s6 =	sld [smem:$0x3FAB]  }
0x2c: {  	s7 =	sld [smem:$0x3FAC]  }
0x2d: {  	s3 =	simm.s32 $0x108;
	s8 =	sld [smem:$0x3FAD]  }
0x2e: {  	s3 =	simm.s32 @!p0 $0x1082;
	s9 =	sld [smem:$0x3FAE]  }
0x2f: {  	lr =	sadd.s32 s0, s3;
	s0 =	sld [smem:$0x3FA5]  }
0x30: {  	s3 =	sld [smem:$0x3FA8]  }
0x31: {  	[smem:$0x3FB1] =	sst s10  }
0x32: {  	s10 =	sld [smem:$0x3FAF];
	_ =	sdelay $0x3  }
0x33: {  	p0 =	seq.s32 s10, $0x1;
	s10 =	sld [smem:$0x3FB1];
	_ =	sdelay $0x3  }
0x34: {  	[smem:$0x3FB1] =	sst s10  }
0x35: {  	s10 =	sld [smem:$0x3FB0];
	_ =	sdelay $0x3  }
0x36: {  	p1 =	seq.s32 s10, $0x1;
	s10 =	sld [smem:$0x3FB1];
	_ =	sdelay $0x3  }
0x37: {  	[smem:$0x3FB1] =	sst s10  }
0x38: {  	s10 =	sld [smem:$0x3FB2]  }
0x39: {  	_ = 	snop;
	(pc) =	sbr.ind lr, $3  }
0x3a: {  	_ = 	snop  }
0x3b: {  	_ = 	snop  }
0x3c: {  	p2 =	seq.s32 s10, $0x1;
	s10 =	sld [smem:$0x3FB1]  }
0x3d: {  	_ =	shalt  }
0x3e: {  	_ =	shalt  }
0x3f: {  	_ =	shalt  }
0x40: {  	_ =	shalt  }
0x41: {  	_ =	shalt  }
0x42: {  	_ =	shalt  }
0x43: {  	_ =	shalt  }
0x44: {  	_ =	shalt  }
0x45: {  	_ =	shalt  }
0x46: {  	_ =	shalt  }
0x47: {  	_ =	shalt  }
0x48: {  	_ =	shalt  }
0x49: {  	_ =	shalt  }
0x4a: {  	_ =	shalt  }
0x4b: {  	_ =	shalt  }
0x4c: {  	_ =	shalt  }
0x4d: {  	_ =	shalt  }
0x4e: {  	_ =	shalt  }
0x4f: {  	_ =	shalt  }
0x50: {  	_ =	shalt  }
0x51: {  	_ =	shalt  }
0x52: {  	_ =	shalt  }
0x53: {  	_ =	shalt  }
0x54: {  	_ =	shalt  }
0x55: {  	_ =	shalt  }
0x56: {  	_ =	shalt  }
0x57: {  	_ =	shalt  }
0x58: {  	_ =	shalt  }
0x59: {  	_ =	shalt  }
0x5a: {  	_ =	shalt  }
0x5b: {  	_ =	shalt  }
0x5c: {  	_ =	shalt  }
0x5d: {  	_ =	shalt  }
0x5e: {  	_ =	shalt  }
0x5f: {  	_ =	shalt  }
0x60: {  	_ =	shalt  }
0x61: {  	_ =	shalt  }
0x62: {  	_ =	shalt  }
0x63: {  	_ =	shalt  }
0x64: {  	_ =	shalt  }
0x65: {  	_ =	shalt  }
0x66: {  	_ =	shalt  }
0x67: {  	_ =	shalt  }
0x68: {  	_ =	shalt  }
0x69: {  	_ =	shalt  }
0x6a: {  	_ =	shalt  }
0x6b: {  	_ =	shalt  }
0x6c: {  	_ =	shalt  }
0x6d: {  	_ =	shalt  }
0x6e: {  	_ =	shalt  }
0x6f: {  	_ =	shalt  }
0x70: {  	_ =	shalt  }
0x71: {  	_ =	shalt  }
0x72: {  	_ =	shalt  }
0x73: {  	_ =	shalt  }
0x74: {  	_ =	shalt  }
0x75: {  	_ =	shalt  }
0x76: {  	_ =	shalt  }
0x77: {  	_ =	shalt  }
0x78: {  	_ =	shalt  }
0x79: {  	_ =	shalt  }
0x7a: {  	_ =	shalt  }
0x7b: {  	_ =	shalt  }
0x7c: {  	_ =	shalt  }
0x7d: {  	_ =	shalt  }
0x7e: {  	_ =	shalt  }
0x7f: {  	_ =	shalt  }
0x80: {  	_ =	shalt  }
0x81: {  	_ =	shalt  }
0x82: {  	_ =	shalt  }
0x83: {  	_ =	shalt  }
0x84: {  	_ =	shalt  }
0x85: {  	_ =	shalt  }
0x86: {  	_ =	shalt  }
0x87: {  	_ =	shalt  }
.Lfunc_end0:
.L_simem_size_0:
called_computation_lowered:
.L_overlay_start_0:
0x88: {  	s2 =	sld [smem:$0x3FD9]  }
0x89: {  	s3 =	sld [smem:$0x3FFE];
	_ =	sdelay $0x1  }
0x8a: {  	s1 =	srdreg.scid  }
0x8b: {  	s0 =	sand.u32 $0x1, s1  }
0x8c: {  	s17 =	sshll.u32 s0, $0xA;
	s2 =	sadd.s32 s3, s2  }
0x8d: {  	s2 =	sadd.s32 s2, s17  }
0x8e: {  	[smem:$0x3FBD] =	sst s2  }
0x8f: {  	_ = 	snop  }
0x90: {  	(tm) =	ssettm $0x1  }
0x91: {  	s18 =	sld [smem:$0x3FFB];
	_ =	sdelay $0x3  }
0x92: {  	_ =	strace s18  }
0x93: {  	s2 =	sld [smem:$0x3FFC];
	_ =	sdelay $0x3  }
0x94: {  	_ =	strace s2  }
0x95: {  	s2 =	sld [smem:$0x3FFD];
	_ =	sdelay $0x3  }
0x96: {  	_ =	strace s2  }
0x97: {  	_ =	strace $0x8FFFFFFF  }
0x98: {  	s19 =	sld [smem:$0x3FDB];
	_ =	sdelay $0x1  }
0x99: {  	s20 =	simm.s32 $_scs_section_size  }
0x9a: {  	s4 =	simm.s32 $_size__tile_overlayer_lowered;
	s5 =	simm.s32 $_tile_overlayer_lowered  }
0x9b: {  	s6 =	simm.s32 $0x1BFF;
	s21 =	sshll.u32 s5, $0x1;
	s3 =	sadd.s32 s20, s19  }
0x9c: {  	s22 =	simm.s32 $0x0;
	s4 =	sshll.u32 s4, $0x1;
	s5 =	sadd.s32 s21, s3  }
0x9d: {  	[timem:s22], [sflag:s6] =	dma.local [hbm:s5], s4  }
0x9e: {  	_ =	swait.ge [sflag:s6], s4  }
0x9f: {  	s4 =	ssub.s32 $0x0, s4;
	[sflag:s6] =	ssyncset.done $0x0  }
0xa0: {  	[sflag:s6] =	ssyncadd.s32 s4;
	_ =	sdelay $0x1  }
0xa1: {  	s23 =	simm.s32 $0x1B8B  }
0xa2: {  	_ =	swait.ge [sflag:s23], $0x1  }
0xa3: {  	[sflag:s23] =	ssyncset.done $0x0  }
0xa4: {  	[sflag:s23] =	ssyncadd.s32 $0xFFFFFFFF  }
0xa5: {  	s4 =	sld [smem:$0x0]  }
0xa6: {  	s5 =	sand.u32 $0xFFFFFFFE, s1  }
0xa7: {  	p0 =	sne.s32 s1, s5  }
0xa8: {  	s5 =	sshll.u32 @p0 s5, $0xE  }
0xa9: {  	s5 =	sadd.s32 @p0 $0x11B8D, s5;
	s6 =	sshll.u32 @p0 s4, $0x11  }
0xaa: {  	s5 =	sor.u32 @p0 s6, s5  }
0xab: {  	[sflag:s5] =	ssyncadd.remote.s32 @p0 $0x1;
	_ =	sdelay $0x1  }
0xac: {  	s5 =	simm.s32 @p0 $0x1B8D  }
0xad: {  	_ =	swait.eq @p0 [sflag:s5], $0x1  }
0xae: {  	[sflag:s5] =	ssyncadd.s32 @p0 $0xFFFFFFFF  }
0xaf: {  	s6 =	sshll.u32 @!p0 s1, $0xE  }
0xb0: {  	s6 =	sor.u32 @!p0 $0x4000, s6;
	s5 =	simm.s32 @!p0 $0x1B8D  }
0xb1: {  	s4 =	sshll.u32 @!p0 s4, $0x11;
	s6 =	sadd.s32 @!p0 $0x11B8D, s6;
	_ =	swait.eq @!p0 [sflag:s5], $0x1  }
0xb2: {  	s4 =	sor.u32 @!p0 s4, s6;
	[sflag:s5] =	ssyncadd.s32 @!p0 $0xFFFFFFFF  }
0xb3: {  	s25 =	simm.s32 $0x1B8E;
	s24 =	sld [smem:$0x3FFE];
	[sflag:s4] =	ssyncadd.remote.s32 @!p0 $0x1  }
0xb4: {  	s26 =	simm.s32 $execute0_lowered;
	[smem:$0x3FD2] =	sst s25  }
0xb5: {  	s5 =	sshll.u32 s26, $0x1;
	_ =	strace $0x8000004F;
	[dreg:$0x1] =	wrdreg $0xFFFFFFFF  }
0xb6: {  	s28 =	simm.s32 $_size_execute0_lowered;
	s3 =	sadd.s32 s3, s5;
	[dreg:$0x0] =	wrdreg $0x0  }
0xb7: {  	s5 =	sshll.u32 s28, $0x1;
	[dreg:$0x2] =	wrdreg s3  }
0xb8: {  	[dreg:$0x3] =	wrdreg s5  }
0xb9: {  	[dreg:$0x4] =	wrdreg $0xC0  }
0xba: {  	_ =	task [dreg:s22], $0x5FFFF  }
0xbb: {  	[dreg:$0x1] =	wrdreg $0xFFFFFFFF  }
0xbc: {  	[dreg:$0x0] =	wrdreg $0x60  }
0xbd: {  	[dreg:$0x2] =	wrdreg s24  }
0xbe: {  	[dreg:$0x3] =	wrdreg $0xB  }
0xbf: {  	_ =	task.clear_ibuf [dreg:s22], $0x4FFFF;
	_ =	strace $0x9000004F  }
0xc0: {  	s29 =	simm.s32 $0xB;
	_ =	strace $0x80000051  }
0xc1: {  	_ =	swait.ge [sflag:s29], $0x1  }
0xc2: {  	[sflag:s29] =	ssyncadd.s32 $0xFFFFFFFF  }
0xc3: {  	_ =	strace $0x90000051  }
0xc4: {  	_ =	sfence  }
0xc5: {  	s30 =	sld [smem:$0x0];
	_ =	sdelay $0x2  }
0xc6: {  	s31 =	sshll.u32 s1, $0xD;
	s1 =	sshrl.u32 s1, $0x2  }
0xc7: {  	s4 =	sand.u32 $0x4000, s31;
	s1 =	sadd.s32 s1, s30  }
0xc8: {  	s0 =	sor.u32 s4, s0;
	s1 =	sshll.u32 s1, $0x11  }
0xc9: {  	s0 =	sor.u32 s1, s0  }
0xca: {  	s0 =	sadd.s32 $0x8F2B, s0  }
0xcb: {  	[sflag:s0] =	ssyncadd.remote.s32 $0x1  }
0xcc: {  	_ =	sfence.sel $0xFFFF  }
0xcd: {  	[dreg:$0x0] =	wrdreg $0xFFFFFFFF;
	(pc) =	sbr.abs _section_cstart, $3  }
0xce: {  	[dreg:$0x1] =	wrdreg $0xFFFFFFFF  }
0xcf: {  	_ =	task.clear_ibuf [dreg:s22], $0x2FFFF;
	_ =	strace $0x9FFFFFFF  }
0xd0: {  	(tm) =	ssettm $0x7FFFFFFF  }
0xd1: {  	_ =	shalt  }
tec
execute0_lowered:
.L_overlay_start_1:
0x0: {  	(tag) =	ssettag $0x1  }
0x1: {  	s0 =	srdreg.scid;
	s5 =	rddreg [dreg:$0x0]  }
0x2: {  	s1 =	stileid.u32;
	s6 =	simm.s32 $0x1;
	s9 =	simm.s32 $0x1  }
0x3: {  	s10 =	simm.s32 $0x3;
	s13 =	simm.s32 $0x0;
	s2 =	sshll.u32 s0, $0x7  }
0x4: {  	s12 =	simm.s32 $0x0;
	s3 =	sshll.u32 s1, $0x8;
	s2 =	sand.u32 $0x80, s2  }
0x5: {  	s0 =	rddreg [dreg:$0x1];
	_ =	strace $0x80000050;
	s2 =	sor.u32 s3, s2  }
0x6: {  	s4 =	sadd.s32 $0xA00, s5;
	[sflag:s6] =	ssyncpa.u1 $0x0;
	s8 =	ssub.s32 $0x1400, s2  }
.Ltmp0:
0x7: {  	s3 =	sadd.s32 $0x2000, s5;
	s7 =	sand.u32 $0xF80, s8;
	(pc) =	sbr.rel .LBB2_1-.Ltmp0, $4  }
0x8: {  	s5 =	sadd.s32 $0xE00, s5;
	s11 =	smov.u32 s2;
	p0 =	sne.s32 s7, $0x0  }
0x9: {  	s8 =	sshrl.u32 s8, $0xC;
	s7 =	simm.s32 $0x2;
	s9 =	simm.s32 @!p0 $0x0  }
0xa: {  	[sflag:s7] =	ssyncpa.u1 $0x0;
	p0 =	por $0x0, $0x0;
	s8 =	sadd.s32 s9, s8  }
0xb: {  	vm0 =	vmmov $0xffff;
	[sflag:s10] =	ssyncpa.u1 $0x0;
	s10 =	simm.s32 $0x0;
	s9 =	sadd.s32 $0x1, s8  }
.LBB2_4:
0xc: {  	v2 =	vnsel vm1, $0x0, v2  }
0xd: {  	vm1 =	vgt.s32 v0, $0x0;
	v2 =	vmin.u32 v2, $0xFFF  }
0xe: {  	v0 =	vnsel vm1, $0x0, v0  }
0xf: {  	v0 =	vmin.u32 v0, $0xFFF  }
0x10: {  	[tilespmem:s15], [sflag:$0x1] =	stream.indirect_vreg.gather [hbm4b:s3+s10], $0x1, v1, vm0, $0x4038;
	[tilespmem:$0x200] =	vst v63  }
0x11: {  	(ifvalue) =	ssetifvalue $0x7FFFFFFF  }
0x12: {  	[tilespmem:s16], [sflag:$0x1] =	stream.indirect_vreg.gather [hbm4b:s3+s10], $0x1, v2, vm0, $0x4038;
	[tilespmem:$0x200] =	vst v63  }
0x13: {  	s29 =	sadd.s32 $0x10, s16;
	(ifvalue) =	ssetifvalue $0x7FFFFFFF  }
0x14: {  	[tilespmem:s29], [sflag:$0x1] =	stream.indirect_vreg.gather [hbm4b:s3+s10], $0x1, v0, vm0, $0x4038;
	[tilespmem:$0x200] =	vst v63  }
0x15: {  	_ =	swait.ge [sflag:s6], $0x80  }
0x16: {  	s30 =	sshrl.u32 s13, $0x3;
	[sflag:s6] =	ssyncset.done $0x0  }
0x17: {  	s31 =	sand.u32 $0x7, s13;
	s15 =	sadd.s32 s5, s30;
	[sflag:s6] =	ssyncadd.s32 $0xFFFFFF80  }
0x18: {  	[hbm4b:s15+s31] =	stream.linear.scatter [tilespmem:s14], [sflag:$0x3], $0x80, $0x38;
	[tilespmem:$0x200] =	vst v63  }
.LBB2_5:
0x19: {  	s15 =	sadd.s32 $0x1000, s11  }
0x1a: {  	p2 =	sgt.s32 s15, $0x13FF  }
0x1b: {  	s15 =	smov.u32 @p2 s2;
	p2 =	sne.s32 s12, s9  }
.Ltmp1:
0x1c: {  	p1 =	slt.u32 s12, $0x2;
	(pc) =	sbr.rel @!p2 .LBB2_6-.Ltmp1, $4  }
0x1d: {  	s14 =	simm.s32 @!p1 $0x3  }
0x1e: {  	s16 =	sadd.s32 $0x1, s12;
	_ =	swait.ge @!p1 [sflag:s14], $0x80  }
0x1f: {  	s13 =	smov.u32 s11;
	p0 =	por !p0, !p0;
	[sflag:s14] =	ssyncset.done @!p1 $0x0  }
0x20: {  	s12 =	smov.u32 s16;
	s11 =	smov.u32 s15;
	[sflag:s14] =	ssyncadd.s32 @!p1 $0xFFFFFF80  }
.LBB2_1:
0x21: {  	p1 =	sge.u32 s12, s8  }
0x22: {  	s14 =	sxor.u32 @!p1 $0xFFFFFFFF, s12  }
0x23: {  	s31 =	sadd.s32 $0xFFFFFFFF, s12;
	s15 =	sshrl.u32 @!p1 s11, $0x3;
	s14 =	sshll.u32 @!p1 s14, $0x7  }
0x24: {  	s16 =	sand.u32 @!p1 $0x7, s11;
	s15 =	sadd.s32 @!p1 s4, s15;
	s14 =	sand.u32 @!p1 $0x80, s14  }
0x25: {  	[tilespmem:s14], [sflag:$0x2] =	stream.linear.gather @!p1 [hbm4b:s15+s16], $0x80, $0x38;
	[tilespmem:$0x200] =	vst v63  }
0x26: {  	p1 =	sge.u32 s31, s8  }
.Ltmp2:
0x27: {  	_ = 	snop;
	(pc) =	sbr.rel @p1 .LBB2_5-.Ltmp2, $1  }
0x28: {  	_ =	sdelay $0x3  }
0x29: {  	s14 =	simm.s32 $0x1  }
0x2a: {  	_ =	swait.ge [sflag:s7], $0x80;
	s14 =	simm.s32 @!p0 $0x0  }
0x2b: {  	[sflag:s7] =	ssyncset.done $0x0;
	s14 =	sshll.u32 s14, $0x7  }
0x2c: {  	[sflag:s7] =	ssyncadd.s32 $0xFFFFFF80;
	(ifvalue) =	ssetifvalue $0x7FFFFFFF;
	v0 =	vld.msk [tilespmem:s14+$0x0 ss:$0x1], $0xffff;
	_ =	sdelay $0x4  }
0x2d: {  	s15 =	sadd.s32 $0x10, s14;
	vm1 =	vgt.s32 v0, $0x0  }
0x2e: {  	v2 =	vld.msk [tilespmem:s15+$0x0 ss:$0x1], $0xffff;
	v1 =	vnsel vm1, $0x0, v0  }
0x2f: {  	v1 =	vmin.u32 v1, $0xFFF;
	_ =	sdelay $0x1  }
0x30: {  	s16 =	sshll.u32 s12, $0x7;
	s18 =	simm.s32 $0x20  }
0x31: {  	s16 =	sand.u32 $0x80, s16;
	s17 =	sadd.s32 $0x10, s15;
	s15 =	sor.u32 $0x100, s14  }
0x32: {  	s14 =	sor.u32 $0x100, s16;
	s16 =	sadd.s32 $0x10, s15;
	v0 =	vld.msk [tilespmem:s17+$0x0 ss:$0x1], $0xffff;
	vm1 =	vgt.s32 v2, $0x0;
	(ifvalue) =	ssetifvalue $0x7FFFFFFF  }
.LBB2_3:
0x33: {  	[tilespmem:s15], [sflag:$0x1] =	stream.indirect_vreg.gather [hbm4b:s3+s10], $0x1, v1, vm0, $0x4038;
	[tilespmem:$0x200] =	vst v63  }
0x34: {  	s18 =	sadd.s32 $0x10, s18  }
0x35: {  	v2 =	vnsel vm1, $0x0, v2;
	p1 =	slt.u32 s18, $0x70  }
.Ltmp3:
0x36: {  	s15 =	smov.u32 s16;
	v1 =	vmin.u32 v2, $0xFFF;
	(pc) =	sbr.rel @p1 .LBB2_3-.Ltmp3, $3  }
0x37: {  	_ =	sdelay $0x1  }
0x38: {  	s17 =	sadd.s32 $0x10, s17  }
0x39: {  	vm1 =	vgt.s32 v0, $0x0;
	s16 =	sadd.s32 $0x10, s16;
	v2 =	vmov v0;
	(ifvalue) =	ssetifvalue $0x7FFFFFFF;
	v0 =	vld.msk [tilespmem:s17+$0x0 ss:$0x1], $0xffff  }
.Ltmp4:
0x3a: {  	_ = 	snop;
	(pc) =	sbr.rel .LBB2_4-.Ltmp4, $1  }
0x3b: {  	_ =	sdelay $0x3  }
.LBB2_6:
0x3c: {  	_ =	sfence.sel $0x180000  }
0x3d: {  	s2 =	simm.s32 $0x2;
	[bflag:$0x0] =	sbarrier.arrive $0xFFFF  }
0x3e: {  	s30 =	simm.s32 $0x3;
	[sflag:s2] =	ssyncpa.u1 $0x1  }
0x3f: {  	s31 =	simm.s32 $0x1;
	[sflag:s30] =	ssyncpa.u1 $0x1  }
0x40: {  	[sflag:s31] =	ssyncpa.u1 $0x1  }
0x41: {  	p0 =	sne.s32 s1, $0x0;
	_ =	strace $0x90000050  }
0x42: {  	s0 =	sadd.s32 @!p0 $0x100000, s0;
	[bflag:$0x2] =	sbarrier.arrive $0xFFFF  }
0x43: {  	[sflag:s0] =	ssyncadd.tile.s32 @!p0 $0x1;
	_ =	shalt  }
.Lfunc_end2:
_tile_overlayer_lowered:
.L_overlay_start_2:
0x44: {  	(tag) =	ssettag $0x2  }
0x45: {  	s0 =	rddreg [dreg:$0x0];
	s2 =	stileid.u32  }
0x46: {  	s1 =	rddreg [dreg:$0x1];
	p0 =	sne.s32 s2, $0x0  }
0x47: {  	s3 =	rddreg [dreg:$0x2];
	[bflag:$0x3] =	sbarrier.arrive $0xFFFF;
	s2 =	simm.s32 @!p0 $0x1C01  }
0x48: {  	[timem:s3], [sflag:s2] =	dma.local @!p0 [hbm:s0], s1  }
0x49: {  	s0 =	simm.s32 @!p0 $0x1  }
0x4a: {  	_ =	swait.ge @!p0 [sflag:s0], s1  }
0x4b: {  	s1 =	ssub.s32 @!p0 $0x0, s1;
	[sflag:s0] =	ssyncset.done @!p0 $0x0  }
0x4c: {  	[sflag:s0] =	ssyncadd.s32 @!p0 s1  }
0x4d: {  	[bflag:$0x3] =	sbarrier.arrive $0xFFFF  }
0x4e: {  	_ =	shalt  }

// kernel: kernel.11.cloned.1.call-start
scs
__scs_entry_jumppad:
0x0: {  	(pc) =	sbr.rel $0x88, $3  }
0x1: {  	(tag) =	ssettag $0x0;
	lr =	simm.s32 $0x1  }
0x2: {  	[smem:$0x3F96] =	sst lr;
	_ =	strace $0xD0000000  }
0x3: {  	_ = 	snop  }
0x4: {  	_ = 	snop  }
0x5: {  	_ = 	snop  }
0x6: {  	_ = 	snop  }
0x7: {  	_ = 	snop  }
__scs_overlays_trampoline_lowered:
0x8: {  	[smem:$0x3FA5] =	sst s0  }
0x9: {  	[smem:$0x3FA6] =	sst s1  }
0xa: {  	[smem:$0x3FA7] =	sst s2  }
0xb: {  	[smem:$0x3FA8] =	sst s3  }
0xc: {  	[smem:$0x3FA9] =	sst s4  }
0xd: {  	[smem:$0x3FAA] =	sst s5  }
0xe: {  	[smem:$0x3FAB] =	sst s6  }
0xf: {  	[smem:$0x3FAC] =	sst s7  }
0x10: {  	[smem:$0x3FAD] =	sst s8  }
0x11: {  	[smem:$0x3FAE] =	sst s9;
	s0 =	simm.s32 @!p0 $0x0  }
0x12: {  	s1 =	sld [smem:$0x3F94];
	s0 =	simm.s32 @p0 $0x1  }
0x13: {  	[smem:$0x3FAF] =	sst s0;
	s0 =	simm.s32 @!p1 $0x0  }
0x14: {  	s2 =	sld [smem:$0x3F93];
	s0 =	simm.s32 @p1 $0x1  }
0x15: {  	[smem:$0x3FB0] =	sst s0;
	s0 =	simm.s32 @!p2 $0x0  }
0x16: {  	s3 =	sld [smem:$0x3FDB];
	s0 =	simm.s32 @p2 $0x1  }
0x17: {  	s4 =	simm.s32 $0x1BF5;
	[smem:$0x3FB2] =	sst s0  }
0x18: {  	s0 =	sld [smem:$0x3F95];
	_ =	swait.ge [sflag:s4], $0x0  }
0x19: {  	s7 =	sld [smem:$0x3F96]  }
0x1a: {  	s8 =	sadd.s32 $0xFFFFE003, lr  }
0x1b: {  	s9 =	sadd.s32 $0xFFFFFEF7, lr;
	s5 =	simm.s32 $0xFFFFFFFF;
	p2 =	slt.u32 s8, $0xFFFFF086  }
0x1c: {  	p1 =	slt.u32 s9, $0xF7A;
	s5 =	simm.s32 @!p2 $0x0  }
0x1d: {  	s5 =	simm.s32 @p1 $0x1;
	p0 =	seq.s32 s7, s2  }
0x1e: {  	s7 =	smul.u32 @!p0 $0xF7A, s2;
	p2 =	seq.s32 @!p0 s5, $0x0  }
0x1f: {  	s9 =	smul.u32 $0xF7A, s1;
	s8 =	simm.s32 @!p0 $0x1BF5;
	p2 =	por !p2, p0  }
0x20: {  	[sflag:s8] =	ssyncset.s32 @!p0 $0xFFFFF086;
	s6 =	sadd.s32 @!p0 s3, s7;
	s7 =	simm.s32 @!p0 $0x108  }
0x21: {  	s3 =	sadd.s32 s3, s9;
	s6 =	sadd.s32 @!p0 $0x88, s6;
	s7 =	simm.s32 @p2 $0x1082  }
0x22: {  	[simem:s7], [sflag:s8] =	dma.local @!p0 [hbm:s6], $0xF7A  }
0x23: {  	s9 =	sor.u32 $0xD0000000, s2;
	s6 =	simm.s32 $0x108;
	_ =	swait.ge @!p0 [sflag:s8], $0x0  }
0x24: {  	s3 =	sadd.s32 $0x88, s3;
	s6 =	simm.s32 @!p1 $0x1082;
	[sflag:s4] =	ssyncset.s32 $0xFFFFF086  }
0x25: {  	[simem:s6], [sflag:s4] =	dma.local [hbm:s3], $0xF7A  }
0x26: {  	[smem:$0x3F96] =	sst s1;
	(tag) =	ssettag s2;
	_ =	strace s9  }
0x27: {  	s1 =	sld [smem:$0x3FA6]  }
0x28: {  	s2 =	sld [smem:$0x3FA7]  }
0x29: {  	s4 =	sld [smem:$0x3FA9]  }
0x2a: {  	p0 =	seq.s32 s5, $0x0;
	s5 =	sld [smem:$0x3FAA]  }
0x2b: {  	s6 =	sld [smem:$0x3FAB]  }
0x2c: {  	s7 =	sld [smem:$0x3FAC]  }
0x2d: {  	s3 =	simm.s32 $0x108;
	s8 =	sld [smem:$0x3FAD]  }
0x2e: {  	s3 =	simm.s32 @!p0 $0x1082;
	s9 =	sld [smem:$0x3FAE]  }
0x2f: {  	lr =	sadd.s32 s0, s3;
	s0 =	sld [smem:$0x3FA5]  }
0x30: {  	s3 =	sld [smem:$0x3FA8]  }
0x31: {  	[smem:$0x3FB1] =	sst s10  }
0x32: {  	s10 =	sld [smem:$0x3FAF];
	_ =	sdelay $0x3  }
0x33: {  	p0 =	seq.s32 s10, $0x1;
	s10 =	sld [smem:$0x3FB1];
	_ =	sdelay $0x3  }
0x34: {  	[smem:$0x3FB1] =	sst s10  }
0x35: {  	s10 =	sld [smem:$0x3FB0];
	_ =	sdelay $0x3  }
0x36: {  	p1 =	seq.s32 s10, $0x1;
	s10 =	sld [smem:$0x3FB1];
	_ =	sdelay $0x3  }
0x37: {  	[smem:$0x3FB1] =	sst s10  }
0x38: {  	s10 =	sld [smem:$0x3FB2]  }
0x39: {  	_ = 	snop;
	(pc) =	sbr.ind lr, $3  }
0x3a: {  	_ = 	snop  }
0x3b: {  	_ = 	snop  }
0x3c: {  	p2 =	seq.s32 s10, $0x1;
	s10 =	sld [smem:$0x3FB1]  }
0x3d: {  	_ =	shalt  }
0x3e: {  	_ =	shalt  }
0x3f: {  	_ =	shalt  }
0x40: {  	_ =	shalt  }
0x41: {  	_ =	shalt  }
0x42: {  	_ =	shalt  }
0x43: {  	_ =	shalt  }
0x44: {  	_ =	shalt  }
0x45: {  	_ =	shalt  }
0x46: {  	_ =	shalt  }
0x47: {  	_ =	shalt  }
0x48: {  	_ =	shalt  }
0x49: {  	_ =	shalt  }
0x4a: {  	_ =	shalt  }
0x4b: {  	_ =	shalt  }
0x4c: {  	_ =	shalt  }
0x4d: {  	_ =	shalt  }
0x4e: {  	_ =	shalt  }
0x4f: {  	_ =	shalt  }
0x50: {  	_ =	shalt  }
0x51: {  	_ =	shalt  }
0x52: {  	_ =	shalt  }
0x53: {  	_ =	shalt  }
0x54: {  	_ =	shalt  }
0x55: {  	_ =	shalt  }
0x56: {  	_ =	shalt  }
0x57: {  	_ =	shalt  }
0x58: {  	_ =	shalt  }
0x59: {  	_ =	shalt  }
0x5a: {  	_ =	shalt  }
0x5b: {  	_ =	shalt  }
0x5c: {  	_ =	shalt  }
0x5d: {  	_ =	shalt  }
0x5e: {  	_ =	shalt  }
0x5f: {  	_ =	shalt  }
0x60: {  	_ =	shalt  }
0x61: {  	_ =	shalt  }
0x62: {  	_ =	shalt  }
0x63: {  	_ =	shalt  }
0x64: {  	_ =	shalt  }
0x65: {  	_ =	shalt  }
0x66: {  	_ =	shalt  }
0x67: {  	_ =	shalt  }
0x68: {  	_ =	shalt  }
0x69: {  	_ =	shalt  }
0x6a: {  	_ =	shalt  }
0x6b: {  	_ =	shalt  }
0x6c: {  	_ =	shalt  }
0x6d: {  	_ =	shalt  }
0x6e: {  	_ =	shalt  }
0x6f: {  	_ =	shalt  }
0x70: {  	_ =	shalt  }
0x71: {  	_ =	shalt  }
0x72: {  	_ =	shalt  }
0x73: {  	_ =	shalt  }
0x74: {  	_ =	shalt  }
0x75: {  	_ =	shalt  }
0x76: {  	_ =	shalt  }
0x77: {  	_ =	shalt  }
0x78: {  	_ =	shalt  }
0x79: {  	_ =	shalt  }
0x7a: {  	_ =	shalt  }
0x7b: {  	_ =	shalt  }
0x7c: {  	_ =	shalt  }
0x7d: {  	_ =	shalt  }
0x7e: {  	_ =	shalt  }
0x7f: {  	_ =	shalt  }
0x80: {  	_ =	shalt  }
0x81: {  	_ =	shalt  }
0x82: {  	_ =	shalt  }
0x83: {  	_ =	shalt  }
0x84: {  	_ =	shalt  }
0x85: {  	_ =	shalt  }
0x86: {  	_ =	shalt  }
0x87: {  	_ =	shalt  }
.Lfunc_end0:
.L_simem_size_0:
called_computation.4_lowered:
.L_overlay_start_0:
0x88: {  	s2 =	sld [smem:$0x3FD9]  }
0x89: {  	s3 =	sld [smem:$0x3FFE];
	_ =	sdelay $0x1  }
0x8a: {  	s1 =	srdreg.scid  }
0x8b: {  	s0 =	sand.u32 $0x1, s1  }
0x8c: {  	s17 =	sshll.u32 s0, $0xA;
	s2 =	sadd.s32 s3, s2  }
0x8d: {  	s2 =	sadd.s32 s2, s17  }
0x8e: {  	[smem:$0x3FBD] =	sst s2  }
0x8f: {  	_ = 	snop  }
0x90: {  	s18 =	sld [smem:$0x3FD0];
	(tm) =	ssettm $0x1  }
0x91: {  	s19 =	sld [smem:$0x3FFB];
	_ =	sdelay $0x3  }
0x92: {  	_ =	strace s19  }
0x93: {  	s2 =	sld [smem:$0x3FFC];
	_ =	sdelay $0x3  }
0x94: {  	_ =	strace s2  }
0x95: {  	s2 =	sld [smem:$0x3FFD];
	_ =	sdelay $0x3  }
0x96: {  	_ =	strace s2  }
0x97: {  	_ =	strace $0x8FFFFFFF  }
0x98: {  	s20 =	sld [smem:$0x3FDB];
	_ =	sdelay $0x1  }
0x99: {  	s4 =	simm.s32 $_scs_section_size  }
0x9a: {  	s5 =	simm.s32 $_size__tile_overlayer_lowered;
	s6 =	simm.s32 $_tile_overlayer_lowered  }
0x9b: {  	s7 =	simm.s32 $0x1BFF;
	s21 =	sshll.u32 s6, $0x1;
	s4 =	sadd.s32 s4, s20  }
0x9c: {  	s22 =	simm.s32 $0x0;
	s5 =	sshll.u32 s5, $0x1;
	s6 =	sadd.s32 s21, s4  }
0x9d: {  	[timem:s22], [sflag:s7] =	dma.local [hbm:s6], s5  }
0x9e: {  	_ =	swait.ge [sflag:s7], s5  }
0x9f: {  	s5 =	ssub.s32 $0x0, s5;
	[sflag:s7] =	ssyncset.done $0x0  }
0xa0: {  	[sflag:s7] =	ssyncadd.s32 s5;
	_ =	sdelay $0x1  }
0xa1: {  	s23 =	simm.s32 $0x1B8B  }
0xa2: {  	_ =	swait.ge [sflag:s23], $0x1  }
0xa3: {  	[sflag:s23] =	ssyncset.done $0x0  }
0xa4: {  	[sflag:s23] =	ssyncadd.s32 $0xFFFFFFFF  }
0xa5: {  	s5 =	sld [smem:$0x0]  }
0xa6: {  	s6 =	sand.u32 $0xFFFFFFFE, s1  }
0xa7: {  	p0 =	sne.s32 s1, s6  }
0xa8: {  	s6 =	sshll.u32 @p0 s6, $0xE  }
0xa9: {  	s6 =	sadd.s32 @p0 $0x11B8D, s6;
	s7 =	sshll.u32 @p0 s5, $0x11  }
0xaa: {  	s6 =	sor.u32 @p0 s7, s6  }
0xab: {  	[sflag:s6] =	ssyncadd.remote.s32 @p0 $0x1;
	_ =	sdelay $0x1  }
0xac: {  	s6 =	simm.s32 @p0 $0x1B8D  }
0xad: {  	_ =	swait.eq @p0 [sflag:s6], $0x1  }
0xae: {  	[sflag:s6] =	ssyncadd.s32 @p0 $0xFFFFFFFF  }
0xaf: {  	s7 =	sshll.u32 @!p0 s1, $0xE  }
0xb0: {  	s7 =	sor.u32 @!p0 $0x4000, s7;
	s6 =	simm.s32 @!p0 $0x1B8D  }
0xb1: {  	s5 =	sshll.u32 @!p0 s5, $0x11;
	s7 =	sadd.s32 @!p0 $0x11B8D, s7;
	_ =	swait.eq @!p0 [sflag:s6], $0x1  }
0xb2: {  	s5 =	sor.u32 @!p0 s5, s7;
	[sflag:s6] =	ssyncadd.s32 @!p0 $0xFFFFFFFF  }
0xb3: {  	s25 =	simm.s32 $0x1B8E;
	s24 =	sld [smem:$0x3FFE];
	[sflag:s5] =	ssyncadd.remote.s32 @!p0 $0x1  }
0xb4: {  	s26 =	simm.s32 $execute0_lowered;
	[smem:$0x3FD2] =	sst s25  }
0xb5: {  	s6 =	sshll.u32 s26, $0x1;
	_ =	strace $0x80000052;
	[dreg:$0x1] =	wrdreg $0xFFFFFFFF  }
0xb6: {  	s28 =	simm.s32 $_size_execute0_lowered;
	s4 =	sadd.s32 s4, s6;
	[dreg:$0x0] =	wrdreg $0x0  }
0xb7: {  	s6 =	sshll.u32 s28, $0x1;
	[dreg:$0x2] =	wrdreg s4  }
0xb8: {  	[dreg:$0x3] =	wrdreg s6  }
0xb9: {  	[dreg:$0x4] =	wrdreg $0xC0  }
0xba: {  	_ =	task [dreg:s22], $0x5FFFF  }
0xbb: {  	[dreg:$0x1] =	wrdreg $0xFFFFFFFF  }
0xbc: {  	[dreg:$0x0] =	wrdreg $0x60  }
0xbd: {  	[dreg:$0x2] =	wrdreg s24  }
0xbe: {  	[dreg:$0x3] =	wrdreg s18  }
0xbf: {  	[dreg:$0x4] =	wrdreg $0xA  }
0xc0: {  	_ =	task.clear_ibuf [dreg:s22], $0x5FFFF;
	_ =	strace $0x90000052  }
0xc1: {  	s29 =	simm.s32 $0xA;
	_ =	strace $0x80000054  }
0xc2: {  	_ =	swait.ge [sflag:s29], $0x1  }
0xc3: {  	[sflag:s29] =	ssyncadd.s32 $0xFFFFFFFF  }
0xc4: {  	_ =	strace $0x90000054  }
0xc5: {  	_ =	sfence  }
0xc6: {  	s30 =	sld [smem:$0x0];
	_ =	sdelay $0x2  }
0xc7: {  	s31 =	sshll.u32 s1, $0xD;
	s1 =	sshrl.u32 s1, $0x2  }
0xc8: {  	s4 =	sand.u32 $0x4000, s31;
	s1 =	sadd.s32 s1, s30  }
0xc9: {  	s0 =	sor.u32 s4, s0;
	s1 =	sshll.u32 s1, $0x11  }
0xca: {  	s0 =	sor.u32 s1, s0  }
0xcb: {  	s0 =	sadd.s32 $0x8F2B, s0  }
0xcc: {  	[sflag:s0] =	ssyncadd.remote.s32 $0x1  }
0xcd: {  	_ =	sfence.sel $0xFFFF  }
0xce: {  	[dreg:$0x0] =	wrdreg $0xFFFFFFFF;
	(pc) =	sbr.abs _section_cstart, $3  }
0xcf: {  	[dreg:$0x1] =	wrdreg $0xFFFFFFFF  }
0xd0: {  	_ =	task.clear_ibuf [dreg:s22], $0x2FFFF;
	_ =	strace $0x9FFFFFFF  }
0xd1: {  	(tm) =	ssettm $0x7FFFFFFF  }
tec
execute0_lowered:
.L_overlay_start_1:
0x0: {  	(tag) =	ssettag $0x1  }
0x1: {  	s1 =	srdreg.scid;
	s0 =	stileid.u32  }
0x2: {  	s11 =	sand.u32 $0x1, s1;
	s28 =	sshll.u32 s0, $0x1  }
0x3: {  	s5 =	rddreg [dreg:$0x0];
	s9 =	sor.u32 s11, s28  }
0x4: {  	s12 =	rddreg [dreg:$0x1];
	s10 =	smul.u32 $0xA0, s9  }
0x5: {  	s2 =	simm.s32 $0x0;
	s1 =	rddreg [dreg:$0x2]  }
0x6: {  	[smem:$0x7FF] =	sst s2;
	s13 =	sadd.s32 $0x600, s5;
	s3 =	sshrl.u32 s10, $0x3  }
0x7: {  	_ =	strace $0x80000053;
	s4 =	sadd.s32 s13, s3;
	s3 =	simm.s32 $0x2  }
0x8: {  	[tilespmem:s2], [sflag:$0x2] =	stream.linear.gather [hbm4b:s4+s2], $0x50, $0x38;
	[tilespmem:$0x2880] =	vst v63  }
0x9: {  	_ =	swait.ge [sflag:s3], $0x50  }
0xa: {  	s6 =	simm.s32 $0x50;
	s7 =	simm.s32 $0x80;
	[sflag:s3] =	ssyncset.done $0x0  }
0xb: {  	s8 =	simm.s32 $0x1;
	s5 =	sadd.s32 $0x26200, s5;
	[sflag:s3] =	ssyncadd.s32 $0xFFFFFFB0  }
0xc: {  	[tilespmem:s7], [sflag:$0x1] =	stream.indirect.gather [hbm4b:s5+s6], $0x80, s2, s6, $0xb8;
	[tilespmem:$0x2880] =	vst v63  }
0xd: {  	s9 =	smul.u32 $0xA00, s9;
	_ =	swait.ge [sflag:s8], $0x2800  }
0xe: {  	[sflag:s8] =	ssyncset.done $0x0  }
0xf: {  	s9 =	sadd.s32 s12, s9;
	[sflag:s8] =	ssyncadd.s32 $0xFFFFD800  }
0x10: {  	[hbm4b:s9+s2] =	stream.linear.scatter [tilespmem:s7], [sflag:$0x2], $0x2800, $0x38;
	[tilespmem:$0x2880] =	vst v63  }
0x11: {  	s14 =	sadd.s32 $0x50, s10;
	_ =	swait.ge [sflag:s3], $0x2800  }
0x12: {  	s10 =	sshrl.u32 s14, $0x3;
	[sflag:s3] =	ssyncset.done $0x0  }
0x13: {  	s11 =	ssub.s32 $0x2, s11;
	s10 =	sadd.s32 s13, s10;
	[sflag:s3] =	ssyncadd.s32 $0xFFFFD800  }
0x14: {  	[tilespmem:s2], [sflag:$0x2] =	stream.linear.gather [hbm4b:s10+s2], $0x50, $0x38;
	[tilespmem:$0x2880] =	vst v63  }
0x15: {  	s29 =	sshrl.u32 s11, $0x1;
	_ =	swait.ge [sflag:s3], $0x50  }
0x16: {  	s13 =	ssub.s32 s11, s29;
	[sflag:s3] =	ssyncset.done $0x0  }
0x17: {  	s31 =	smax.u32 s13, $0x1;
	[sflag:s3] =	ssyncadd.s32 $0xFFFFFFB0  }
0x18: {  	[tilespmem:s7], [sflag:$0x1] =	stream.indirect.gather [hbm4b:s5+s6], $0x80, s2, s6, $0xb8;
	[tilespmem:$0x2880] =	vst v63  }
0x19: {  	p0 =	sne.s32 s31, $0x1;
	_ =	swait.ge [sflag:s8], $0x2800  }
.Ltmp0:
0x1a: {  	s30 =	sshll.u32 s14, $0x4;
	[sflag:s8] =	ssyncset.done $0x0;
	(pc) =	sbr.rel @!p0 .LBB2_2-.Ltmp0, $4  }
0x1b: {  	s11 =	sadd.s32 s12, s30;
	[sflag:s8] =	ssyncadd.s32 $0xFFFFD800  }
0x1c: {  	[hbm4b:s11+s2] =	stream.linear.scatter [tilespmem:s7], [sflag:$0x2], $0x2800, $0x38;
	[tilespmem:$0x2880] =	vst v63  }
0x1d: {  	_ =	swait.ge [sflag:s3], $0x2800  }
0x1e: {  	s12 =	sadd.s32 $0xFFFFFFFF, s31;
	[sflag:s3] =	ssyncset.done $0x0  }
.LBB2_1:
0x1f: {  	p0 =	sne.s32 s12, $0x1;
	s12 =	sadd.s32 $0xFFFFFFFF, s12;
	[sflag:s3] =	ssyncadd.s32 $0xFFFFD800  }
0x20: {  	[tilespmem:s2], [sflag:$0x2] =	stream.linear.gather [hbm4b:s4+s2], $0x50, $0x38;
	[tilespmem:$0x2880] =	vst v63  }
0x21: {  	_ =	swait.ge [sflag:s3], $0x50  }
0x22: {  	[sflag:s3] =	ssyncset.done $0x0  }
0x23: {  	[sflag:s3] =	ssyncadd.s32 $0xFFFFFFB0  }
0x24: {  	[tilespmem:s7], [sflag:$0x1] =	stream.indirect.gather [hbm4b:s5+s6], $0x80, s2, s6, $0xb8;
	[tilespmem:$0x2880] =	vst v63  }
0x25: {  	_ =	swait.ge [sflag:s8], $0x2800  }
0x26: {  	[sflag:s8] =	ssyncset.done $0x0  }
0x27: {  	[sflag:s8] =	ssyncadd.s32 $0xFFFFD800  }
0x28: {  	[hbm4b:s9+s2] =	stream.linear.scatter [tilespmem:s7], [sflag:$0x2], $0x2800, $0x38;
	[tilespmem:$0x2880] =	vst v63  }
0x29: {  	_ =	swait.ge [sflag:s3], $0x2800  }
0x2a: {  	[sflag:s3] =	ssyncset.done $0x0  }
0x2b: {  	[sflag:s3] =	ssyncadd.s32 $0xFFFFD800  }
0x2c: {  	[tilespmem:s2], [sflag:$0x2] =	stream.linear.gather [hbm4b:s10+s2], $0x50, $0x38;
	[tilespmem:$0x2880] =	vst v63  }
0x2d: {  	_ =	swait.ge [sflag:s3], $0x50  }
0x2e: {  	[sflag:s3] =	ssyncset.done $0x0  }
0x2f: {  	[sflag:s3] =	ssyncadd.s32 $0xFFFFFFB0  }
0x30: {  	[tilespmem:s7], [sflag:$0x1] =	stream.indirect.gather [hbm4b:s5+s6], $0x80, s2, s6, $0xb8;
	[tilespmem:$0x2880] =	vst v63  }
0x31: {  	_ =	swait.ge [sflag:s8], $0x2800  }
.Ltmp1:
0x32: {  	[sflag:s8] =	ssyncset.done $0x0;
	(pc) =	sbr.rel @p0 .LBB2_1-.Ltmp1, $4  }
0x33: {  	[sflag:s8] =	ssyncadd.s32 $0xFFFFD800  }
0x34: {  	[hbm4b:s11+s2] =	stream.linear.scatter [tilespmem:s7], [sflag:$0x2], $0x2800, $0x38;
	[tilespmem:$0x2880] =	vst v63  }
0x35: {  	_ =	swait.ge [sflag:s3], $0x2800  }
0x36: {  	[sflag:s3] =	ssyncset.done $0x0  }
.LBB2_2:
0x37: {  	[sflag:s3] =	ssyncadd.s32 $0xFFFFD800  }
0x38: {  	_ =	sfence.sel $0x180000  }
0x39: {  	[bflag:$0x0] =	sbarrier.arrive $0xFFFF  }
0x3a: {  	p0 =	sne.s32 s0, $0x0;
	_ =	strace $0x90000053  }
0x3b: {  	s0 =	sadd.s32 @!p0 $0x100000, s1;
	[bflag:$0x2] =	sbarrier.arrive $0xFFFF  }
0x3c: {  	[sflag:s0] =	ssyncadd.tile.s32 @!p0 $0x1;
	_ =	shalt  }
.Lfunc_end2:
_tile_overlayer_lowered:
.L_overlay_start_2:
0x3d: {  	(tag) =	ssettag $0x2  }
0x3e: {  	s0 =	rddreg [dreg:$0x0];
	s2 =	stileid.u32  }
0x3f: {  	s1 =	rddreg [dreg:$0x1];
	p0 =	sne.s32 s2, $0x0  }
0x40: {  	s3 =	rddreg [dreg:$0x2];
	[bflag:$0x3] =	sbarrier.arrive $0xFFFF;
	s2 =	simm.s32 @!p0 $0x1C02  }
0x41: {  	[timem:s3], [sflag:s2] =	dma.local @!p0 [hbm:s0], s1  }
0x42: {  	s0 =	simm.s32 @!p0 $0x2  }
0x43: {  	_ =	swait.ge @!p0 [sflag:s0], s1  }
0x44: {  	s1 =	ssub.s32 @!p0 $0x0, s1;
	[sflag:s0] =	ssyncset.done @!p0 $0x0  }
0x45: {  	[sflag:s0] =	ssyncadd.s32 @!p0 s1  }
0x46: {  	[bflag:$0x3] =	sbarrier.arrive $0xFFFF  }
0x47: {  	_ =	shalt  }

// kernel: kernel.14.cloned.1.call-start
scs
__scs_entry_jumppad:
0x0: {  	(pc) =	sbr.rel $0x88, $3  }
0x1: {  	(tag) =	ssettag $0x0;
	lr =	simm.s32 $0x1  }
0x2: {  	[smem:$0x3F96] =	sst lr;
	_ =	strace $0xD0000000  }
0x3: {  	_ = 	snop  }
0x4: {  	_ = 	snop  }
0x5: {  	_ = 	snop  }
0x6: {  	_ = 	snop  }
0x7: {  	_ = 	snop  }
__scs_overlays_trampoline_lowered:
0x8: {  	[smem:$0x3FA5] =	sst s0  }
0x9: {  	[smem:$0x3FA6] =	sst s1  }
0xa: {  	[smem:$0x3FA7] =	sst s2  }
0xb: {  	[smem:$0x3FA8] =	sst s3  }
0xc: {  	[smem:$0x3FA9] =	sst s4  }
0xd: {  	[smem:$0x3FAA] =	sst s5  }
0xe: {  	[smem:$0x3FAB] =	sst s6  }
0xf: {  	[smem:$0x3FAC] =	sst s7  }
0x10: {  	[smem:$0x3FAD] =	sst s8  }
0x11: {  	[smem:$0x3FAE] =	sst s9;
	s0 =	simm.s32 @!p0 $0x0  }
0x12: {  	s1 =	sld [smem:$0x3F94];
	s0 =	simm.s32 @p0 $0x1  }
0x13: {  	[smem:$0x3FAF] =	sst s0;
	s0 =	simm.s32 @!p1 $0x0  }
0x14: {  	s2 =	sld [smem:$0x3F93];
	s0 =	simm.s32 @p1 $0x1  }
0x15: {  	[smem:$0x3FB0] =	sst s0;
	s0 =	simm.s32 @!p2 $0x0  }
0x16: {  	s3 =	sld [smem:$0x3FDB];
	s0 =	simm.s32 @p2 $0x1  }
0x17: {  	s4 =	simm.s32 $0x1BF5;
	[smem:$0x3FB2] =	sst s0  }
0x18: {  	s0 =	sld [smem:$0x3F95];
	_ =	swait.ge [sflag:s4], $0x0  }
0x19: {  	s7 =	sld [smem:$0x3F96]  }
0x1a: {  	s8 =	sadd.s32 $0xFFFFE003, lr  }
0x1b: {  	s9 =	sadd.s32 $0xFFFFFEF7, lr;
	s5 =	simm.s32 $0xFFFFFFFF;
	p2 =	slt.u32 s8, $0xFFFFF086  }
0x1c: {  	p1 =	slt.u32 s9, $0xF7A;
	s5 =	simm.s32 @!p2 $0x0  }
0x1d: {  	s5 =	simm.s32 @p1 $0x1;
	p0 =	seq.s32 s7, s2  }
0x1e: {  	s7 =	smul.u32 @!p0 $0xF7A, s2;
	p2 =	seq.s32 @!p0 s5, $0x0  }
0x1f: {  	s9 =	smul.u32 $0xF7A, s1;
	s8 =	simm.s32 @!p0 $0x1BF5;
	p2 =	por !p2, p0  }
0x20: {  	[sflag:s8] =	ssyncset.s32 @!p0 $0xFFFFF086;
	s6 =	sadd.s32 @!p0 s3, s7;
	s7 =	simm.s32 @!p0 $0x108  }
0x21: {  	s3 =	sadd.s32 s3, s9;
	s6 =	sadd.s32 @!p0 $0x88, s6;
	s7 =	simm.s32 @p2 $0x1082  }
0x22: {  	[simem:s7], [sflag:s8] =	dma.local @!p0 [hbm:s6], $0xF7A  }
0x23: {  	s9 =	sor.u32 $0xD0000000, s2;
	s6 =	simm.s32 $0x108;
	_ =	swait.ge @!p0 [sflag:s8], $0x0  }
0x24: {  	s3 =	sadd.s32 $0x88, s3;
	s6 =	simm.s32 @!p1 $0x1082;
	[sflag:s4] =	ssyncset.s32 $0xFFFFF086  }
0x25: {  	[simem:s6], [sflag:s4] =	dma.local [hbm:s3], $0xF7A  }
0x26: {  	[smem:$0x3F96] =	sst s1;
	(tag) =	ssettag s2;
	_ =	strace s9  }
0x27: {  	s1 =	sld [smem:$0x3FA6]  }
0x28: {  	s2 =	sld [smem:$0x3FA7]  }
0x29: {  	s4 =	sld [smem:$0x3FA9]  }
0x2a: {  	p0 =	seq.s32 s5, $0x0;
	s5 =	sld [smem:$0x3FAA]  }
0x2b: {  	s6 =	sld [smem:$0x3FAB]  }
0x2c: {  	s7 =	sld [smem:$0x3FAC]  }
0x2d: {  	s3 =	simm.s32 $0x108;
	s8 =	sld [smem:$0x3FAD]  }
0x2e: {  	s3 =	simm.s32 @!p0 $0x1082;
	s9 =	sld [smem:$0x3FAE]  }
0x2f: {  	lr =	sadd.s32 s0, s3;
	s0 =	sld [smem:$0x3FA5]  }
0x30: {  	s3 =	sld [smem:$0x3FA8]  }
0x31: {  	[smem:$0x3FB1] =	sst s10  }
0x32: {  	s10 =	sld [smem:$0x3FAF];
	_ =	sdelay $0x3  }
0x33: {  	p0 =	seq.s32 s10, $0x1;
	s10 =	sld [smem:$0x3FB1];
	_ =	sdelay $0x3  }
0x34: {  	[smem:$0x3FB1] =	sst s10  }
0x35: {  	s10 =	sld [smem:$0x3FB0];
	_ =	sdelay $0x3  }
0x36: {  	p1 =	seq.s32 s10, $0x1;
	s10 =	sld [smem:$0x3FB1];
	_ =	sdelay $0x3  }
0x37: {  	[smem:$0x3FB1] =	sst s10  }
0x38: {  	s10 =	sld [smem:$0x3FB2]  }
0x39: {  	_ = 	snop;
	(pc) =	sbr.ind lr, $3  }
0x3a: {  	_ = 	snop  }
0x3b: {  	_ = 	snop  }
0x3c: {  	p2 =	seq.s32 s10, $0x1;
	s10 =	sld [smem:$0x3FB1]  }
0x3d: {  	_ =	shalt  }
0x3e: {  	_ =	shalt  }
0x3f: {  	_ =	shalt  }
0x40: {  	_ =	shalt  }
0x41: {  	_ =	shalt  }
0x42: {  	_ =	shalt  }
0x43: {  	_ =	shalt  }
0x44: {  	_ =	shalt  }
0x45: {  	_ =	shalt  }
0x46: {  	_ =	shalt  }
0x47: {  	_ =	shalt  }
0x48: {  	_ =	shalt  }
0x49: {  	_ =	shalt  }
0x4a: {  	_ =	shalt  }
0x4b: {  	_ =	shalt  }
0x4c: {  	_ =	shalt  }
0x4d: {  	_ =	shalt  }
0x4e: {  	_ =	shalt  }
0x4f: {  	_ =	shalt  }
0x50: {  	_ =	shalt  }
0x51: {  	_ =	shalt  }
0x52: {  	_ =	shalt  }
0x53: {  	_ =	shalt  }
0x54: {  	_ =	shalt  }
0x55: {  	_ =	shalt  }
0x56: {  	_ =	shalt  }
0x57: {  	_ =	shalt  }
0x58: {  	_ =	shalt  }
0x59: {  	_ =	shalt  }
0x5a: {  	_ =	shalt  }
0x5b: {  	_ =	shalt  }
0x5c: {  	_ =	shalt  }
0x5d: {  	_ =	shalt  }
0x5e: {  	_ =	shalt  }
0x5f: {  	_ =	shalt  }
0x60: {  	_ =	shalt  }
0x61: {  	_ =	shalt  }
0x62: {  	_ =	shalt  }
0x63: {  	_ =	shalt  }
0x64: {  	_ =	shalt  }
0x65: {  	_ =	shalt  }
0x66: {  	_ =	shalt  }
0x67: {  	_ =	shalt  }
0x68: {  	_ =	shalt  }
0x69: {  	_ =	shalt  }
0x6a: {  	_ =	shalt  }
0x6b: {  	_ =	shalt  }
0x6c: {  	_ =	shalt  }
0x6d: {  	_ =	shalt  }
0x6e: {  	_ =	shalt  }
0x6f: {  	_ =	shalt  }
0x70: {  	_ =	shalt  }
0x71: {  	_ =	shalt  }
0x72: {  	_ =	shalt  }
0x73: {  	_ =	shalt  }
0x74: {  	_ =	shalt  }
0x75: {  	_ =	shalt  }
0x76: {  	_ =	shalt  }
0x77: {  	_ =	shalt  }
0x78: {  	_ =	shalt  }
0x79: {  	_ =	shalt  }
0x7a: {  	_ =	shalt  }
0x7b: {  	_ =	shalt  }
0x7c: {  	_ =	shalt  }
0x7d: {  	_ =	shalt  }
0x7e: {  	_ =	shalt  }
0x7f: {  	_ =	shalt  }
0x80: {  	_ =	shalt  }
0x81: {  	_ =	shalt  }
0x82: {  	_ =	shalt  }
0x83: {  	_ =	shalt  }
0x84: {  	_ =	shalt  }
0x85: {  	_ =	shalt  }
0x86: {  	_ =	shalt  }
0x87: {  	_ =	shalt  }
.Lfunc_end0:
.L_simem_size_0:
called_computation.5_lowered:
.L_overlay_start_0:
0x88: {  	s2 =	sld [smem:$0x3FD9]  }
0x89: {  	s3 =	sld [smem:$0x3FFE];
	_ =	sdelay $0x1  }
0x8a: {  	s1 =	srdreg.scid  }
0x8b: {  	s0 =	sand.u32 $0x1, s1  }
0x8c: {  	s17 =	sshll.u32 s0, $0xA;
	s2 =	sadd.s32 s3, s2  }
0x8d: {  	s2 =	sadd.s32 s2, s17  }
0x8e: {  	[smem:$0x3FBD] =	sst s2  }
0x8f: {  	_ = 	snop  }
0x90: {  	(tm) =	ssettm $0x1  }
0x91: {  	s18 =	sld [smem:$0x3FFB];
	_ =	sdelay $0x3  }
0x92: {  	_ =	strace s18  }
0x93: {  	s2 =	sld [smem:$0x3FFC];
	_ =	sdelay $0x3  }
0x94: {  	_ =	strace s2  }
0x95: {  	s2 =	sld [smem:$0x3FFD];
	_ =	sdelay $0x3  }
0x96: {  	_ =	strace s2  }
0x97: {  	_ =	strace $0x8FFFFFFF  }
0x98: {  	s19 =	sld [smem:$0x3FDB];
	_ =	sdelay $0x1  }
0x99: {  	s20 =	simm.s32 $_scs_section_size  }
0x9a: {  	s4 =	simm.s32 $_size__tile_overlayer_lowered;
	s5 =	simm.s32 $_tile_overlayer_lowered  }
0x9b: {  	s6 =	simm.s32 $0x1BFF;
	s21 =	sshll.u32 s5, $0x1;
	s3 =	sadd.s32 s20, s19  }
0x9c: {  	s22 =	simm.s32 $0x0;
	s4 =	sshll.u32 s4, $0x1;
	s5 =	sadd.s32 s21, s3  }
0x9d: {  	[timem:s22], [sflag:s6] =	dma.local [hbm:s5], s4  }
0x9e: {  	_ =	swait.ge [sflag:s6], s4  }
0x9f: {  	s4 =	ssub.s32 $0x0, s4;
	[sflag:s6] =	ssyncset.done $0x0  }
0xa0: {  	[sflag:s6] =	ssyncadd.s32 s4;
	_ =	sdelay $0x1  }
0xa1: {  	s23 =	simm.s32 $0x1B8B  }
0xa2: {  	_ =	swait.ge [sflag:s23], $0x1  }
0xa3: {  	[sflag:s23] =	ssyncset.done $0x0  }
0xa4: {  	[sflag:s23] =	ssyncadd.s32 $0xFFFFFFFF  }
0xa5: {  	s4 =	sld [smem:$0x0]  }
0xa6: {  	s5 =	sand.u32 $0xFFFFFFFE, s1  }
0xa7: {  	p0 =	sne.s32 s1, s5  }
0xa8: {  	s5 =	sshll.u32 @p0 s5, $0xE  }
0xa9: {  	s5 =	sadd.s32 @p0 $0x11B8D, s5;
	s6 =	sshll.u32 @p0 s4, $0x11  }
0xaa: {  	s5 =	sor.u32 @p0 s6, s5  }
0xab: {  	[sflag:s5] =	ssyncadd.remote.s32 @p0 $0x1;
	_ =	sdelay $0x1  }
0xac: {  	s5 =	simm.s32 @p0 $0x1B8D  }
0xad: {  	_ =	swait.eq @p0 [sflag:s5], $0x1  }
0xae: {  	[sflag:s5] =	ssyncadd.s32 @p0 $0xFFFFFFFF  }
0xaf: {  	s6 =	sshll.u32 @!p0 s1, $0xE  }
0xb0: {  	s6 =	sor.u32 @!p0 $0x4000, s6;
	s5 =	simm.s32 @!p0 $0x1B8D  }
0xb1: {  	s4 =	sshll.u32 @!p0 s4, $0x11;
	s6 =	sadd.s32 @!p0 $0x11B8D, s6;
	_ =	swait.eq @!p0 [sflag:s5], $0x1  }
0xb2: {  	s4 =	sor.u32 @!p0 s4, s6;
	[sflag:s5] =	ssyncadd.s32 @!p0 $0xFFFFFFFF  }
0xb3: {  	s25 =	simm.s32 $0x1B8E;
	s24 =	sld [smem:$0x3FFE];
	[sflag:s4] =	ssyncadd.remote.s32 @!p0 $0x1  }
0xb4: {  	s26 =	simm.s32 $execute0_lowered;
	[smem:$0x3FD2] =	sst s25  }
0xb5: {  	s5 =	sshll.u32 s26, $0x1;
	_ =	strace $0x80000055;
	[dreg:$0x1] =	wrdreg $0xFFFFFFFF  }
0xb6: {  	s28 =	simm.s32 $_size_execute0_lowered;
	s3 =	sadd.s32 s3, s5;
	[dreg:$0x0] =	wrdreg $0x0  }
0xb7: {  	s5 =	sshll.u32 s28, $0x1;
	[dreg:$0x2] =	wrdreg s3  }
0xb8: {  	[dreg:$0x3] =	wrdreg s5  }
0xb9: {  	[dreg:$0x4] =	wrdreg $0xC0  }
0xba: {  	_ =	task [dreg:s22], $0x5FFFF  }
0xbb: {  	[dreg:$0x1] =	wrdreg $0xFFFFFFFF  }
0xbc: {  	[dreg:$0x0] =	wrdreg $0x60  }
0xbd: {  	[dreg:$0x2] =	wrdreg s24  }
0xbe: {  	[dreg:$0x3] =	wrdreg $0x9  }
0xbf: {  	_ =	task.clear_ibuf [dreg:s22], $0x4FFFF;
	_ =	strace $0x90000055  }
0xc0: {  	s29 =	simm.s32 $0x9;
	_ =	strace $0x80000057  }
0xc1: {  	_ =	swait.ge [sflag:s29], $0x1  }
0xc2: {  	[sflag:s29] =	ssyncadd.s32 $0xFFFFFFFF  }
0xc3: {  	_ =	strace $0x90000057  }
0xc4: {  	_ =	sfence  }
0xc5: {  	s30 =	sld [smem:$0x0];
	_ =	sdelay $0x2  }
0xc6: {  	s31 =	sshll.u32 s1, $0xD;
	s1 =	sshrl.u32 s1, $0x2  }
0xc7: {  	s4 =	sand.u32 $0x4000, s31;
	s1 =	sadd.s32 s1, s30  }
0xc8: {  	s0 =	sor.u32 s4, s0;
	s1 =	sshll.u32 s1, $0x11  }
0xc9: {  	s0 =	sor.u32 s1, s0  }
0xca: {  	s0 =	sadd.s32 $0x8F2B, s0  }
0xcb: {  	[sflag:s0] =	ssyncadd.remote.s32 $0x1  }
0xcc: {  	_ =	sfence.sel $0xFFFF  }
0xcd: {  	[dreg:$0x0] =	wrdreg $0xFFFFFFFF;
	(pc) =	sbr.abs _section_cstart, $3  }
0xce: {  	[dreg:$0x1] =	wrdreg $0xFFFFFFFF  }
0xcf: {  	_ =	task.clear_ibuf [dreg:s22], $0x2FFFF;
	_ =	strace $0x9FFFFFFF  }
0xd0: {  	(tm) =	ssettm $0x7FFFFFFF  }
0xd1: {  	_ =	shalt  }
tec
execute0_lowered:
.L_overlay_start_1:
0x0: {  	(tag) =	ssettag $0x1  }
0x1: {  	s0 =	srdreg.scid  }
0x2: {  	s2 =	stileid.u32;
	s1 =	rddreg [dreg:$0x0];
	s29 =	simm.s32 $0x880  }
0x3: {  	s30 =	simm.s32 $0x1080;
	s31 =	simm.s32 $0x1880;
	s11 =	simm.s32 $0x3880  }
0x4: {  	s12 =	simm.s32 $0x4080;
	s13 =	simm.s32 $0x4880;
	s14 =	simm.s32 $0x5080  }
0x5: {  	s15 =	simm.s32 $0x5880;
	s16 =	simm.s32 $0x6080;
	s17 =	simm.s32 $0x6880  }
0x6: {  	s18 =	simm.s32 $0x7080;
	s19 =	simm.s32 $0x7880;
	s20 =	simm.s32 $0x8080  }
0x7: {  	s21 =	simm.s32 $0x8880;
	s22 =	simm.s32 $0x9080;
	s23 =	simm.s32 $0x9880  }
0x8: {  	s24 =	simm.s32 $0xA080;
	s0 =	sand.u32 $0x1, s0;
	s3 =	sshll.u32 s2, $0x1  }
0x9: {  	s2 =	simm.s32 $0x0;
	s6 =	sadd.s32 $0xE00, s1;
	s7 =	sadd.s32 $0xD6200, s1  }
0xa: {  	s4 =	sor.u32 s0, s3;
	[smem:$0x7FF] =	sst s2;
	s3 =	sadd.s32 $0x36200, s1  }
0xb: {  	s0 =	ssub.s32 $0x2, s0;
	s5 =	smul.u32 $0xA0, s4;
	_ =	strace $0x80000056  }
0xc: {  	s9 =	sshrl.u32 s0, $0x1;
	s10 =	smul.u32 $0x5000, s4;
	s4 =	sadd.s32 $0x36300, s1  }
0xd: {  	s0 =	ssub.s32 s0, s9;
	s8 =	sshrl.u32 s5, $0x3;
	s5 =	sadd.s32 $0x50, s5  }
0xe: {  	s25 =	sadd.s32 s7, s10;
	s10 =	simm.s32 $0x3080;
	s8 =	sadd.s32 s6, s8  }
0xf: {  	s26 =	sshrl.u32 s5, $0x3;
	[dreg:$0x3] =	wrdreg s25;
	s28 =	sshll.u32 s5, $0x7  }
0x10: {  	s5 =	sadd.s32 $0x36400, s1;
	s25 =	simm.s32 $0xA880;
	[dreg:$0x2] =	wrdreg s8  }
0x11: {  	v2 =	vlaneseq.u32;
	s6 =	sadd.s32 s6, s26;
	s7 =	sadd.s32 s7, s28;
	s8 =	simm.s32 $0x2  }
0x12: {  	vm0 =	vmmov $0xffff;
	v1 =	vshrl.u32 v2, $0x3;
	s26 =	simm.s32 $0x1;
	[dreg:$0x4] =	wrdreg s6;
	s6 =	sadd.s32 $0x36500, s1  }
0x13: {  	v0 =	vand.u32 $0x7, v2;
	v2 =	vor.u32 $0x8, v2;
	v1 =	vmul.u32 $0x8, v1;
	[dreg:$0x5] =	wrdreg s7;
	s7 =	smax.u32 s0, $0x1;
	s0 =	simm.s32 $0x80  }
.LBB2_1:
0x14: {  	s28 =	rddreg [dreg:$0x2]  }
0x15: {  	[tilespmem:s2], [sflag:$0x2] =	stream.linear.gather [hbm4b:s28+s2], $0x50, $0x38;
	[tilespmem:$0x14080] =	vst v63  }
0x16: {  	_ =	swait.ge [sflag:s8], $0x50  }
0x17: {  	[sflag:s8] =	ssyncset.done $0x0  }
0x18: {  	[sflag:s8] =	ssyncadd.s32 $0xFFFFFFB0  }
0x19: {  	v3 =	vld [tilespmem:$0x0];
	_ =	sdelay $0x4  }
0x1a: {  	v4 =	vshll.u32 v3, $0x3  }
0x1b: {  	v3 =	vand.u32 $0x7, v3;
	v4 =	vand.u32 $0xFFFFFFC0, v4  }
0x1c: {  	v3 =	vor.u32 v3, v4  }
0x1d: {  	v4 =	vperm.xlane v3, v0;
	_ =	sdelay $0x1  }
0x1e: {  	v4 =	vadd.s32 v1, v4;
	_ =	sdelay $0x4  }
0x1f: {  	[tilespmem:s0], [sflag:$0x1] =	stream.indirect_vreg.gather [hbm4b:s3+s2], $0x80, v4, vm0, $0xb8;
	[tilespmem:$0x14080] =	vst v63  }
0x20: {  	v3 =	vperm.xlane v3, v2  }
0x21: {  	[tilespmem:s29], [sflag:$0x1] =	stream.indirect_vreg.gather [hbm4b:s4+s2], $0x80, v4, vm0, $0xb8;
	[tilespmem:$0x14080] =	vst v63  }
0x22: {  	v3 =	vadd.s32 v1, v3  }
0x23: {  	[tilespmem:s30], [sflag:$0x1] =	stream.indirect_vreg.gather [hbm4b:s5+s2], $0x80, v4, vm0, $0xb8;
	[tilespmem:$0x14080] =	vst v63  }
0x24: {  	_ = 	snop  }
0x25: {  	[tilespmem:s31], [sflag:$0x1] =	stream.indirect_vreg.gather [hbm4b:s6+s2], $0x80, v4, vm0, $0xb8;
	[tilespmem:$0x14080] =	vst v63  }
0x26: {  	s1 =	simm.s32 $0x2080  }
0x27: {  	[tilespmem:s1], [sflag:$0x1] =	stream.indirect_vreg.gather [hbm4b:s3+s2], $0x80, v3, vm0, $0xb8;
	[tilespmem:$0x14080] =	vst v63  }
0x28: {  	s9 =	simm.s32 $0x2880  }
0x29: {  	[tilespmem:s9], [sflag:$0x1] =	stream.indirect_vreg.gather [hbm4b:s4+s2], $0x80, v3, vm0, $0xb8;
	[tilespmem:$0x14080] =	vst v63  }
0x2a: {  	_ = 	snop  }
0x2b: {  	[tilespmem:s10], [sflag:$0x1] =	stream.indirect_vreg.gather [hbm4b:s5+s2], $0x80, v3, vm0, $0xb8;
	[tilespmem:$0x14080] =	vst v63  }
0x2c: {  	_ = 	snop  }
0x2d: {  	[tilespmem:s11], [sflag:$0x1] =	stream.indirect_vreg.gather [hbm4b:s6+s2], $0x80, v3, vm0, $0xb8;
	[tilespmem:$0x14080] =	vst v63  }
0x2e: {  	v3 =	vld [tilespmem:$0x10];
	_ =	sdelay $0x4  }
0x2f: {  	v55 =	vshll.u32 v3, $0x3  }
0x30: {  	v3 =	vand.u32 $0x7, v3;
	v4 =	vand.u32 $0xFFFFFFC0, v55  }
0x31: {  	v3 =	vor.u32 v3, v4  }
0x32: {  	v4 =	vperm.xlane v3, v0;
	_ =	sdelay $0x1  }
0x33: {  	v4 =	vadd.s32 v1, v4;
	_ =	sdelay $0x4  }
0x34: {  	[tilespmem:s12], [sflag:$0x1] =	stream.indirect_vreg.gather [hbm4b:s3+s2], $0x80, v4, vm0, $0xb8;
	[tilespmem:$0x14080] =	vst v63  }
0x35: {  	v3 =	vperm.xlane v3, v2  }
0x36: {  	[tilespmem:s13], [sflag:$0x1] =	stream.indirect_vreg.gather [hbm4b:s4+s2], $0x80, v4, vm0, $0xb8;
	[tilespmem:$0x14080] =	vst v63  }
0x37: {  	v3 =	vadd.s32 v1, v3  }
0x38: {  	[tilespmem:s14], [sflag:$0x1] =	stream.indirect_vreg.gather [hbm4b:s5+s2], $0x80, v4, vm0, $0xb8;
	[tilespmem:$0x14080] =	vst v63  }
0x39: {  	_ = 	snop  }
0x3a: {  	[tilespmem:s15], [sflag:$0x1] =	stream.indirect_vreg.gather [hbm4b:s6+s2], $0x80, v4, vm0, $0xb8;
	[tilespmem:$0x14080] =	vst v63  }
0x3b: {  	_ = 	snop  }
0x3c: {  	[tilespmem:s16], [sflag:$0x1] =	stream.indirect_vreg.gather [hbm4b:s3+s2], $0x80, v3, vm0, $0xb8;
	[tilespmem:$0x14080] =	vst v63  }
0x3d: {  	_ = 	snop  }
0x3e: {  	[tilespmem:s17], [sflag:$0x1] =	stream.indirect_vreg.gather [hbm4b:s4+s2], $0x80, v3, vm0, $0xb8;
	[tilespmem:$0x14080] =	vst v63  }
0x3f: {  	_ = 	snop  }
0x40: {  	[tilespmem:s18], [sflag:$0x1] =	stream.indirect_vreg.gather [hbm4b:s5+s2], $0x80, v3, vm0, $0xb8;
	[tilespmem:$0x14080] =	vst v63  }
0x41: {  	_ = 	snop  }
0x42: {  	[tilespmem:s19], [sflag:$0x1] =	stream.indirect_vreg.gather [hbm4b:s6+s2], $0x80, v3, vm0, $0xb8;
	[tilespmem:$0x14080] =	vst v63  }
0x43: {  	v3 =	vld [tilespmem:$0x20];
	_ =	sdelay $0x4  }
0x44: {  	v56 =	vshll.u32 v3, $0x3  }
0x45: {  	v3 =	vand.u32 $0x7, v3;
	v4 =	vand.u32 $0xFFFFFFC0, v56  }
0x46: {  	v3 =	vor.u32 v3, v4  }
0x47: {  	v4 =	vperm.xlane v3, v0;
	_ =	sdelay $0x1  }
0x48: {  	v4 =	vadd.s32 v1, v4;
	_ =	sdelay $0x4  }
0x49: {  	[tilespmem:s20], [sflag:$0x1] =	stream.indirect_vreg.gather [hbm4b:s3+s2], $0x80, v4, vm0, $0xb8;
	[tilespmem:$0x14080] =	vst v63  }
0x4a: {  	v3 =	vperm.xlane v3, v2  }
0x4b: {  	[tilespmem:s21], [sflag:$0x1] =	stream.indirect_vreg.gather [hbm4b:s4+s2], $0x80, v4, vm0, $0xb8;
	[tilespmem:$0x14080] =	vst v63  }
0x4c: {  	v3 =	vadd.s32 v1, v3  }
0x4d: {  	[tilespmem:s22], [sflag:$0x1] =	stream.indirect_vreg.gather [hbm4b:s5+s2], $0x80, v4, vm0, $0xb8;
	[tilespmem:$0x14080] =	vst v63  }
0x4e: {  	_ = 	snop  }
0x4f: {  	[tilespmem:s23], [sflag:$0x1] =	stream.indirect_vreg.gather [hbm4b:s6+s2], $0x80, v4, vm0, $0xb8;
	[tilespmem:$0x14080] =	vst v63  }
0x50: {  	_ = 	snop  }
0x51: {  	[tilespmem:s24], [sflag:$0x1] =	stream.indirect_vreg.gather [hbm4b:s3+s2], $0x80, v3, vm0, $0xb8;
	[tilespmem:$0x14080] =	vst v63  }
0x52: {  	_ = 	snop  }
0x53: {  	[tilespmem:s25], [sflag:$0x1] =	stream.indirect_vreg.gather [hbm4b:s4+s2], $0x80, v3, vm0, $0xb8;
	[tilespmem:$0x14080] =	vst v63  }
0x54: {  	s9 =	simm.s32 $0xB080  }
0x55: {  	[tilespmem:s9], [sflag:$0x1] =	stream.indirect_vreg.gather [hbm4b:s5+s2], $0x80, v3, vm0, $0xb8;
	[tilespmem:$0x14080] =	vst v63  }
0x56: {  	s28 =	simm.s32 $0xB880  }
0x57: {  	[tilespmem:s28], [sflag:$0x1] =	stream.indirect_vreg.gather [hbm4b:s6+s2], $0x80, v3, vm0, $0xb8;
	[tilespmem:$0x14080] =	vst v63  }
0x58: {  	v3 =	vld [tilespmem:$0x30];
	_ =	sdelay $0x4  }
0x59: {  	v57 =	vshll.u32 v3, $0x3  }
0x5a: {  	v3 =	vand.u32 $0x7, v3;
	v4 =	vand.u32 $0xFFFFFFC0, v57  }
0x5b: {  	v3 =	vor.u32 v3, v4  }
0x5c: {  	v4 =	vperm.xlane v3, v0;
	_ =	sdelay $0x1  }
0x5d: {  	v4 =	vadd.s32 v1, v4;
	_ =	sdelay $0x3  }
0x5e: {  	s28 =	simm.s32 $0xC080  }
0x5f: {  	[tilespmem:s28], [sflag:$0x1] =	stream.indirect_vreg.gather [hbm4b:s3+s2], $0x80, v4, vm0, $0xb8;
	[tilespmem:$0x14080] =	vst v63  }
0x60: {  	v3 =	vperm.xlane v3, v2;
	s28 =	simm.s32 $0xC880  }
0x61: {  	[tilespmem:s28], [sflag:$0x1] =	stream.indirect_vreg.gather [hbm4b:s4+s2], $0x80, v4, vm0, $0xb8;
	[tilespmem:$0x14080] =	vst v63  }
0x62: {  	v3 =	vadd.s32 v1, v3;
	s28 =	simm.s32 $0xD080  }
0x63: {  	[tilespmem:s28], [sflag:$0x1] =	stream.indirect_vreg.gather [hbm4b:s5+s2], $0x80, v4, vm0, $0xb8;
	[tilespmem:$0x14080] =	vst v63  }
0x64: {  	s28 =	simm.s32 $0xD880  }
0x65: {  	[tilespmem:s28], [sflag:$0x1] =	stream.indirect_vreg.gather [hbm4b:s6+s2], $0x80, v4, vm0, $0xb8;
	[tilespmem:$0x14080] =	vst v63  }
0x66: {  	s28 =	simm.s32 $0xE080  }
0x67: {  	[tilespmem:s28], [sflag:$0x1] =	stream.indirect_vreg.gather [hbm4b:s3+s2], $0x80, v3, vm0, $0xb8;
	[tilespmem:$0x14080] =	vst v63  }
0x68: {  	s28 =	simm.s32 $0xE880  }
0x69: {  	[tilespmem:s28], [sflag:$0x1] =	stream.indirect_vreg.gather [hbm4b:s4+s2], $0x80, v3, vm0, $0xb8;
	[tilespmem:$0x14080] =	vst v63  }
0x6a: {  	s28 =	simm.s32 $0xF080  }
0x6b: {  	[tilespmem:s28], [sflag:$0x1] =	stream.indirect_vreg.gather [hbm4b:s5+s2], $0x80, v3, vm0, $0xb8;
	[tilespmem:$0x14080] =	vst v63  }
0x6c: {  	s28 =	simm.s32 $0xF880  }
0x6d: {  	[tilespmem:s28], [sflag:$0x1] =	stream.indirect_vreg.gather [hbm4b:s6+s2], $0x80, v3, vm0, $0xb8;
	[tilespmem:$0x14080] =	vst v63  }
0x6e: {  	v3 =	vld [tilespmem:$0x40];
	_ =	sdelay $0x4  }
0x6f: {  	v58 =	vshll.u32 v3, $0x3  }
0x70: {  	v3 =	vand.u32 $0x7, v3;
	v4 =	vand.u32 $0xFFFFFFC0, v58  }
0x71: {  	v3 =	vor.u32 v3, v4  }
0x72: {  	v4 =	vperm.xlane v3, v0;
	_ =	sdelay $0x1  }
0x73: {  	v4 =	vadd.s32 v1, v4;
	_ =	sdelay $0x3  }
0x74: {  	s28 =	simm.s32 $0x10080  }
0x75: {  	[tilespmem:s28], [sflag:$0x1] =	stream.indirect_vreg.gather [hbm4b:s3+s2], $0x80, v4, vm0, $0xb8;
	[tilespmem:$0x14080] =	vst v63  }
0x76: {  	v3 =	vperm.xlane v3, v2;
	s28 =	simm.s32 $0x10880  }
0x77: {  	[tilespmem:s28], [sflag:$0x1] =	stream.indirect_vreg.gather [hbm4b:s4+s2], $0x80, v4, vm0, $0xb8;
	[tilespmem:$0x14080] =	vst v63  }
0x78: {  	v3 =	vadd.s32 v1, v3;
	s28 =	simm.s32 $0x11080  }
0x79: {  	[tilespmem:s28], [sflag:$0x1] =	stream.indirect_vreg.gather [hbm4b:s5+s2], $0x80, v4, vm0, $0xb8;
	[tilespmem:$0x14080] =	vst v63  }
0x7a: {  	s28 =	simm.s32 $0x11880  }
0x7b: {  	[tilespmem:s28], [sflag:$0x1] =	stream.indirect_vreg.gather [hbm4b:s6+s2], $0x80, v4, vm0, $0xb8;
	[tilespmem:$0x14080] =	vst v63  }
0x7c: {  	s28 =	simm.s32 $0x12080  }
0x7d: {  	[tilespmem:s28], [sflag:$0x1] =	stream.indirect_vreg.gather [hbm4b:s3+s2], $0x80, v3, vm0, $0xb8;
	[tilespmem:$0x14080] =	vst v63  }
0x7e: {  	s28 =	simm.s32 $0x12880  }
0x7f: {  	[tilespmem:s28], [sflag:$0x1] =	stream.indirect_vreg.gather [hbm4b:s4+s2], $0x80, v3, vm0, $0xb8;
	[tilespmem:$0x14080] =	vst v63  }
0x80: {  	s28 =	simm.s32 $0x13080  }
0x81: {  	[tilespmem:s28], [sflag:$0x1] =	stream.indirect_vreg.gather [hbm4b:s5+s2], $0x80, v3, vm0, $0xb8;
	[tilespmem:$0x14080] =	vst v63  }
0x82: {  	s28 =	simm.s32 $0x13880  }
0x83: {  	[tilespmem:s28], [sflag:$0x1] =	stream.indirect_vreg.gather [hbm4b:s6+s2], $0x80, v3, vm0, $0xb8;
	[tilespmem:$0x14080] =	vst v63  }
0x84: {  	_ =	swait.ge [sflag:s26], $0x14000  }
0x85: {  	[sflag:s26] =	ssyncset.done $0x0  }
0x86: {  	s28 =	rddreg [dreg:$0x3];
	[sflag:s26] =	ssyncadd.s32 $0xFFFEC000  }
0x87: {  	[hbm4b:s28+s2] =	stream.linear.scatter [tilespmem:s0], [sflag:$0x2], $0x14000, $0x38;
	[tilespmem:$0x14080] =	vst v63  }
0x88: {  	_ =	swait.ge [sflag:s8], $0x14000  }
0x89: {  	[sflag:s8] =	ssyncset.done $0x0  }
0x8a: {  	s28 =	rddreg [dreg:$0x4];
	[sflag:s8] =	ssyncadd.s32 $0xFFFEC000  }
0x8b: {  	[tilespmem:s2], [sflag:$0x2] =	stream.linear.gather [hbm4b:s28+s2], $0x50, $0x38;
	[tilespmem:$0x14080] =	vst v63  }
0x8c: {  	_ =	swait.ge [sflag:s8], $0x50  }
0x8d: {  	[sflag:s8] =	ssyncset.done $0x0  }
0x8e: {  	[sflag:s8] =	ssyncadd.s32 $0xFFFFFFB0  }
0x8f: {  	v3 =	vld [tilespmem:$0x0];
	_ =	sdelay $0x4  }
0x90: {  	v59 =	vshll.u32 v3, $0x3  }
0x91: {  	v3 =	vand.u32 $0x7, v3;
	v4 =	vand.u32 $0xFFFFFFC0, v59  }
0x92: {  	v3 =	vor.u32 v3, v4  }
0x93: {  	v4 =	vperm.xlane v3, v0;
	_ =	sdelay $0x1  }
0x94: {  	v4 =	vadd.s32 v1, v4;
	_ =	sdelay $0x4  }
0x95: {  	[tilespmem:s0], [sflag:$0x1] =	stream.indirect_vreg.gather [hbm4b:s3+s2], $0x80, v4, vm0, $0xb8;
	[tilespmem:$0x14080] =	vst v63  }
0x96: {  	v3 =	vperm.xlane v3, v2  }
0x97: {  	[tilespmem:s29], [sflag:$0x1] =	stream.indirect_vreg.gather [hbm4b:s4+s2], $0x80, v4, vm0, $0xb8;
	[tilespmem:$0x14080] =	vst v63  }
0x98: {  	v3 =	vadd.s32 v1, v3  }
0x99: {  	[tilespmem:s30], [sflag:$0x1] =	stream.indirect_vreg.gather [hbm4b:s5+s2], $0x80, v4, vm0, $0xb8;
	[tilespmem:$0x14080] =	vst v63  }
0x9a: {  	_ = 	snop  }
0x9b: {  	[tilespmem:s31], [sflag:$0x1] =	stream.indirect_vreg.gather [hbm4b:s6+s2], $0x80, v4, vm0, $0xb8;
	[tilespmem:$0x14080] =	vst v63  }
0x9c: {  	_ = 	snop  }
0x9d: {  	[tilespmem:s1], [sflag:$0x1] =	stream.indirect_vreg.gather [hbm4b:s3+s2], $0x80, v3, vm0, $0xb8;
	[tilespmem:$0x14080] =	vst v63  }
0x9e: {  	s28 =	simm.s32 $0x2880  }
0x9f: {  	[tilespmem:s28], [sflag:$0x1] =	stream.indirect_vreg.gather [hbm4b:s4+s2], $0x80, v3, vm0, $0xb8;
	[tilespmem:$0x14080] =	vst v63  }
0xa0: {  	_ = 	snop  }
0xa1: {  	[tilespmem:s10], [sflag:$0x1] =	stream.indirect_vreg.gather [hbm4b:s5+s2], $0x80, v3, vm0, $0xb8;
	[tilespmem:$0x14080] =	vst v63  }
0xa2: {  	_ = 	snop  }
0xa3: {  	[tilespmem:s11], [sflag:$0x1] =	stream.indirect_vreg.gather [hbm4b:s6+s2], $0x80, v3, vm0, $0xb8;
	[tilespmem:$0x14080] =	vst v63  }
0xa4: {  	v3 =	vld [tilespmem:$0x10];
	_ =	sdelay $0x4  }
0xa5: {  	v60 =	vshll.u32 v3, $0x3  }
0xa6: {  	v3 =	vand.u32 $0x7, v3;
	v4 =	vand.u32 $0xFFFFFFC0, v60  }
0xa7: {  	v3 =	vor.u32 v3, v4  }
0xa8: {  	v4 =	vperm.xlane v3, v0;
	_ =	sdelay $0x1  }
0xa9: {  	v4 =	vadd.s32 v1, v4;
	_ =	sdelay $0x4  }
0xaa: {  	[tilespmem:s12], [sflag:$0x1] =	stream.indirect_vreg.gather [hbm4b:s3+s2], $0x80, v4, vm0, $0xb8;
	[tilespmem:$0x14080] =	vst v63  }
0xab: {  	v3 =	vperm.xlane v3, v2  }
0xac: {  	[tilespmem:s13], [sflag:$0x1] =	stream.indirect_vreg.gather [hbm4b:s4+s2], $0x80, v4, vm0, $0xb8;
	[tilespmem:$0x14080] =	vst v63  }
0xad: {  	v3 =	vadd.s32 v1, v3  }
0xae: {  	[tilespmem:s14], [sflag:$0x1] =	stream.indirect_vreg.gather [hbm4b:s5+s2], $0x80, v4, vm0, $0xb8;
	[tilespmem:$0x14080] =	vst v63  }
0xaf: {  	_ = 	snop  }
0xb0: {  	[tilespmem:s15], [sflag:$0x1] =	stream.indirect_vreg.gather [hbm4b:s6+s2], $0x80, v4, vm0, $0xb8;
	[tilespmem:$0x14080] =	vst v63  }
0xb1: {  	_ = 	snop  }
0xb2: {  	[tilespmem:s16], [sflag:$0x1] =	stream.indirect_vreg.gather [hbm4b:s3+s2], $0x80, v3, vm0, $0xb8;
	[tilespmem:$0x14080] =	vst v63  }
0xb3: {  	_ = 	snop  }
0xb4: {  	[tilespmem:s17], [sflag:$0x1] =	stream.indirect_vreg.gather [hbm4b:s4+s2], $0x80, v3, vm0, $0xb8;
	[tilespmem:$0x14080] =	vst v63  }
0xb5: {  	_ = 	snop  }
0xb6: {  	[tilespmem:s18], [sflag:$0x1] =	stream.indirect_vreg.gather [hbm4b:s5+s2], $0x80, v3, vm0, $0xb8;
	[tilespmem:$0x14080] =	vst v63  }
0xb7: {  	_ = 	snop  }
0xb8: {  	[tilespmem:s19], [sflag:$0x1] =	stream.indirect_vreg.gather [hbm4b:s6+s2], $0x80, v3, vm0, $0xb8;
	[tilespmem:$0x14080] =	vst v63  }
0xb9: {  	v3 =	vld [tilespmem:$0x20];
	_ =	sdelay $0x4  }
0xba: {  	v61 =	vshll.u32 v3, $0x3  }
0xbb: {  	v3 =	vand.u32 $0x7, v3;
	v4 =	vand.u32 $0xFFFFFFC0, v61  }
0xbc: {  	v3 =	vor.u32 v3, v4  }
0xbd: {  	v4 =	vperm.xlane v3, v0;
	_ =	sdelay $0x1  }
0xbe: {  	v4 =	vadd.s32 v1, v4;
	_ =	sdelay $0x4  }
0xbf: {  	[tilespmem:s20], [sflag:$0x1] =	stream.indirect_vreg.gather [hbm4b:s3+s2], $0x80, v4, vm0, $0xb8;
	[tilespmem:$0x14080] =	vst v63  }
0xc0: {  	v3 =	vperm.xlane v3, v2  }
0xc1: {  	[tilespmem:s21], [sflag:$0x1] =	stream.indirect_vreg.gather [hbm4b:s4+s2], $0x80, v4, vm0, $0xb8;
	[tilespmem:$0x14080] =	vst v63  }
0xc2: {  	v3 =	vadd.s32 v1, v3  }
0xc3: {  	[tilespmem:s22], [sflag:$0x1] =	stream.indirect_vreg.gather [hbm4b:s5+s2], $0x80, v4, vm0, $0xb8;
	[tilespmem:$0x14080] =	vst v63  }
0xc4: {  	_ = 	snop  }
0xc5: {  	[tilespmem:s23], [sflag:$0x1] =	stream.indirect_vreg.gather [hbm4b:s6+s2], $0x80, v4, vm0, $0xb8;
	[tilespmem:$0x14080] =	vst v63  }
0xc6: {  	_ = 	snop  }
0xc7: {  	[tilespmem:s24], [sflag:$0x1] =	stream.indirect_vreg.gather [hbm4b:s3+s2], $0x80, v3, vm0, $0xb8;
	[tilespmem:$0x14080] =	vst v63  }
0xc8: {  	_ = 	snop  }
0xc9: {  	[tilespmem:s25], [sflag:$0x1] =	stream.indirect_vreg.gather [hbm4b:s4+s2], $0x80, v3, vm0, $0xb8;
	[tilespmem:$0x14080] =	vst v63  }
0xca: {  	_ = 	snop  }
0xcb: {  	[tilespmem:s9], [sflag:$0x1] =	stream.indirect_vreg.gather [hbm4b:s5+s2], $0x80, v3, vm0, $0xb8;
	[tilespmem:$0x14080] =	vst v63  }
0xcc: {  	s28 =	simm.s32 $0xB880  }
0xcd: {  	[tilespmem:s28], [sflag:$0x1] =	stream.indirect_vreg.gather [hbm4b:s6+s2], $0x80, v3, vm0, $0xb8;
	[tilespmem:$0x14080] =	vst v63  }
0xce: {  	v3 =	vld [tilespmem:$0x30];
	_ =	sdelay $0x4  }
0xcf: {  	v62 =	vshll.u32 v3, $0x3  }
0xd0: {  	v3 =	vand.u32 $0x7, v3;
	v4 =	vand.u32 $0xFFFFFFC0, v62  }
0xd1: {  	v3 =	vor.u32 v3, v4  }
0xd2: {  	v4 =	vperm.xlane v3, v0;
	_ =	sdelay $0x1  }
0xd3: {  	v4 =	vadd.s32 v1, v4;
	_ =	sdelay $0x3  }
0xd4: {  	s9 =	simm.s32 $0xC080  }
0xd5: {  	[tilespmem:s9], [sflag:$0x1] =	stream.indirect_vreg.gather [hbm4b:s3+s2], $0x80, v4, vm0, $0xb8;
	[tilespmem:$0x14080] =	vst v63  }
0xd6: {  	s28 =	simm.s32 $0xC880;
	v3 =	vperm.xlane v3, v2  }
0xd7: {  	[tilespmem:s28], [sflag:$0x1] =	stream.indirect_vreg.gather [hbm4b:s4+s2], $0x80, v4, vm0, $0xb8;
	[tilespmem:$0x14080] =	vst v63  }
0xd8: {  	v3 =	vadd.s32 v1, v3;
	s9 =	simm.s32 $0xD080  }
0xd9: {  	[tilespmem:s9], [sflag:$0x1] =	stream.indirect_vreg.gather [hbm4b:s5+s2], $0x80, v4, vm0, $0xb8;
	[tilespmem:$0x14080] =	vst v63  }
0xda: {  	s28 =	simm.s32 $0xD880  }
0xdb: {  	[tilespmem:s28], [sflag:$0x1] =	stream.indirect_vreg.gather [hbm4b:s6+s2], $0x80, v4, vm0, $0xb8;
	[tilespmem:$0x14080] =	vst v63  }
0xdc: {  	s9 =	simm.s32 $0xE080  }
0xdd: {  	[tilespmem:s9], [sflag:$0x1] =	stream.indirect_vreg.gather [hbm4b:s3+s2], $0x80, v3, vm0, $0xb8;
	[tilespmem:$0x14080] =	vst v63  }
0xde: {  	s28 =	simm.s32 $0xE880  }
0xdf: {  	[tilespmem:s28], [sflag:$0x1] =	stream.indirect_vreg.gather [hbm4b:s4+s2], $0x80, v3, vm0, $0xb8;
	[tilespmem:$0x14080] =	vst v63  }
0xe0: {  	s9 =	simm.s32 $0xF080  }
0xe1: {  	[tilespmem:s9], [sflag:$0x1] =	stream.indirect_vreg.gather [hbm4b:s5+s2], $0x80, v3, vm0, $0xb8;
	[tilespmem:$0x14080] =	vst v63  }
0xe2: {  	s28 =	simm.s32 $0xF880  }
0xe3: {  	[tilespmem:s28], [sflag:$0x1] =	stream.indirect_vreg.gather [hbm4b:s6+s2], $0x80, v3, vm0, $0xb8;
	[tilespmem:$0x14080] =	vst v63  }
0xe4: {  	v3 =	vld [tilespmem:$0x40];
	_ =	sdelay $0x4  }
0xe5: {  	v63 =	vshll.u32 v3, $0x3  }
0xe6: {  	v3 =	vand.u32 $0x7, v3;
	v4 =	vand.u32 $0xFFFFFFC0, v63  }
0xe7: {  	v3 =	vor.u32 v3, v4  }
0xe8: {  	v4 =	vperm.xlane v3, v0;
	_ =	sdelay $0x1  }
0xe9: {  	v4 =	vadd.s32 v1, v4;
	_ =	sdelay $0x3  }
0xea: {  	s9 =	simm.s32 $0x10080  }
0xeb: {  	[tilespmem:s9], [sflag:$0x1] =	stream.indirect_vreg.gather [hbm4b:s3+s2], $0x80, v4, vm0, $0xb8;
	[tilespmem:$0x14080] =	vst v63  }
0xec: {  	s28 =	simm.s32 $0x10880;
	v3 =	vperm.xlane v3, v2  }
0xed: {  	[tilespmem:s28], [sflag:$0x1] =	stream.indirect_vreg.gather [hbm4b:s4+s2], $0x80, v4, vm0, $0xb8;
	[tilespmem:$0x14080] =	vst v63  }
0xee: {  	v3 =	vadd.s32 v1, v3;
	s9 =	simm.s32 $0x11080  }
0xef: {  	[tilespmem:s9], [sflag:$0x1] =	stream.indirect_vreg.gather [hbm4b:s5+s2], $0x80, v4, vm0, $0xb8;
	[tilespmem:$0x14080] =	vst v63  }
0xf0: {  	s28 =	simm.s32 $0x11880  }
0xf1: {  	[tilespmem:s28], [sflag:$0x1] =	stream.indirect_vreg.gather [hbm4b:s6+s2], $0x80, v4, vm0, $0xb8;
	[tilespmem:$0x14080] =	vst v63  }
0xf2: {  	s9 =	simm.s32 $0x12080  }
0xf3: {  	[tilespmem:s9], [sflag:$0x1] =	stream.indirect_vreg.gather [hbm4b:s3+s2], $0x80, v3, vm0, $0xb8;
	[tilespmem:$0x14080] =	vst v63  }
0xf4: {  	s28 =	simm.s32 $0x12880  }
0xf5: {  	[tilespmem:s28], [sflag:$0x1] =	stream.indirect_vreg.gather [hbm4b:s4+s2], $0x80, v3, vm0, $0xb8;
	[tilespmem:$0x14080] =	vst v63  }
0xf6: {  	s9 =	simm.s32 $0x13080  }
0xf7: {  	[tilespmem:s9], [sflag:$0x1] =	stream.indirect_vreg.gather [hbm4b:s5+s2], $0x80, v3, vm0, $0xb8;
	[tilespmem:$0x14080] =	vst v63  }
0xf8: {  	s28 =	simm.s32 $0x13880  }
0xf9: {  	[tilespmem:s28], [sflag:$0x1] =	stream.indirect_vreg.gather [hbm4b:s6+s2], $0x80, v3, vm0, $0xb8;
	[tilespmem:$0x14080] =	vst v63  }
0xfa: {  	_ =	swait.ge [sflag:s26], $0x14000  }
0xfb: {  	p0 =	sne.s32 s7, $0x1;
	[sflag:s26] =	ssyncset.done $0x0  }
.Ltmp0:
0xfc: {  	s9 =	rddreg [dreg:$0x5];
	[sflag:s26] =	ssyncadd.s32 $0xFFFEC000;
	(pc) =	sbr.rel @p0 .LBB2_1-.Ltmp0, $4  }
0xfd: {  	[hbm4b:s9+s2] =	stream.linear.scatter [tilespmem:s0], [sflag:$0x2], $0x14000, $0x38;
	[tilespmem:$0x14080] =	vst v63  }
0xfe: {  	_ =	swait.ge [sflag:s8], $0x14000  }
0xff: {  	[sflag:s8] =	ssyncset.done $0x0  }
0x100: {  	s7 =	sadd.s32 $0xFFFFFFFF, s7;
	[sflag:s8] =	ssyncadd.s32 $0xFFFEC000  }
0x101: {  	_ =	sfence.sel $0x180000  }
0x102: {  	[bflag:$0x0] =	sbarrier.arrive $0xFFFF  }
0x103: {  	_ =	strace $0x90000056  }
0x104: {  	s0 =	stileid.u32;
	[bflag:$0x2] =	sbarrier.arrive $0xFFFF  }
0x105: {  	p0 =	sne.s32 s0, $0x0;
	s0 =	rddreg [dreg:$0x1]  }
0x106: {  	s0 =	sadd.s32 @!p0 $0x100000, s0  }
0x107: {  	[sflag:s0] =	ssyncadd.tile.s32 @!p0 $0x1;
	_ =	shalt  }
.Lfunc_end2:
_tile_overlayer_lowered:
.L_overlay_start_2:
0x108: {  	(tag) =	ssettag $0x2  }
0x109: {  	s0 =	rddreg [dreg:$0x0];
	s2 =	stileid.u32  }
0x10a: {  	s1 =	rddreg [dreg:$0x1];
	p0 =	sne.s32 s2, $0x0  }
0x10b: {  	s3 =	rddreg [dreg:$0x2];
	[bflag:$0x3] =	sbarrier.arrive $0xFFFF;
	s2 =	simm.s32 @!p0 $0x1C02  }
0x10c: {  	[timem:s3], [sflag:s2] =	dma.local @!p0 [hbm:s0], s1  }
0x10d: {  	s0 =	simm.s32 @!p0 $0x2  }
0x10e: {  	_ =	swait.ge @!p0 [sflag:s0], s1  }
0x10f: {  	s1 =	ssub.s32 @!p0 $0x0, s1;
	[sflag:s0] =	ssyncset.done @!p0 $0x0  }
0x110: {  	[sflag:s0] =	ssyncadd.s32 @!p0 s1  }
0x111: {  	[bflag:$0x3] =	sbarrier.arrive $0xFFFF  }
0x112: {  	_ =	shalt  }

// kernel: kernel.17.cloned.1.call-start
scs
__scs_entry_jumppad:
0x0: {  	(pc) =	sbr.rel $0x88, $3  }
0x1: {  	(tag) =	ssettag $0x0;
	lr =	simm.s32 $0x1  }
0x2: {  	[smem:$0x3F96] =	sst lr;
	_ =	strace $0xD0000000  }
0x3: {  	_ = 	snop  }
0x4: {  	_ = 	snop  }
0x5: {  	_ = 	snop  }
0x6: {  	_ = 	snop  }
0x7: {  	_ = 	snop  }
__scs_overlays_trampoline_lowered:
0x8: {  	[smem:$0x3FA5] =	sst s0  }
0x9: {  	[smem:$0x3FA6] =	sst s1  }
0xa: {  	[smem:$0x3FA7] =	sst s2  }
0xb: {  	[smem:$0x3FA8] =	sst s3  }
0xc: {  	[smem:$0x3FA9] =	sst s4  }
0xd: {  	[smem:$0x3FAA] =	sst s5  }
0xe: {  	[smem:$0x3FAB] =	sst s6  }
0xf: {  	[smem:$0x3FAC] =	sst s7  }
0x10: {  	[smem:$0x3FAD] =	sst s8  }
0x11: {  	[smem:$0x3FAE] =	sst s9;
	s0 =	simm.s32 @!p0 $0x0  }
0x12: {  	s1 =	sld [smem:$0x3F94];
	s0 =	simm.s32 @p0 $0x1  }
0x13: {  	[smem:$0x3FAF] =	sst s0;
	s0 =	simm.s32 @!p1 $0x0  }
0x14: {  	s2 =	sld [smem:$0x3F93];
	s0 =	simm.s32 @p1 $0x1  }
0x15: {  	[smem:$0x3FB0] =	sst s0;
	s0 =	simm.s32 @!p2 $0x0  }
0x16: {  	s3 =	sld [smem:$0x3FDB];
	s0 =	simm.s32 @p2 $0x1  }
0x17: {  	s4 =	simm.s32 $0x1BF5;
	[smem:$0x3FB2] =	sst s0  }
0x18: {  	s0 =	sld [smem:$0x3F95];
	_ =	swait.ge [sflag:s4], $0x0  }
0x19: {  	s7 =	sld [smem:$0x3F96]  }
0x1a: {  	s8 =	sadd.s32 $0xFFFFE003, lr  }
0x1b: {  	s9 =	sadd.s32 $0xFFFFFEF7, lr;
	s5 =	simm.s32 $0xFFFFFFFF;
	p2 =	slt.u32 s8, $0xFFFFF086  }
0x1c: {  	p1 =	slt.u32 s9, $0xF7A;
	s5 =	simm.s32 @!p2 $0x0  }
0x1d: {  	s5 =	simm.s32 @p1 $0x1;
	p0 =	seq.s32 s7, s2  }
0x1e: {  	s7 =	smul.u32 @!p0 $0xF7A, s2;
	p2 =	seq.s32 @!p0 s5, $0x0  }
0x1f: {  	s9 =	smul.u32 $0xF7A, s1;
	s8 =	simm.s32 @!p0 $0x1BF5;
	p2 =	por !p2, p0  }
0x20: {  	[sflag:s8] =	ssyncset.s32 @!p0 $0xFFFFF086;
	s6 =	sadd.s32 @!p0 s3, s7;
	s7 =	simm.s32 @!p0 $0x108  }
0x21: {  	s3 =	sadd.s32 s3, s9;
	s6 =	sadd.s32 @!p0 $0x88, s6;
	s7 =	simm.s32 @p2 $0x1082  }
0x22: {  	[simem:s7], [sflag:s8] =	dma.local @!p0 [hbm:s6], $0xF7A  }
0x23: {  	s9 =	sor.u32 $0xD0000000, s2;
	s6 =	simm.s32 $0x108;
	_ =	swait.ge @!p0 [sflag:s8], $0x0  }
0x24: {  	s3 =	sadd.s32 $0x88, s3;
	s6 =	simm.s32 @!p1 $0x1082;
	[sflag:s4] =	ssyncset.s32 $0xFFFFF086  }
0x25: {  	[simem:s6], [sflag:s4] =	dma.local [hbm:s3], $0xF7A  }
0x26: {  	[smem:$0x3F96] =	sst s1;
	(tag) =	ssettag s2;
	_ =	strace s9  }
0x27: {  	s1 =	sld [smem:$0x3FA6]  }
0x28: {  	s2 =	sld [smem:$0x3FA7]  }
0x29: {  	s4 =	sld [smem:$0x3FA9]  }
0x2a: {  	p0 =	seq.s32 s5, $0x0;
	s5 =	sld [smem:$0x3FAA]  }
0x2b: {  	s6 =	sld [smem:$0x3FAB]  }
0x2c: {  	s7 =	sld [smem:$0x3FAC]  }
0x2d: {  	s3 =	simm.s32 $0x108;
	s8 =	sld [smem:$0x3FAD]  }
0x2e: {  	s3 =	simm.s32 @!p0 $0x1082;
	s9 =	sld [smem:$0x3FAE]  }
0x2f: {  	lr =	sadd.s32 s0, s3;
	s0 =	sld [smem:$0x3FA5]  }
0x30: {  	s3 =	sld [smem:$0x3FA8]  }
0x31: {  	[smem:$0x3FB1] =	sst s10  }
0x32: {  	s10 =	sld [smem:$0x3FAF];
	_ =	sdelay $0x3  }
0x33: {  	p0 =	seq.s32 s10, $0x1;
	s10 =	sld [smem:$0x3FB1];
	_ =	sdelay $0x3  }
0x34: {  	[smem:$0x3FB1] =	sst s10  }
0x35: {  	s10 =	sld [smem:$0x3FB0];
	_ =	sdelay $0x3  }
0x36: {  	p1 =	seq.s32 s10, $0x1;
	s10 =	sld [smem:$0x3FB1];
	_ =	sdelay $0x3  }
0x37: {  	[smem:$0x3FB1] =	sst s10  }
0x38: {  	s10 =	sld [smem:$0x3FB2]  }
0x39: {  	_ = 	snop;
	(pc) =	sbr.ind lr, $3  }
0x3a: {  	_ = 	snop  }
0x3b: {  	_ = 	snop  }
0x3c: {  	p2 =	seq.s32 s10, $0x1;
	s10 =	sld [smem:$0x3FB1]  }
0x3d: {  	_ =	shalt  }
0x3e: {  	_ =	shalt  }
0x3f: {  	_ =	shalt  }
0x40: {  	_ =	shalt  }
0x41: {  	_ =	shalt  }
0x42: {  	_ =	shalt  }
0x43: {  	_ =	shalt  }
0x44: {  	_ =	shalt  }
0x45: {  	_ =	shalt  }
0x46: {  	_ =	shalt  }
0x47: {  	_ =	shalt  }
0x48: {  	_ =	shalt  }
0x49: {  	_ =	shalt  }
0x4a: {  	_ =	shalt  }
0x4b: {  	_ =	shalt  }
0x4c: {  	_ =	shalt  }
0x4d: {  	_ =	shalt  }
0x4e: {  	_ =	shalt  }
0x4f: {  	_ =	shalt  }
0x50: {  	_ =	shalt  }
0x51: {  	_ =	shalt  }
0x52: {  	_ =	shalt  }
0x53: {  	_ =	shalt  }
0x54: {  	_ =	shalt  }
0x55: {  	_ =	shalt  }
0x56: {  	_ =	shalt  }
0x57: {  	_ =	shalt  }
0x58: {  	_ =	shalt  }
0x59: {  	_ =	shalt  }
0x5a: {  	_ =	shalt  }
0x5b: {  	_ =	shalt  }
0x5c: {  	_ =	shalt  }
0x5d: {  	_ =	shalt  }
0x5e: {  	_ =	shalt  }
0x5f: {  	_ =	shalt  }
0x60: {  	_ =	shalt  }
0x61: {  	_ =	shalt  }
0x62: {  	_ =	shalt  }
0x63: {  	_ =	shalt  }
0x64: {  	_ =	shalt  }
0x65: {  	_ =	shalt  }
0x66: {  	_ =	shalt  }
0x67: {  	_ =	shalt  }
0x68: {  	_ =	shalt  }
0x69: {  	_ =	shalt  }
0x6a: {  	_ =	shalt  }
0x6b: {  	_ =	shalt  }
0x6c: {  	_ =	shalt  }
0x6d: {  	_ =	shalt  }
0x6e: {  	_ =	shalt  }
0x6f: {  	_ =	shalt  }
0x70: {  	_ =	shalt  }
0x71: {  	_ =	shalt  }
0x72: {  	_ =	shalt  }
0x73: {  	_ =	shalt  }
0x74: {  	_ =	shalt  }
0x75: {  	_ =	shalt  }
0x76: {  	_ =	shalt  }
0x77: {  	_ =	shalt  }
0x78: {  	_ =	shalt  }
0x79: {  	_ =	shalt  }
0x7a: {  	_ =	shalt  }
0x7b: {  	_ =	shalt  }
0x7c: {  	_ =	shalt  }
0x7d: {  	_ =	shalt  }
0x7e: {  	_ =	shalt  }
0x7f: {  	_ =	shalt  }
0x80: {  	_ =	shalt  }
0x81: {  	_ =	shalt  }
0x82: {  	_ =	shalt  }
0x83: {  	_ =	shalt  }
0x84: {  	_ =	shalt  }
0x85: {  	_ =	shalt  }
0x86: {  	_ =	shalt  }
0x87: {  	_ =	shalt  }
.Lfunc_end0:
.L_simem_size_0:
called_computation.6_lowered:
.L_overlay_start_0:
0x88: {  	s2 =	sld [smem:$0x3FD9]  }
0x89: {  	s3 =	sld [smem:$0x3FFE];
	_ =	sdelay $0x1  }
0x8a: {  	s1 =	srdreg.scid  }
0x8b: {  	s0 =	sand.u32 $0x1, s1  }
0x8c: {  	s17 =	sshll.u32 s0, $0xA;
	s2 =	sadd.s32 s3, s2  }
0x8d: {  	s2 =	sadd.s32 s2, s17  }
0x8e: {  	[smem:$0x3FBD] =	sst s2  }
0x8f: {  	_ = 	snop  }
0x90: {  	s2 =	sld [smem:$0x3FD0];
	(tm) =	ssettm $0x1  }
0x91: {  	s18 =	sld [smem:$0x3FFB];
	_ =	sdelay $0x3  }
0x92: {  	_ =	strace s18  }
0x93: {  	s3 =	sld [smem:$0x3FFC];
	_ =	sdelay $0x3  }
0x94: {  	_ =	strace s3  }
0x95: {  	s3 =	sld [smem:$0x3FFD];
	_ =	sdelay $0x3  }
0x96: {  	_ =	strace s3  }
0x97: {  	_ =	strace $0x8FFFFFFF  }
0x98: {  	s19 =	sld [smem:$0x3FDB];
	_ =	sdelay $0x1  }
0x99: {  	s4 =	simm.s32 $_scs_section_size  }
0x9a: {  	s5 =	simm.s32 $_size__tile_overlayer_lowered;
	s6 =	simm.s32 $_tile_overlayer_lowered  }
0x9b: {  	s22 =	simm.s32 $0x1BFF;
	s21 =	sshll.u32 s6, $0x1;
	s3 =	sadd.s32 s4, s19  }
0x9c: {  	s7 =	simm.s32 $0x0;
	s20 =	sshll.u32 s5, $0x1;
	s5 =	sadd.s32 s21, s3  }
0x9d: {  	[timem:s7], [sflag:s22] =	dma.local [hbm:s5], s20  }
0x9e: {  	_ =	swait.ge [sflag:s22], s20  }
0x9f: {  	s4 =	ssub.s32 $0x0, s20;
	[sflag:s22] =	ssyncset.done $0x0  }
0xa0: {  	[sflag:s22] =	ssyncadd.s32 s4;
	_ =	sdelay $0x1  }
0xa1: {  	s23 =	simm.s32 $0x1B8B  }
0xa2: {  	_ =	swait.ge [sflag:s23], $0x1  }
0xa3: {  	[sflag:s23] =	ssyncset.done $0x0  }
0xa4: {  	s25 =	simm.s32 $0x1B8E;
	s24 =	sld [smem:$0x3FFE];
	[sflag:s23] =	ssyncadd.s32 $0xFFFFFFFF  }
0xa5: {  	s26 =	simm.s32 $execute0_lowered;
	[smem:$0x3FD2] =	sst s25  }
0xa6: {  	s5 =	sshll.u32 s26, $0x1;
	_ =	strace $0x80000058;
	[dreg:$0x1] =	wrdreg $0xFFFFFFFF  }
0xa7: {  	s28 =	simm.s32 $_size_execute0_lowered;
	s3 =	sadd.s32 s3, s5;
	[dreg:$0x0] =	wrdreg $0x0  }
0xa8: {  	s5 =	sshll.u32 s28, $0x1;
	[dreg:$0x2] =	wrdreg s3  }
0xa9: {  	[dreg:$0x3] =	wrdreg s5  }
0xaa: {  	[dreg:$0x4] =	wrdreg $0xC0  }
0xab: {  	_ =	task [dreg:s7], $0x5FFFF  }
0xac: {  	[dreg:$0x1] =	wrdreg $0xFFFFFFFF  }
0xad: {  	[dreg:$0x0] =	wrdreg $0x60  }
0xae: {  	[dreg:$0x2] =	wrdreg s24  }
0xaf: {  	[dreg:$0x3] =	wrdreg s2  }
0xb0: {  	[dreg:$0x4] =	wrdreg $0x9  }
0xb1: {  	_ =	task.clear_ibuf [dreg:s7], $0x5FFFF;
	_ =	strace $0x90000058  }
0xb2: {  	s29 =	simm.s32 $0x9;
	_ =	strace $0x8000005A  }
0xb3: {  	_ =	swait.ge [sflag:s29], $0x1  }
0xb4: {  	[sflag:s29] =	ssyncadd.s32 $0xFFFFFFFF  }
0xb5: {  	_ =	strace $0x9000005A  }
0xb6: {  	_ =	sfence  }
0xb7: {  	s30 =	sld [smem:$0x0];
	_ =	sdelay $0x2  }
0xb8: {  	s31 =	sshll.u32 s1, $0xD;
	s1 =	sshrl.u32 s1, $0x2  }
0xb9: {  	s3 =	sand.u32 $0x4000, s31;
	s1 =	sadd.s32 s1, s30  }
0xba: {  	s0 =	sor.u32 s3, s0;
	s1 =	sshll.u32 s1, $0x11  }
0xbb: {  	s0 =	sor.u32 s1, s0  }
0xbc: {  	s0 =	sadd.s32 $0x8F2B, s0  }
0xbd: {  	[sflag:s0] =	ssyncadd.remote.s32 $0x1  }
0xbe: {  	_ =	sfence.sel $0xFFFF  }
0xbf: {  	[dreg:$0x0] =	wrdreg $0xFFFFFFFF;
	(pc) =	sbr.abs _section_cstart, $3  }
0xc0: {  	[dreg:$0x1] =	wrdreg $0xFFFFFFFF  }
0xc1: {  	_ =	task.clear_ibuf [dreg:s7], $0x2FFFF;
	_ =	strace $0x9FFFFFFF  }
0xc2: {  	(tm) =	ssettm $0x7FFFFFFF  }
0xc3: {  	_ =	shalt  }
tec
execute0_lowered:
.L_overlay_start_1:
0x0: {  	(tag) =	ssettag $0x1  }
0x1: {  	s1 =	srdreg.scid;
	s4 =	rddreg [dreg:$0x0]  }
0x2: {  	s0 =	stileid.u32;
	s3 =	rddreg [dreg:$0x1]  }
0x3: {  	s2 =	simm.s32 $0x0;
	s18 =	simm.s32 $0x880;
	s19 =	simm.s32 $0x1080  }
0x4: {  	s20 =	simm.s32 $0x1880;
	s21 =	simm.s32 $0x2080;
	s23 =	simm.s32 $0x2880  }
0x5: {  	s24 =	simm.s32 $0x3080;
	s25 =	simm.s32 $0x3880;
	s26 =	simm.s32 $0x4080  }
0x6: {  	s7 =	simm.s32 $0x80;
	s9 =	simm.s32 $0x5080;
	s10 =	simm.s32 $0x5880  }
0x7: {  	s11 =	simm.s32 $0x6080;
	s12 =	simm.s32 $0x6880;
	[smem:$0x7FF] =	sst s2  }
0x8: {  	s13 =	simm.s32 $0x7080;
	_ =	strace $0x80000059;
	[dreg:$0x5] =	wrdreg s18  }
0x9: {  	s14 =	simm.s32 $0x7880;
	s15 =	simm.s32 $0x8080;
	[dreg:$0x6] =	wrdreg s19  }
0xa: {  	s16 =	simm.s32 $0x8880;
	s17 =	simm.s32 $0x9080;
	[dreg:$0x7] =	wrdreg s20  }
0xb: {  	s28 =	simm.s32 $0xE080;
	s29 =	simm.s32 $0xE880;
	[dreg:$0x8] =	wrdreg s21  }
0xc: {  	s30 =	simm.s32 $0xF080;
	s31 =	simm.s32 $0xF880;
	[dreg:$0x9] =	wrdreg s23  }
0xd: {  	s1 =	sand.u32 $0x1, s1;
	s5 =	sshll.u32 s0, $0x8;
	[dreg:$0xa] =	wrdreg s24  }
0xe: {  	s6 =	sshll.u32 s1, $0x7;
	s1 =	ssub.s32 $0x2, s1;
	[dreg:$0xb] =	wrdreg s25  }
0xf: {  	[dreg:$0xc] =	wrdreg s26;
	s18 =	simm.s32 $0x9880;
	s19 =	simm.s32 $0xA080  }
0x10: {  	s20 =	simm.s32 $0xA880;
	s21 =	simm.s32 $0xB080;
	s23 =	simm.s32 $0xC080  }
0x11: {  	s24 =	simm.s32 $0xC880;
	s25 =	simm.s32 $0xD080;
	s5 =	sor.u32 s6, s5  }
0x12: {  	s26 =	simm.s32 $0xD880;
	s22 =	sshrl.u32 s1, $0x1;
	s6 =	sshrl.u32 s5, $0x3  }
0x13: {  	s5 =	sshll.u32 s5, $0x6;
	s1 =	ssub.s32 s1, s22;
	s6 =	sadd.s32 s4, s6  }
0x14: {  	v2 =	vlaneseq.u32;
	s22 =	simm.s32 $0xB880;
	s3 =	sadd.s32 s3, s5;
	[dreg:$0x3] =	wrdreg s6  }
0x15: {  	vm0 =	vmmov $0xffff;
	v1 =	vshrl.u32 v2, $0x3;
	s5 =	smax.u32 s1, $0x1;
	s1 =	simm.s32 $0x1;
	[dreg:$0x4] =	wrdreg s3  }
0x16: {  	v0 =	vand.u32 $0x7, v2;
	v2 =	vor.u32 $0x8, v2;
	v1 =	vmul.u32 $0x8, v1;
	s3 =	sadd.s32 $0x200, s4;
	s4 =	sadd.s32 $0x300, s4;
	s6 =	simm.s32 $0x2  }
.LBB2_1:
0x17: {  	s0 =	rddreg [dreg:$0x3]  }
0x18: {  	[tilespmem:s2], [sflag:$0x2] =	stream.linear.gather [hbm4b:s0+s2], $0x80, $0x38;
	[tilespmem:$0x10080] =	vst v63  }
0x19: {  	_ =	swait.ge [sflag:s6], $0x80  }
0x1a: {  	[sflag:s6] =	ssyncset.done $0x0  }
0x1b: {  	[sflag:s6] =	ssyncadd.s32 $0xFFFFFF80  }
0x1c: {  	v3 =	vld [tilespmem:$0x0];
	_ =	sdelay $0x4  }
0x1d: {  	v4 =	vshll.u32 v3, $0x2  }
0x1e: {  	v3 =	vand.u32 $0x7, v3;
	v4 =	vand.u32 $0xFFFFFFE0, v4  }
0x1f: {  	v3 =	vor.u32 v3, v4  }
0x20: {  	v4 =	vperm.xlane v3, v0;
	_ =	sdelay $0x1  }
0x21: {  	v4 =	vadd.s32 v1, v4;
	_ =	sdelay $0x1  }
0x22: {  	v3 =	vperm.xlane v3, v2;
	_ =	sdelay $0x1  }
0x23: {  	v3 =	vadd.s32 v1, v3  }
0x24: {  	[tilespmem:s7], [sflag:$0x1] =	stream.indirect_vreg.gather [hbm4b:s3+s2], $0x80, v4, vm0, $0xb8;
	[tilespmem:$0x10080] =	vst v63  }
0x25: {  	s0 =	rddreg [dreg:$0x5]  }
0x26: {  	[tilespmem:s0], [sflag:$0x1] =	stream.indirect_vreg.gather [hbm4b:s4+s2], $0x80, v4, vm0, $0xb8;
	[tilespmem:$0x10080] =	vst v63  }
0x27: {  	s8 =	rddreg [dreg:$0x6]  }
0x28: {  	[tilespmem:s8], [sflag:$0x1] =	stream.indirect_vreg.gather [hbm4b:s3+s2], $0x80, v3, vm0, $0xb8;
	[tilespmem:$0x10080] =	vst v63  }
0x29: {  	s0 =	rddreg [dreg:$0x7]  }
0x2a: {  	[tilespmem:s0], [sflag:$0x1] =	stream.indirect_vreg.gather [hbm4b:s4+s2], $0x80, v3, vm0, $0xb8;
	[tilespmem:$0x10080] =	vst v63  }
0x2b: {  	v3 =	vld [tilespmem:$0x10];
	_ =	sdelay $0x4  }
0x2c: {  	v57 =	vshll.u32 v3, $0x2  }
0x2d: {  	v3 =	vand.u32 $0x7, v3;
	v4 =	vand.u32 $0xFFFFFFE0, v57  }
0x2e: {  	v3 =	vor.u32 v3, v4  }
0x2f: {  	v4 =	vperm.xlane v3, v0;
	_ =	sdelay $0x1  }
0x30: {  	v4 =	vadd.s32 v1, v4;
	_ =	sdelay $0x1  }
0x31: {  	v3 =	vperm.xlane v3, v2;
	_ =	sdelay $0x1  }
0x32: {  	s0 =	rddreg [dreg:$0x8];
	v3 =	vadd.s32 v1, v3  }
0x33: {  	[tilespmem:s0], [sflag:$0x1] =	stream.indirect_vreg.gather [hbm4b:s3+s2], $0x80, v4, vm0, $0xb8;
	[tilespmem:$0x10080] =	vst v63  }
0x34: {  	s8 =	rddreg [dreg:$0x9]  }
0x35: {  	[tilespmem:s8], [sflag:$0x1] =	stream.indirect_vreg.gather [hbm4b:s4+s2], $0x80, v4, vm0, $0xb8;
	[tilespmem:$0x10080] =	vst v63  }
0x36: {  	s0 =	rddreg [dreg:$0xa]  }
0x37: {  	[tilespmem:s0], [sflag:$0x1] =	stream.indirect_vreg.gather [hbm4b:s3+s2], $0x80, v3, vm0, $0xb8;
	[tilespmem:$0x10080] =	vst v63  }
0x38: {  	s8 =	rddreg [dreg:$0xb]  }
0x39: {  	[tilespmem:s8], [sflag:$0x1] =	stream.indirect_vreg.gather [hbm4b:s4+s2], $0x80, v3, vm0, $0xb8;
	[tilespmem:$0x10080] =	vst v63  }
0x3a: {  	v3 =	vld [tilespmem:$0x20];
	_ =	sdelay $0x4  }
0x3b: {  	v58 =	vshll.u32 v3, $0x2  }
0x3c: {  	v3 =	vand.u32 $0x7, v3;
	v4 =	vand.u32 $0xFFFFFFE0, v58  }
0x3d: {  	v3 =	vor.u32 v3, v4  }
0x3e: {  	v4 =	vperm.xlane v3, v0;
	_ =	sdelay $0x1  }
0x3f: {  	v4 =	vadd.s32 v1, v4;
	_ =	sdelay $0x1  }
0x40: {  	v3 =	vperm.xlane v3, v2;
	_ =	sdelay $0x1  }
0x41: {  	s8 =	rddreg [dreg:$0xc];
	v3 =	vadd.s32 v1, v3  }
0x42: {  	[tilespmem:s8], [sflag:$0x1] =	stream.indirect_vreg.gather [hbm4b:s3+s2], $0x80, v4, vm0, $0xb8;
	[tilespmem:$0x10080] =	vst v63  }
0x43: {  	s8 =	simm.s32 $0x4880  }
0x44: {  	[tilespmem:s8], [sflag:$0x1] =	stream.indirect_vreg.gather [hbm4b:s4+s2], $0x80, v4, vm0, $0xb8;
	[tilespmem:$0x10080] =	vst v63  }
0x45: {  	_ = 	snop  }
0x46: {  	[tilespmem:s9], [sflag:$0x1] =	stream.indirect_vreg.gather [hbm4b:s3+s2], $0x80, v3, vm0, $0xb8;
	[tilespmem:$0x10080] =	vst v63  }
0x47: {  	_ = 	snop  }
0x48: {  	[tilespmem:s10], [sflag:$0x1] =	stream.indirect_vreg.gather [hbm4b:s4+s2], $0x80, v3, vm0, $0xb8;
	[tilespmem:$0x10080] =	vst v63  }
0x49: {  	v3 =	vld [tilespmem:$0x30];
	_ =	sdelay $0x4  }
0x4a: {  	v59 =	vshll.u32 v3, $0x2  }
0x4b: {  	v3 =	vand.u32 $0x7, v3;
	v4 =	vand.u32 $0xFFFFFFE0, v59  }
0x4c: {  	v3 =	vor.u32 v3, v4  }
0x4d: {  	v4 =	vperm.xlane v3, v0;
	_ =	sdelay $0x1  }
0x4e: {  	v4 =	vadd.s32 v1, v4;
	_ =	sdelay $0x1  }
0x4f: {  	v3 =	vperm.xlane v3, v2;
	_ =	sdelay $0x1  }
0x50: {  	v3 =	vadd.s32 v1, v3  }
0x51: {  	[tilespmem:s11], [sflag:$0x1] =	stream.indirect_vreg.gather [hbm4b:s3+s2], $0x80, v4, vm0, $0xb8;
	[tilespmem:$0x10080] =	vst v63  }
0x52: {  	_ = 	snop  }
0x53: {  	[tilespmem:s12], [sflag:$0x1] =	stream.indirect_vreg.gather [hbm4b:s4+s2], $0x80, v4, vm0, $0xb8;
	[tilespmem:$0x10080] =	vst v63  }
0x54: {  	_ = 	snop  }
0x55: {  	[tilespmem:s13], [sflag:$0x1] =	stream.indirect_vreg.gather [hbm4b:s3+s2], $0x80, v3, vm0, $0xb8;
	[tilespmem:$0x10080] =	vst v63  }
0x56: {  	_ = 	snop  }
0x57: {  	[tilespmem:s14], [sflag:$0x1] =	stream.indirect_vreg.gather [hbm4b:s4+s2], $0x80, v3, vm0, $0xb8;
	[tilespmem:$0x10080] =	vst v63  }
0x58: {  	v3 =	vld [tilespmem:$0x40];
	_ =	sdelay $0x4  }
0x59: {  	v60 =	vshll.u32 v3, $0x2  }
0x5a: {  	v3 =	vand.u32 $0x7, v3;
	v4 =	vand.u32 $0xFFFFFFE0, v60  }
0x5b: {  	v3 =	vor.u32 v3, v4  }
0x5c: {  	v4 =	vperm.xlane v3, v0;
	_ =	sdelay $0x1  }
0x5d: {  	v4 =	vadd.s32 v1, v4;
	_ =	sdelay $0x1  }
0x5e: {  	v3 =	vperm.xlane v3, v2;
	_ =	sdelay $0x1  }
0x5f: {  	v3 =	vadd.s32 v1, v3  }
0x60: {  	[tilespmem:s15], [sflag:$0x1] =	stream.indirect_vreg.gather [hbm4b:s3+s2], $0x80, v4, vm0, $0xb8;
	[tilespmem:$0x10080] =	vst v63  }
0x61: {  	_ = 	snop  }
0x62: {  	[tilespmem:s16], [sflag:$0x1] =	stream.indirect_vreg.gather [hbm4b:s4+s2], $0x80, v4, vm0, $0xb8;
	[tilespmem:$0x10080] =	vst v63  }
0x63: {  	_ = 	snop  }
0x64: {  	[tilespmem:s17], [sflag:$0x1] =	stream.indirect_vreg.gather [hbm4b:s3+s2], $0x80, v3, vm0, $0xb8;
	[tilespmem:$0x10080] =	vst v63  }
0x65: {  	_ = 	snop  }
0x66: {  	[tilespmem:s18], [sflag:$0x1] =	stream.indirect_vreg.gather [hbm4b:s4+s2], $0x80, v3, vm0, $0xb8;
	[tilespmem:$0x10080] =	vst v63  }
0x67: {  	v3 =	vld [tilespmem:$0x50];
	_ =	sdelay $0x4  }
0x68: {  	v61 =	vshll.u32 v3, $0x2  }
0x69: {  	v3 =	vand.u32 $0x7, v3;
	v4 =	vand.u32 $0xFFFFFFE0, v61  }
0x6a: {  	v3 =	vor.u32 v3, v4  }
0x6b: {  	v4 =	vperm.xlane v3, v0;
	_ =	sdelay $0x1  }
0x6c: {  	v4 =	vadd.s32 v1, v4;
	_ =	sdelay $0x1  }
0x6d: {  	v3 =	vperm.xlane v3, v2;
	_ =	sdelay $0x1  }
0x6e: {  	v3 =	vadd.s32 v1, v3  }
0x6f: {  	[tilespmem:s19], [sflag:$0x1] =	stream.indirect_vreg.gather [hbm4b:s3+s2], $0x80, v4, vm0, $0xb8;
	[tilespmem:$0x10080] =	vst v63  }
0x70: {  	_ = 	snop  }
0x71: {  	[tilespmem:s20], [sflag:$0x1] =	stream.indirect_vreg.gather [hbm4b:s4+s2], $0x80, v4, vm0, $0xb8;
	[tilespmem:$0x10080] =	vst v63  }
0x72: {  	_ = 	snop  }
0x73: {  	[tilespmem:s21], [sflag:$0x1] =	stream.indirect_vreg.gather [hbm4b:s3+s2], $0x80, v3, vm0, $0xb8;
	[tilespmem:$0x10080] =	vst v63  }
0x74: {  	_ = 	snop  }
0x75: {  	[tilespmem:s22], [sflag:$0x1] =	stream.indirect_vreg.gather [hbm4b:s4+s2], $0x80, v3, vm0, $0xb8;
	[tilespmem:$0x10080] =	vst v63  }
0x76: {  	v3 =	vld [tilespmem:$0x60];
	_ =	sdelay $0x4  }
0x77: {  	v62 =	vshll.u32 v3, $0x2  }
0x78: {  	v3 =	vand.u32 $0x7, v3;
	v4 =	vand.u32 $0xFFFFFFE0, v62  }
0x79: {  	v3 =	vor.u32 v3, v4  }
0x7a: {  	v4 =	vperm.xlane v3, v0;
	_ =	sdelay $0x1  }
0x7b: {  	v4 =	vadd.s32 v1, v4;
	_ =	sdelay $0x1  }
0x7c: {  	v3 =	vperm.xlane v3, v2;
	_ =	sdelay $0x1  }
0x7d: {  	v3 =	vadd.s32 v1, v3  }
0x7e: {  	[tilespmem:s23], [sflag:$0x1] =	stream.indirect_vreg.gather [hbm4b:s3+s2], $0x80, v4, vm0, $0xb8;
	[tilespmem:$0x10080] =	vst v63  }
0x7f: {  	_ = 	snop  }
0x80: {  	[tilespmem:s24], [sflag:$0x1] =	stream.indirect_vreg.gather [hbm4b:s4+s2], $0x80, v4, vm0, $0xb8;
	[tilespmem:$0x10080] =	vst v63  }
0x81: {  	_ = 	snop  }
0x82: {  	[tilespmem:s25], [sflag:$0x1] =	stream.indirect_vreg.gather [hbm4b:s3+s2], $0x80, v3, vm0, $0xb8;
	[tilespmem:$0x10080] =	vst v63  }
0x83: {  	_ = 	snop  }
0x84: {  	[tilespmem:s26], [sflag:$0x1] =	stream.indirect_vreg.gather [hbm4b:s4+s2], $0x80, v3, vm0, $0xb8;
	[tilespmem:$0x10080] =	vst v63  }
0x85: {  	v3 =	vld [tilespmem:$0x70];
	_ =	sdelay $0x4  }
0x86: {  	v63 =	vshll.u32 v3, $0x2  }
0x87: {  	v3 =	vand.u32 $0x7, v3;
	v4 =	vand.u32 $0xFFFFFFE0, v63  }
0x88: {  	v3 =	vor.u32 v3, v4  }
0x89: {  	v4 =	vperm.xlane v3, v0;
	_ =	sdelay $0x1  }
0x8a: {  	v4 =	vadd.s32 v1, v4;
	_ =	sdelay $0x1  }
0x8b: {  	v3 =	vperm.xlane v3, v2;
	_ =	sdelay $0x1  }
0x8c: {  	v3 =	vadd.s32 v1, v3  }
0x8d: {  	[tilespmem:s28], [sflag:$0x1] =	stream.indirect_vreg.gather [hbm4b:s3+s2], $0x80, v4, vm0, $0xb8;
	[tilespmem:$0x10080] =	vst v63  }
0x8e: {  	_ = 	snop  }
0x8f: {  	[tilespmem:s29], [sflag:$0x1] =	stream.indirect_vreg.gather [hbm4b:s4+s2], $0x80, v4, vm0, $0xb8;
	[tilespmem:$0x10080] =	vst v63  }
0x90: {  	_ = 	snop  }
0x91: {  	[tilespmem:s30], [sflag:$0x1] =	stream.indirect_vreg.gather [hbm4b:s3+s2], $0x80, v3, vm0, $0xb8;
	[tilespmem:$0x10080] =	vst v63  }
0x92: {  	_ = 	snop  }
0x93: {  	[tilespmem:s31], [sflag:$0x1] =	stream.indirect_vreg.gather [hbm4b:s4+s2], $0x80, v3, vm0, $0xb8;
	[tilespmem:$0x10080] =	vst v63  }
0x94: {  	_ =	swait.ge [sflag:s1], $0x10000  }
0x95: {  	p0 =	sne.s32 s5, $0x1;
	[sflag:s1] =	ssyncset.done $0x0  }
.Ltmp0:
0x96: {  	s8 =	rddreg [dreg:$0x4];
	[sflag:s1] =	ssyncadd.s32 $0xFFFF0000;
	(pc) =	sbr.rel @p0 .LBB2_1-.Ltmp0, $4  }
0x97: {  	[hbm4b:s8+s2] =	stream.linear.scatter [tilespmem:s7], [sflag:$0x2], $0x10000, $0x38;
	[tilespmem:$0x10080] =	vst v63  }
0x98: {  	_ =	swait.ge [sflag:s6], $0x10000  }
0x99: {  	[sflag:s6] =	ssyncset.done $0x0  }
0x9a: {  	s5 =	sadd.s32 $0xFFFFFFFF, s5;
	[sflag:s6] =	ssyncadd.s32 $0xFFFF0000  }
0x9b: {  	_ =	sfence.sel $0x180000  }
0x9c: {  	[bflag:$0x0] =	sbarrier.arrive $0xFFFF  }
0x9d: {  	_ =	strace $0x90000059  }
0x9e: {  	s0 =	stileid.u32;
	[bflag:$0x2] =	sbarrier.arrive $0xFFFF  }
0x9f: {  	p0 =	sne.s32 s0, $0x0;
	s0 =	rddreg [dreg:$0x2]  }
0xa0: {  	s0 =	sadd.s32 @!p0 $0x100000, s0  }
0xa1: {  	[sflag:s0] =	ssyncadd.tile.s32 @!p0 $0x1;
	_ =	shalt  }
.Lfunc_end2:
_tile_overlayer_lowered:
.L_overlay_start_2:
0xa2: {  	(tag) =	ssettag $0x2  }
0xa3: {  	s0 =	rddreg [dreg:$0x0];
	s2 =	stileid.u32  }
0xa4: {  	s1 =	rddreg [dreg:$0x1];
	p0 =	sne.s32 s2, $0x0  }
0xa5: {  	s3 =	rddreg [dreg:$0x2];
	[bflag:$0x3] =	sbarrier.arrive $0xFFFF;
	s2 =	simm.s32 @!p0 $0x1C02  }
0xa6: {  	[timem:s3], [sflag:s2] =	dma.local @!p0 [hbm:s0], s1  }
0xa7: {  	s0 =	simm.s32 @!p0 $0x2  }
0xa8: {  	_ =	swait.ge @!p0 [sflag:s0], s1  }
0xa9: {  	s1 =	ssub.s32 @!p0 $0x0, s1;
	[sflag:s0] =	ssyncset.done @!p0 $0x0  }
0xaa: {  	[sflag:s0] =	ssyncadd.s32 @!p0 s1  }
0xab: {  	[bflag:$0x3] =	sbarrier.arrive $0xFFFF  }
0xac: {  	_ =	shalt  }

// kernel: kernel.8.cloned.1.call-start
scs
__scs_entry_jumppad:
0x0: {  	(pc) =	sbr.rel $0x88, $3  }
0x1: {  	(tag) =	ssettag $0x0;
	lr =	simm.s32 $0x1  }
0x2: {  	[smem:$0x3F96] =	sst lr;
	_ =	strace $0xD0000000  }
0x3: {  	_ = 	snop  }
0x4: {  	_ = 	snop  }
0x5: {  	_ = 	snop  }
0x6: {  	_ = 	snop  }
0x7: {  	_ = 	snop  }
__scs_overlays_trampoline_lowered:
0x8: {  	[smem:$0x3FA5] =	sst s0  }
0x9: {  	[smem:$0x3FA6] =	sst s1  }
0xa: {  	[smem:$0x3FA7] =	sst s2  }
0xb: {  	[smem:$0x3FA8] =	sst s3  }
0xc: {  	[smem:$0x3FA9] =	sst s4  }
0xd: {  	[smem:$0x3FAA] =	sst s5  }
0xe: {  	[smem:$0x3FAB] =	sst s6  }
0xf: {  	[smem:$0x3FAC] =	sst s7  }
0x10: {  	[smem:$0x3FAD] =	sst s8  }
0x11: {  	[smem:$0x3FAE] =	sst s9;
	s0 =	simm.s32 @!p0 $0x0  }
0x12: {  	s1 =	sld [smem:$0x3F94];
	s0 =	simm.s32 @p0 $0x1  }
0x13: {  	[smem:$0x3FAF] =	sst s0;
	s0 =	simm.s32 @!p1 $0x0  }
0x14: {  	s2 =	sld [smem:$0x3F93];
	s0 =	simm.s32 @p1 $0x1  }
0x15: {  	[smem:$0x3FB0] =	sst s0;
	s0 =	simm.s32 @!p2 $0x0  }
0x16: {  	s3 =	sld [smem:$0x3FDB];
	s0 =	simm.s32 @p2 $0x1  }
0x17: {  	s4 =	simm.s32 $0x1BF5;
	[smem:$0x3FB2] =	sst s0  }
0x18: {  	s0 =	sld [smem:$0x3F95];
	_ =	swait.ge [sflag:s4], $0x0  }
0x19: {  	s7 =	sld [smem:$0x3F96]  }
0x1a: {  	s8 =	sadd.s32 $0xFFFFE003, lr  }
0x1b: {  	s9 =	sadd.s32 $0xFFFFFEF7, lr;
	s5 =	simm.s32 $0xFFFFFFFF;
	p2 =	slt.u32 s8, $0xFFFFF086  }
0x1c: {  	p1 =	slt.u32 s9, $0xF7A;
	s5 =	simm.s32 @!p2 $0x0  }
0x1d: {  	s5 =	simm.s32 @p1 $0x1;
	p0 =	seq.s32 s7, s2  }
0x1e: {  	s7 =	smul.u32 @!p0 $0xF7A, s2;
	p2 =	seq.s32 @!p0 s5, $0x0  }
0x1f: {  	s9 =	smul.u32 $0xF7A, s1;
	s8 =	simm.s32 @!p0 $0x1BF5;
	p2 =	por !p2, p0  }
0x20: {  	[sflag:s8] =	ssyncset.s32 @!p0 $0xFFFFF086;
	s6 =	sadd.s32 @!p0 s3, s7;
	s7 =	simm.s32 @!p0 $0x108  }
0x21: {  	s3 =	sadd.s32 s3, s9;
	s6 =	sadd.s32 @!p0 $0x88, s6;
	s7 =	simm.s32 @p2 $0x1082  }
0x22: {  	[simem:s7], [sflag:s8] =	dma.local @!p0 [hbm:s6], $0xF7A  }
0x23: {  	s9 =	sor.u32 $0xD0000000, s2;
	s6 =	simm.s32 $0x108;
	_ =	swait.ge @!p0 [sflag:s8], $0x0  }
0x24: {  	s3 =	sadd.s32 $0x88, s3;
	s6 =	simm.s32 @!p1 $0x1082;
	[sflag:s4] =	ssyncset.s32 $0xFFFFF086  }
0x25: {  	[simem:s6], [sflag:s4] =	dma.local [hbm:s3], $0xF7A  }
0x26: {  	[smem:$0x3F96] =	sst s1;
	(tag) =	ssettag s2;
	_ =	strace s9  }
0x27: {  	s1 =	sld [smem:$0x3FA6]  }
0x28: {  	s2 =	sld [smem:$0x3FA7]  }
0x29: {  	s4 =	sld [smem:$0x3FA9]  }
0x2a: {  	p0 =	seq.s32 s5, $0x0;
	s5 =	sld [smem:$0x3FAA]  }
0x2b: {  	s6 =	sld [smem:$0x3FAB]  }
0x2c: {  	s7 =	sld [smem:$0x3FAC]  }
0x2d: {  	s3 =	simm.s32 $0x108;
	s8 =	sld [smem:$0x3FAD]  }
0x2e: {  	s3 =	simm.s32 @!p0 $0x1082;
	s9 =	sld [smem:$0x3FAE]  }
0x2f: {  	lr =	sadd.s32 s0, s3;
	s0 =	sld [smem:$0x3FA5]  }
0x30: {  	s3 =	sld [smem:$0x3FA8]  }
0x31: {  	[smem:$0x3FB1] =	sst s10  }
0x32: {  	s10 =	sld [smem:$0x3FAF];
	_ =	sdelay $0x3  }
0x33: {  	p0 =	seq.s32 s10, $0x1;
	s10 =	sld [smem:$0x3FB1];
	_ =	sdelay $0x3  }
0x34: {  	[smem:$0x3FB1] =	sst s10  }
0x35: {  	s10 =	sld [smem:$0x3FB0];
	_ =	sdelay $0x3  }
0x36: {  	p1 =	seq.s32 s10, $0x1;
	s10 =	sld [smem:$0x3FB1];
	_ =	sdelay $0x3  }
0x37: {  	[smem:$0x3FB1] =	sst s10  }
0x38: {  	s10 =	sld [smem:$0x3FB2]  }
0x39: {  	_ = 	snop;
	(pc) =	sbr.ind lr, $3  }
0x3a: {  	_ = 	snop  }
0x3b: {  	_ = 	snop  }
0x3c: {  	p2 =	seq.s32 s10, $0x1;
	s10 =	sld [smem:$0x3FB1]  }
0x3d: {  	_ =	shalt  }
0x3e: {  	_ =	shalt  }
0x3f: {  	_ =	shalt  }
0x40: {  	_ =	shalt  }
0x41: {  	_ =	shalt  }
0x42: {  	_ =	shalt  }
0x43: {  	_ =	shalt  }
0x44: {  	_ =	shalt  }
0x45: {  	_ =	shalt  }
0x46: {  	_ =	shalt  }
0x47: {  	_ =	shalt  }
0x48: {  	_ =	shalt  }
0x49: {  	_ =	shalt  }
0x4a: {  	_ =	shalt  }
0x4b: {  	_ =	shalt  }
0x4c: {  	_ =	shalt  }
0x4d: {  	_ =	shalt  }
0x4e: {  	_ =	shalt  }
0x4f: {  	_ =	shalt  }
0x50: {  	_ =	shalt  }
0x51: {  	_ =	shalt  }
0x52: {  	_ =	shalt  }
0x53: {  	_ =	shalt  }
0x54: {  	_ =	shalt  }
0x55: {  	_ =	shalt  }
0x56: {  	_ =	shalt  }
0x57: {  	_ =	shalt  }
0x58: {  	_ =	shalt  }
0x59: {  	_ =	shalt  }
0x5a: {  	_ =	shalt  }
0x5b: {  	_ =	shalt  }
0x5c: {  	_ =	shalt  }
0x5d: {  	_ =	shalt  }
0x5e: {  	_ =	shalt  }
0x5f: {  	_ =	shalt  }
0x60: {  	_ =	shalt  }
0x61: {  	_ =	shalt  }
0x62: {  	_ =	shalt  }
0x63: {  	_ =	shalt  }
0x64: {  	_ =	shalt  }
0x65: {  	_ =	shalt  }
0x66: {  	_ =	shalt  }
0x67: {  	_ =	shalt  }
0x68: {  	_ =	shalt  }
0x69: {  	_ =	shalt  }
0x6a: {  	_ =	shalt  }
0x6b: {  	_ =	shalt  }
0x6c: {  	_ =	shalt  }
0x6d: {  	_ =	shalt  }
0x6e: {  	_ =	shalt  }
0x6f: {  	_ =	shalt  }
0x70: {  	_ =	shalt  }
0x71: {  	_ =	shalt  }
0x72: {  	_ =	shalt  }
0x73: {  	_ =	shalt  }
0x74: {  	_ =	shalt  }
0x75: {  	_ =	shalt  }
0x76: {  	_ =	shalt  }
0x77: {  	_ =	shalt  }
0x78: {  	_ =	shalt  }
0x79: {  	_ =	shalt  }
0x7a: {  	_ =	shalt  }
0x7b: {  	_ =	shalt  }
0x7c: {  	_ =	shalt  }
0x7d: {  	_ =	shalt  }
0x7e: {  	_ =	shalt  }
0x7f: {  	_ =	shalt  }
0x80: {  	_ =	shalt  }
0x81: {  	_ =	shalt  }
0x82: {  	_ =	shalt  }
0x83: {  	_ =	shalt  }
0x84: {  	_ =	shalt  }
0x85: {  	_ =	shalt  }
0x86: {  	_ =	shalt  }
0x87: {  	_ =	shalt  }
.Lfunc_end0:
.L_simem_size_0:
called_computation.3_lowered:
.L_overlay_start_0:
0x88: {  	s2 =	sld [smem:$0x3FD9]  }
0x89: {  	s3 =	sld [smem:$0x3FFE];
	_ =	sdelay $0x1  }
0x8a: {  	s1 =	srdreg.scid  }
0x8b: {  	s0 =	sand.u32 $0x1, s1  }
0x8c: {  	s17 =	sshll.u32 s0, $0xA;
	s2 =	sadd.s32 s3, s2  }
0x8d: {  	s2 =	sadd.s32 s2, s17  }
0x8e: {  	[smem:$0x3FBD] =	sst s2  }
0x8f: {  	_ = 	snop  }
0x90: {  	(tm) =	ssettm $0x1  }
0x91: {  	s18 =	sld [smem:$0x3FFB];
	_ =	sdelay $0x3  }
0x92: {  	_ =	strace s18  }
0x93: {  	s2 =	sld [smem:$0x3FFC];
	_ =	sdelay $0x3  }
0x94: {  	_ =	strace s2  }
0x95: {  	s2 =	sld [smem:$0x3FFD];
	_ =	sdelay $0x3  }
0x96: {  	_ =	strace s2  }
0x97: {  	_ =	strace $0x8FFFFFFF  }
0x98: {  	s19 =	sld [smem:$0x3FDB];
	_ =	sdelay $0x1  }
0x99: {  	s20 =	simm.s32 $_scs_section_size  }
0x9a: {  	s4 =	simm.s32 $_size__tile_overlayer_lowered;
	s5 =	simm.s32 $_tile_overlayer_lowered  }
0x9b: {  	s6 =	simm.s32 $0x1BFF;
	s21 =	sshll.u32 s5, $0x1;
	s3 =	sadd.s32 s20, s19  }
0x9c: {  	s22 =	simm.s32 $0x0;
	s4 =	sshll.u32 s4, $0x1;
	s5 =	sadd.s32 s21, s3  }
0x9d: {  	[timem:s22], [sflag:s6] =	dma.local [hbm:s5], s4  }
0x9e: {  	_ =	swait.ge [sflag:s6], s4  }
0x9f: {  	s4 =	ssub.s32 $0x0, s4;
	[sflag:s6] =	ssyncset.done $0x0  }
0xa0: {  	[sflag:s6] =	ssyncadd.s32 s4;
	_ =	sdelay $0x1  }
0xa1: {  	s23 =	simm.s32 $0x1B8B  }
0xa2: {  	_ =	swait.ge [sflag:s23], $0x1  }
0xa3: {  	[sflag:s23] =	ssyncset.done $0x0  }
0xa4: {  	[sflag:s23] =	ssyncadd.s32 $0xFFFFFFFF  }
0xa5: {  	s4 =	sld [smem:$0x0]  }
0xa6: {  	s5 =	sand.u32 $0xFFFFFFFE, s1  }
0xa7: {  	p0 =	sne.s32 s1, s5  }
0xa8: {  	s5 =	sshll.u32 @p0 s5, $0xE  }
0xa9: {  	s5 =	sadd.s32 @p0 $0x11B8D, s5;
	s6 =	sshll.u32 @p0 s4, $0x11  }
0xaa: {  	s5 =	sor.u32 @p0 s6, s5  }
0xab: {  	[sflag:s5] =	ssyncadd.remote.s32 @p0 $0x1;
	_ =	sdelay $0x1  }
0xac: {  	s5 =	simm.s32 @p0 $0x1B8D  }
0xad: {  	_ =	swait.eq @p0 [sflag:s5], $0x1  }
0xae: {  	[sflag:s5] =	ssyncadd.s32 @p0 $0xFFFFFFFF  }
0xaf: {  	s6 =	sshll.u32 @!p0 s1, $0xE  }
0xb0: {  	s6 =	sor.u32 @!p0 $0x4000, s6;
	s5 =	simm.s32 @!p0 $0x1B8D  }
0xb1: {  	s4 =	sshll.u32 @!p0 s4, $0x11;
	s6 =	sadd.s32 @!p0 $0x11B8D, s6;
	_ =	swait.eq @!p0 [sflag:s5], $0x1  }
0xb2: {  	s4 =	sor.u32 @!p0 s4, s6;
	[sflag:s5] =	ssyncadd.s32 @!p0 $0xFFFFFFFF  }
0xb3: {  	s25 =	simm.s32 $0x1B8E;
	s24 =	sld [smem:$0x3FFE];
	[sflag:s4] =	ssyncadd.remote.s32 @!p0 $0x1  }
0xb4: {  	s26 =	simm.s32 $execute0_lowered;
	[smem:$0x3FD2] =	sst s25  }
0xb5: {  	s5 =	sshll.u32 s26, $0x1;
	_ =	strace $0x8000004C;
	[dreg:$0x1] =	wrdreg $0xFFFFFFFF  }
0xb6: {  	s28 =	simm.s32 $_size_execute0_lowered;
	s3 =	sadd.s32 s3, s5;
	[dreg:$0x0] =	wrdreg $0x0  }
0xb7: {  	s5 =	sshll.u32 s28, $0x1;
	[dreg:$0x2] =	wrdreg s3  }
0xb8: {  	[dreg:$0x3] =	wrdreg s5  }
0xb9: {  	[dreg:$0x4] =	wrdreg $0xC0  }
0xba: {  	_ =	task [dreg:s22], $0x5FFFF  }
0xbb: {  	[dreg:$0x1] =	wrdreg $0xFFFFFFFF  }
0xbc: {  	[dreg:$0x0] =	wrdreg $0x60  }
0xbd: {  	[dreg:$0x2] =	wrdreg s24  }
0xbe: {  	[dreg:$0x3] =	wrdreg $0x9  }
0xbf: {  	_ =	task.clear_ibuf [dreg:s22], $0x4FFFF;
	_ =	strace $0x9000004C  }
0xc0: {  	s29 =	simm.s32 $0x9;
	_ =	strace $0x8000004E  }
0xc1: {  	_ =	swait.ge [sflag:s29], $0x1  }
0xc2: {  	[sflag:s29] =	ssyncadd.s32 $0xFFFFFFFF  }
0xc3: {  	_ =	strace $0x9000004E  }
0xc4: {  	_ =	sfence  }
0xc5: {  	s30 =	sld [smem:$0x0];
	_ =	sdelay $0x2  }
0xc6: {  	s31 =	sshll.u32 s1, $0xD;
	s1 =	sshrl.u32 s1, $0x2  }
0xc7: {  	s4 =	sand.u32 $0x4000, s31;
	s1 =	sadd.s32 s1, s30  }
0xc8: {  	s0 =	sor.u32 s4, s0;
	s1 =	sshll.u32 s1, $0x11  }
0xc9: {  	s0 =	sor.u32 s1, s0  }
0xca: {  	s0 =	sadd.s32 $0x8F2B, s0  }
0xcb: {  	[sflag:s0] =	ssyncadd.remote.s32 $0x1  }
0xcc: {  	_ =	sfence.sel $0xFFFF  }
0xcd: {  	[dreg:$0x0] =	wrdreg $0xFFFFFFFF;
	(pc) =	sbr.abs _section_cstart, $3  }
0xce: {  	[dreg:$0x1] =	wrdreg $0xFFFFFFFF  }
0xcf: {  	_ =	task.clear_ibuf [dreg:s22], $0x2FFFF;
	_ =	strace $0x9FFFFFFF  }
0xd0: {  	(tm) =	ssettm $0x7FFFFFFF  }
0xd1: {  	_ =	shalt  }
tec
execute0_lowered:
.L_overlay_start_1:
0x0: {  	(tag) =	ssettag $0x1  }
0x1: {  	s1 =	srdreg.scid;
	s0 =	stileid.u32  }
0x2: {  	s11 =	sand.u32 $0x1, s1;
	s26 =	sshll.u32 s0, $0x1  }
0x3: {  	s9 =	sor.u32 s11, s26  }
0x4: {  	s10 =	rddreg [dreg:$0x0];
	s12 =	smul.u32 $0xA0, s9  }
0x5: {  	s2 =	simm.s32 $0x0;
	s1 =	rddreg [dreg:$0x1]  }
0x6: {  	[smem:$0x7FF] =	sst s2;
	s13 =	sadd.s32 $0x200, s10;
	s3 =	sshrl.u32 s12, $0x3  }
0x7: {  	_ =	strace $0x8000004D;
	s4 =	sadd.s32 s13, s3;
	s3 =	simm.s32 $0x2  }
0x8: {  	[tilespmem:s2], [sflag:$0x2] =	stream.linear.gather [hbm4b:s4+s2], $0x50, $0x38;
	[tilespmem:$0x2880] =	vst v63  }
0x9: {  	_ =	swait.ge [sflag:s3], $0x50  }
0xa: {  	s6 =	simm.s32 $0x50;
	s7 =	simm.s32 $0x80;
	[sflag:s3] =	ssyncset.done $0x0  }
0xb: {  	s8 =	simm.s32 $0x1;
	s5 =	sadd.s32 $0x2200, s10;
	[sflag:s3] =	ssyncadd.s32 $0xFFFFFFB0  }
0xc: {  	[tilespmem:s7], [sflag:$0x1] =	stream.indirect.gather [hbm4b:s5+s6], $0x80, s2, s6, $0xb8;
	[tilespmem:$0x2880] =	vst v63  }
0xd: {  	s9 =	smul.u32 $0xA00, s9;
	_ =	swait.ge [sflag:s8], $0x2800  }
0xe: {  	s14 =	sadd.s32 $0x12200, s10;
	[sflag:s8] =	ssyncset.done $0x0  }
0xf: {  	s9 =	sadd.s32 s14, s9;
	[sflag:s8] =	ssyncadd.s32 $0xFFFFD800  }
0x10: {  	[hbm4b:s9+s2] =	stream.linear.scatter [tilespmem:s7], [sflag:$0x2], $0x2800, $0x38;
	[tilespmem:$0x2880] =	vst v63  }
0x11: {  	s12 =	sadd.s32 $0x50, s12;
	_ =	swait.ge [sflag:s3], $0x2800  }
0x12: {  	s28 =	sshrl.u32 s12, $0x3;
	[sflag:s3] =	ssyncset.done $0x0  }
0x13: {  	s11 =	ssub.s32 $0x2, s11;
	s10 =	sadd.s32 s13, s28;
	[sflag:s3] =	ssyncadd.s32 $0xFFFFD800  }
0x14: {  	[tilespmem:s2], [sflag:$0x2] =	stream.linear.gather [hbm4b:s10+s2], $0x50, $0x38;
	[tilespmem:$0x2880] =	vst v63  }
0x15: {  	s29 =	sshrl.u32 s11, $0x1;
	_ =	swait.ge [sflag:s3], $0x50  }
0x16: {  	s13 =	ssub.s32 s11, s29;
	[sflag:s3] =	ssyncset.done $0x0  }
0x17: {  	s31 =	smax.u32 s13, $0x1;
	[sflag:s3] =	ssyncadd.s32 $0xFFFFFFB0  }
0x18: {  	[tilespmem:s7], [sflag:$0x1] =	stream.indirect.gather [hbm4b:s5+s6], $0x80, s2, s6, $0xb8;
	[tilespmem:$0x2880] =	vst v63  }
0x19: {  	p0 =	sne.s32 s31, $0x1;
	_ =	swait.ge [sflag:s8], $0x2800  }
.Ltmp0:
0x1a: {  	s30 =	sshll.u32 s12, $0x4;
	[sflag:s8] =	ssyncset.done $0x0;
	(pc) =	sbr.rel @!p0 .LBB2_2-.Ltmp0, $4  }
0x1b: {  	s11 =	sadd.s32 s14, s30;
	[sflag:s8] =	ssyncadd.s32 $0xFFFFD800  }
0x1c: {  	[hbm4b:s11+s2] =	stream.linear.scatter [tilespmem:s7], [sflag:$0x2], $0x2800, $0x38;
	[tilespmem:$0x2880] =	vst v63  }
0x1d: {  	_ =	swait.ge [sflag:s3], $0x2800  }
0x1e: {  	s12 =	sadd.s32 $0xFFFFFFFF, s31;
	[sflag:s3] =	ssyncset.done $0x0  }
.LBB2_1:
0x1f: {  	p0 =	sne.s32 s12, $0x1;
	s12 =	sadd.s32 $0xFFFFFFFF, s12;
	[sflag:s3] =	ssyncadd.s32 $0xFFFFD800  }
0x20: {  	[tilespmem:s2], [sflag:$0x2] =	stream.linear.gather [hbm4b:s4+s2], $0x50, $0x38;
	[tilespmem:$0x2880] =	vst v63  }
0x21: {  	_ =	swait.ge [sflag:s3], $0x50  }
0x22: {  	[sflag:s3] =	ssyncset.done $0x0  }
0x23: {  	[sflag:s3] =	ssyncadd.s32 $0xFFFFFFB0  }
0x24: {  	[tilespmem:s7], [sflag:$0x1] =	stream.indirect.gather [hbm4b:s5+s6], $0x80, s2, s6, $0xb8;
	[tilespmem:$0x2880] =	vst v63  }
0x25: {  	_ =	swait.ge [sflag:s8], $0x2800  }
0x26: {  	[sflag:s8] =	ssyncset.done $0x0  }
0x27: {  	[sflag:s8] =	ssyncadd.s32 $0xFFFFD800  }
0x28: {  	[hbm4b:s9+s2] =	stream.linear.scatter [tilespmem:s7], [sflag:$0x2], $0x2800, $0x38;
	[tilespmem:$0x2880] =	vst v63  }
0x29: {  	_ =	swait.ge [sflag:s3], $0x2800  }
0x2a: {  	[sflag:s3] =	ssyncset.done $0x0  }
0x2b: {  	[sflag:s3] =	ssyncadd.s32 $0xFFFFD800  }
0x2c: {  	[tilespmem:s2], [sflag:$0x2] =	stream.linear.gather [hbm4b:s10+s2], $0x50, $0x38;
	[tilespmem:$0x2880] =	vst v63  }
0x2d: {  	_ =	swait.ge [sflag:s3], $0x50  }
0x2e: {  	[sflag:s3] =	ssyncset.done $0x0  }
0x2f: {  	[sflag:s3] =	ssyncadd.s32 $0xFFFFFFB0  }
0x30: {  	[tilespmem:s7], [sflag:$0x1] =	stream.indirect.gather [hbm4b:s5+s6], $0x80, s2, s6, $0xb8;
	[tilespmem:$0x2880] =	vst v63  }
0x31: {  	_ =	swait.ge [sflag:s8], $0x2800  }
.Ltmp1:
0x32: {  	[sflag:s8] =	ssyncset.done $0x0;
	(pc) =	sbr.rel @p0 .LBB2_1-.Ltmp1, $4  }
0x33: {  	[sflag:s8] =	ssyncadd.s32 $0xFFFFD800  }
0x34: {  	[hbm4b:s11+s2] =	stream.linear.scatter [tilespmem:s7], [sflag:$0x2], $0x2800, $0x38;
	[tilespmem:$0x2880] =	vst v63  }
0x35: {  	_ =	swait.ge [sflag:s3], $0x2800  }
0x36: {  	[sflag:s3] =	ssyncset.done $0x0  }
.LBB2_2:
0x37: {  	[sflag:s3] =	ssyncadd.s32 $0xFFFFD800  }
0x38: {  	_ =	sfence.sel $0x180000  }
0x39: {  	[bflag:$0x0] =	sbarrier.arrive $0xFFFF  }
0x3a: {  	p0 =	sne.s32 s0, $0x0;
	_ =	strace $0x9000004D  }
0x3b: {  	s0 =	sadd.s32 @!p0 $0x100000, s1;
	[bflag:$0x2] =	sbarrier.arrive $0xFFFF  }
0x3c: {  	[sflag:s0] =	ssyncadd.tile.s32 @!p0 $0x1;
	_ =	shalt  }
.Lfunc_end2:
_tile_overlayer_lowered:
.L_overlay_start_2:
0x3d: {  	(tag) =	ssettag $0x2  }
0x3e: {  	s0 =	rddreg [dreg:$0x0];
	s2 =	stileid.u32  }
0x3f: {  	s1 =	rddreg [dreg:$0x1];
	p0 =	sne.s32 s2, $0x0  }
0x40: {  	s3 =	rddreg [dreg:$0x2];
	[bflag:$0x3] =	sbarrier.arrive $0xFFFF;
	s2 =	simm.s32 @!p0 $0x1C02  }
0x41: {  	[timem:s3], [sflag:s2] =	dma.local @!p0 [hbm:s0], s1  }
0x42: {  	s0 =	simm.s32 @!p0 $0x2  }
0x43: {  	_ =	swait.ge @!p0 [sflag:s0], s1  }
0x44: {  	s1 =	ssub.s32 @!p0 $0x0, s1;
	[sflag:s0] =	ssyncset.done @!p0 $0x0  }
0x45: {  	[sflag:s0] =	ssyncadd.s32 @!p0 s1  }
0x46: {  	[bflag:$0x3] =	sbarrier.arrive $0xFFFF  }
0x47: {  	_ =	shalt  }

</sc_bundles>
